<compile_context>
chip_gen: v7x
topology: tpu7x:2x2x1
jax: 0.10.2.dev20260603
libtpu: 0.0.44.dev20260713+nightly
codegen_flags: <defaults>
</compile_context>

<pallas_src>
import jax
import jax.numpy as jnp
from jax import lax
from jax.experimental import pallas as pl
from jax.experimental.pallas import tpu as pltpu
from jax.experimental.pallas import tpu_sc as plsc

B = 16384
V = 5
C = 5
NC = 2
NS = 16
L = 16
NW = NC * NS
ROWS_PER_TILE = B // NW
VECS_PER_TILE = ROWS_PER_TILE // L
OUT_PER_TILE = ROWS_PER_TILE * C

_LN2 = 0.6931471805599453
_MAGIC = 0x3F3504F3

_DNUMS = lax.GatherDimensionNumbers(
    offset_dims=(), collapsed_slice_dims=(0,), start_index_map=(0,))


def _dyng(tab, idx):
    return lax.gather(tab, idx[:, None], _DNUMS, (1,),
                      mode=lax.GatherScatterMode.PROMISE_IN_BOUNDS)


def _vlog(x):
    xi = plsc.bitcast(x, jnp.int32)
    e = lax.shift_right_arithmetic(xi - _MAGIC, 23)
    m = plsc.bitcast(xi - lax.shift_left(e, 23), jnp.float32)
    z = (m - 1.0) / (m + 1.0)
    z2 = z * z
    return e.astype(jnp.float32) * _LN2 + z * (2.0 + z2 * (0.66666667 + z2 * 0.4))


def _body(w_hbm, vt_hbm, af_hbm, out_hbm, vt_v, af_v, w_v, out_v,
          sem_io, sem_w):
    wid = lax.axis_index("s") * NC + lax.axis_index("c")
    base = wid * ROWS_PER_TILE
    cp1 = pltpu.async_copy(vt_hbm.at[pl.ds(base, ROWS_PER_TILE)], vt_v, sem_io)
    cp2 = pltpu.async_copy(af_hbm.at[pl.ds(base, ROWS_PER_TILE)], af_v, sem_io)
    cp3 = pltpu.async_copy(w_hbm, w_v, sem_w)
    cp3.wait()

    lane = lax.iota(jnp.int32, L)
    vidx = jnp.minimum(lane, V - 1) * C
    at = plsc.load_gather(w_v, [vidx])
    rt = plsc.load_gather(w_v, [vidx + 1])
    r2t = plsc.load_gather(w_v, [vidx + 4])
    mt = jnp.maximum(jnp.maximum(at, rt), jnp.maximum(r2t, 0.0))
    emt = jnp.exp(0.0 - mt)
    et = jnp.exp(at - mt) + jnp.exp(rt - mt) + emt + jnp.exp(r2t - mt)

    cp1.wait()
    cp2.wait()

    c0 = jnp.zeros((L,), jnp.int32)
    c1 = c0 + 1
    c2 = c0 + 2
    c3 = c0 + 3
    c4 = c0 + 4

    def step(i, carry):
        v16 = vt_v[pl.ds(i * L, L)]
        af = af_v[pl.ds(i * L, L)]
        a = _dyng(at, v16)
        r = _dyng(rt, v16)
        r2 = _dyng(r2t, v16)
        m = _dyng(mt, v16)
        em = _dyng(emt, v16)
        e = _dyng(et, v16)
        p = af * (2.0 - af)
        g = _vlog(p)
        s = e + p * em
        nrm = m + _vlog(s)
        row = lane + i * L
        plsc.store_scatter(out_v, [row, c0], a - nrm)
        plsc.store_scatter(out_v, [row, c1], r - nrm)
        plsc.store_scatter(out_v, [row, c2], 0.0 - nrm)
        plsc.store_scatter(out_v, [row, c3], g - nrm)
        plsc.store_scatter(out_v, [row, c4], r2 - nrm)
        return carry

    H = ROWS_PER_TILE // 2
    lax.fori_loop(0, VECS_PER_TILE // 2, step, 0, unroll=8)
    cpo1 = pltpu.async_copy(out_v.at[pl.ds(0, H), :],
                            out_hbm.at[pl.ds(base, H), :], sem_w)
    lax.fori_loop(VECS_PER_TILE // 2, VECS_PER_TILE, step, 0, unroll=8)
    cpo2 = pltpu.async_copy(out_v.at[pl.ds(H, H), :],
                            out_hbm.at[pl.ds(base + H, H), :], sem_io)
    cpo1.wait()
    cpo2.wait()


@jax.jit
def _posterior_priors_sc(w, vt, af):
    mesh = plsc.VectorSubcoreMesh(core_axis_name="c", subcore_axis_name="s",
                                  num_cores=NC, num_subcores=NS)
    return pl.kernel(
        _body,
        out_type=jax.ShapeDtypeStruct((B, C), jnp.float32),
        mesh=mesh,
        scratch_types=[
            pltpu.VMEM((ROWS_PER_TILE,), jnp.int32),
            pltpu.VMEM((ROWS_PER_TILE,), jnp.float32),
            pltpu.VMEM((V * C,), jnp.float32),
            pltpu.VMEM((ROWS_PER_TILE, C), jnp.float32),
            pltpu.SemaphoreType.DMA,
            pltpu.SemaphoreType.DMA,
        ],
        compiler_params=pltpu.CompilerParams(
            needs_layout_passes=False,
            disable_bounds_checks=True,
            disable_semaphore_checks=True,
            skip_device_barrier=True,
        ),
    )(w.reshape(V * C), vt, af)


def kernel(variant_types_b, allele_frequencies_1d, unnormalized_priors_vc):
    return _posterior_priors_sc(unnormalized_priors_vc, variant_types_b,
                                allele_frequencies_1d)

# --- scband reference (transcript-rebuilt; emitter-appended) ---
"""Pipeline reference for scband-posterior-model-priors-89541478187050 (READ-ONLY COPY).

The authoritative reference and input builder live on the scoring server;
editing this copy changes nothing except your own understanding.
"""

import jax, jax.numpy as jnp
import numpy as np

B = 16384
V = 5  # len(Variation): SNV, INSERTION, DELETION, BIG_INSERTION, BIG_DELETION
C = 5  # len(Call): SOMATIC=0, ARTIFACT=1, SEQ_ERROR=2, GERMLINE=3, NORMAL_ARTIFACT=4
VARIANT_LOG_PRIOR = -11.5
ARTIFACT_LOG_PRIOR = -9.2
NO_GERMLINE_MODE = False

SOMATIC, ARTIFACT, SEQ_ERROR, GERMLINE, NORMAL_ARTIFACT = 0, 1, 2, 3, 4


def setup_inputs(seed: int = 0) -> dict:
    key = jax.random.key(seed)
    k1, k2 = jax.random.split(key)
    variant_types_b = jax.random.randint(k1, (B,), 0, V, dtype=jnp.int32)
    allele_frequencies_1d = jax.random.uniform(k2, (B,), dtype=jnp.float32, minval=1e-4, maxval=1.0)
    # Learned parameter: _unnormalized_priors_vc initialized per __init__
    W = jnp.ones((V, C), dtype=jnp.float32)
    W = W.at[:, SOMATIC].set(VARIANT_LOG_PRIOR)
    W = W.at[:, ARTIFACT].set(ARTIFACT_LOG_PRIOR)
    W = W.at[:, SEQ_ERROR].set(0.0)
    W = W.at[:, GERMLINE].set(-9999.0 if NO_GERMLINE_MODE else 0.0)
    W = W.at[:, NORMAL_ARTIFACT].set(ARTIFACT_LOG_PRIOR)
    return {
        "variant_types_b": variant_types_b,
        "allele_frequencies_1d": allele_frequencies_1d,
        "unnormalized_priors_vc": W,
    }


def reference(variant_types_b, allele_frequencies_1d, unnormalized_priors_vc):
    # gather rows of the prior table by variant type (embedding lookup)
    unnormalized_priors_bc = jnp.take(unnormalized_priors_vc, variant_types_b, axis=0)
    unnormalized_priors_bc = unnormalized_priors_bc.at[:, SEQ_ERROR].set(0.0)
    if NO_GERMLINE_MODE:
        germline_col = jnp.full((B,), -9999.0, dtype=jnp.float32)
    else:
        germline_col = jnp.log(1.0 - jnp.square(1.0 - allele_frequencies_1d))
    unnormalized_priors_bc = unnormalized_priors_bc.at[:, GERMLINE].set(germline_col)
    return jax.nn.log_softmax(unnormalized_priors_bc, axis=-1)

if __name__ == "__main__":
    import jax
    _d = setup_inputs()
    print(jax.jit(kernel)(*tuple(_d.values())))

</pallas_src>

<mosaic_0001>
#map = affine_map<(d0, d1) -> (0)>
#map1 = affine_map<(d0, d1) -> (0, 0)>
module attributes {stable_mosaic.version = 14 : i64} {
  func.func @_body(%arg0: i32, %arg1: i32, %arg2: memref<25xf32, #tpu.memory_space<hbm>>, %arg3: memref<16384xi32, #tpu.memory_space<hbm>>, %arg4: memref<16384xf32, #tpu.memory_space<hbm>>, %arg5: memref<16384x5xf32, #tpu.memory_space<hbm>>, %arg6: memref<512xi32, #tpu.memory_space<vmem>>, %arg7: memref<512xf32, #tpu.memory_space<vmem>>, %arg8: memref<25xf32, #tpu.memory_space<vmem>>, %arg9: memref<512x5xf32, #tpu.memory_space<vmem>>, %arg10: memref<!tpu.dma_semaphore, #tpu.memory_space<semaphore_mem>>, %arg11: memref<!tpu.dma_semaphore, #tpu.memory_space<semaphore_mem>>) attributes {dimension_semantics = [#tpu.dimension_semantics<core_parallel>, #tpu.dimension_semantics<subcore_parallel>], iteration_bounds = array<i64: 2, 16>, scalar_prefetch = 0 : i64, scratch_operands = 6 : i64, tpu.core_type = #tpu.core_type<sc_vector_subcore>, window_params = [{transform_indices = #map}, {transform_indices = #map}, {transform_indices = #map}, {transform_indices = #map1}]} {
    %mul3A = arith.constant 2 : i32
    %mul3A_0 = arith.muli %arg1, %mul3A : i32
    %add3A = arith.addi %mul3A_0, %arg0 : i32
    %mul3A_1 = arith.constant 512 : i32
    %mul3A_2 = arith.muli %add3A, %mul3A_1 : i32
    %dma_start3A = tpu.memref_slice %arg3[%mul3A_2] : memref<16384xi32, #tpu.memory_space<hbm>> -> memref<512xi32, #tpu.memory_space<hbm>>
    %dma_start3A_3 = tpu.memref_slice %arg3[%mul3A_2] : memref<16384xi32, #tpu.memory_space<hbm>> -> memref<512xi32, #tpu.memory_space<hbm>>
    tpu.enqueue_dma source(%dma_start3A_3 : memref<512xi32, #tpu.memory_space<hbm>>) target(%arg6 : memref<512xi32, #tpu.memory_space<vmem>>) target_semaphore(%arg10 : memref<!tpu.dma_semaphore, #tpu.memory_space<semaphore_mem>>)
    %dma_start3A_4 = tpu.memref_slice %arg4[%mul3A_2] : memref<16384xf32, #tpu.memory_space<hbm>> -> memref<512xf32, #tpu.memory_space<hbm>>
    %dma_start3A_5 = tpu.memref_slice %arg4[%mul3A_2] : memref<16384xf32, #tpu.memory_space<hbm>> -> memref<512xf32, #tpu.memory_space<hbm>>
    tpu.enqueue_dma source(%dma_start3A_5 : memref<512xf32, #tpu.memory_space<hbm>>) target(%arg7 : memref<512xf32, #tpu.memory_space<vmem>>) target_semaphore(%arg10 : memref<!tpu.dma_semaphore, #tpu.memory_space<semaphore_mem>>)
    tpu.enqueue_dma source(%arg2 : memref<25xf32, #tpu.memory_space<hbm>>) target(%arg8 : memref<25xf32, #tpu.memory_space<vmem>>) target_semaphore(%arg11 : memref<!tpu.dma_semaphore, #tpu.memory_space<semaphore_mem>>)
    tpu.wait_dma2 semaphore(%arg11 : memref<!tpu.dma_semaphore, #tpu.memory_space<semaphore_mem>>) src(%arg2 : memref<25xf32, #tpu.memory_space<hbm>>) dst(%arg8 : memref<25xf32, #tpu.memory_space<vmem>>)
    %iota3A = tpu.iota {dimensions = array<i32: 0>} : vector<16xi32>
    %min3A = arith.constant 4 : i32
    %min3A_6 = vector.broadcast %min3A : i32 to vector<16xi32>
    %min3A_7 = arith.minsi %iota3A, %min3A_6 : vector<16xi32>
    %mul3A_8 = arith.constant 5 : i32
    %mul3A_9 = vector.broadcast %mul3A_8 : i32 to vector<16xi32>
    %mul3A_10 = arith.muli %min3A_7, %mul3A_9 : vector<16xi32>
    %gather3A = tpu.vector_load_idx %arg8[%mul3A_10] : memref<25xf32, #tpu.memory_space<vmem>>[vector<16xi32>], vector<16xf32>,
    %add3A_11 = arith.constant 1 : i32
    %add3A_12 = vector.broadcast %add3A_11 : i32 to vector<16xi32>
    %add3A_13 = arith.addi %mul3A_10, %add3A_12 : vector<16xi32>
    %gather3A_14 = tpu.vector_load_idx %arg8[%add3A_13] : memref<25xf32, #tpu.memory_space<vmem>>[vector<16xi32>], vector<16xf32>,
    %add3A_15 = arith.constant 4 : i32
    %add3A_16 = vector.broadcast %add3A_15 : i32 to vector<16xi32>
    %add3A_17 = arith.addi %mul3A_10, %add3A_16 : vector<16xi32>
    %gather3A_18 = tpu.vector_load_idx %arg8[%add3A_17] : memref<25xf32, #tpu.memory_space<vmem>>[vector<16xi32>], vector<16xf32>,
    %max3A = arith.maximumf %gather3A, %gather3A_14 : vector<16xf32>
    %max3A_19 = arith.constant 0.000000e+00 : f32
    %max3A_20 = vector.broadcast %max3A_19 : f32 to vector<16xf32>
    %max3A_21 = arith.maximumf %gather3A_18, %max3A_20 : vector<16xf32>
    %max3A_22 = arith.maximumf %max3A, %max3A_21 : vector<16xf32>
    %sub3A = arith.constant 0.000000e+00 : f32
    %sub3A_23 = vector.broadcast %sub3A : f32 to vector<16xf32>
    %sub3A_24 = arith.subf %sub3A_23, %max3A_22 : vector<16xf32>
    %exp3A = math.exp %sub3A_24 : vector<16xf32>
    %sub3A_25 = arith.subf %gather3A, %max3A_22 : vector<16xf32>
    %exp3A_26 = math.exp %sub3A_25 : vector<16xf32>
    %sub3A_27 = arith.subf %gather3A_14, %max3A_22 : vector<16xf32>
    %exp3A_28 = math.exp %sub3A_27 : vector<16xf32>
    %add3A_29 = arith.addf %exp3A_26, %exp3A_28 : vector<16xf32>
    %add3A_30 = arith.addf %add3A_29, %exp3A : vector<16xf32>
    %sub3A_31 = arith.subf %gather3A_18, %max3A_22 : vector<16xf32>
    %exp3A_32 = math.exp %sub3A_31 : vector<16xf32>
    %add3A_33 = arith.addf %add3A_30, %exp3A_32 : vector<16xf32>
    %dma_wait3A = tpu.memref_slice %arg3[%mul3A_2] : memref<16384xi32, #tpu.memory_space<hbm>> -> memref<512xi32, #tpu.memory_space<hbm>>
    %dma_wait3A_34 = tpu.memref_slice %arg3[%mul3A_2] : memref<16384xi32, #tpu.memory_space<hbm>> -> memref<512xi32, #tpu.memory_space<hbm>>
    tpu.wait_dma2 semaphore(%arg10 : memref<!tpu.dma_semaphore, #tpu.memory_space<semaphore_mem>>) src(%dma_wait3A_34 : memref<512xi32, #tpu.memory_space<hbm>>) dst(%arg6 : memref<512xi32, #tpu.memory_space<vmem>>)
    %dma_wait3A_35 = tpu.memref_slice %arg4[%mul3A_2] : memref<16384xf32, #tpu.memory_space<hbm>> -> memref<512xf32, #tpu.memory_space<hbm>>
    %dma_wait3A_36 = tpu.memref_slice %arg4[%mul3A_2] : memref<16384xf32, #tpu.memory_space<hbm>> -> memref<512xf32, #tpu.memory_space<hbm>>
    tpu.wait_dma2 semaphore(%arg10 : memref<!tpu.dma_semaphore, #tpu.memory_space<semaphore_mem>>) src(%dma_wait3A_36 : memref<512xf32, #tpu.memory_space<hbm>>) dst(%arg7 : memref<512xf32, #tpu.memory_space<vmem>>)
    %broadcast_in_dim3A = arith.constant 0 : i32
    %broadcast_in_dim3A_37 = vector.broadcast %broadcast_in_dim3A : i32 to vector<16xi32>
    %add3A_38 = arith.constant 1 : i32
    %add3A_39 = vector.broadcast %add3A_38 : i32 to vector<16xi32>
    %add3A_40 = arith.addi %broadcast_in_dim3A_37, %add3A_39 : vector<16xi32>
    %add3A_41 = arith.constant 2 : i32
    %add3A_42 = vector.broadcast %add3A_41 : i32 to vector<16xi32>
    %add3A_43 = arith.addi %broadcast_in_dim3A_37, %add3A_42 : vector<16xi32>
    %add3A_44 = arith.constant 3 : i32
    %add3A_45 = vector.broadcast %add3A_44 : i32 to vector<16xi32>
    %add3A_46 = arith.addi %broadcast_in_dim3A_37, %add3A_45 : vector<16xi32>
    %add3A_47 = arith.constant 4 : i32
    %add3A_48 = vector.broadcast %add3A_47 : i32 to vector<16xi32>
    %add3A_49 = arith.addi %broadcast_in_dim3A_37, %add3A_48 : vector<16xi32>
    %scan3A = arith.constant 0 : i32
    %scan3A_50 = arith.constant 0 : i32
    %scan3A_51 = arith.constant 16 : i32
    %scan3A_52 = arith.addi %scan3A_50, %scan3A_51 : i32
    %scan3A_53 = arith.constant 8 : i32
    scf.for %scan3A_103 = %scan3A_50 to %scan3A_52 step %scan3A_53  : i32 {
      %mul3A_104 = arith.constant 16 : i32
      %mul3A_105 = arith.muli %scan3A_103, %mul3A_104 : i32
      %get3A = arith.index_cast %mul3A_105 : i32 to index
      %get3A_106 = tpu.vector_load %arg6[%get3A] {strides = array<i32>} : memref<512xi32, #tpu.memory_space<vmem>>, vector<16xi32>,
      %mul3A_107 = arith.constant 16 : i32
      %mul3A_108 = arith.muli %scan3A_103, %mul3A_107 : i32
      %get3A_109 = arith.index_cast %mul3A_108 : i32 to index
      %get3A_110 = tpu.vector_load %arg7[%get3A_109] {strides = array<i32>} : memref<512xf32, #tpu.memory_space<vmem>>, vector<16xf32>,
      %broadcast_in_dim3A_111 = vector.shape_cast %get3A_106 : vector<16xi32> to vector<16x1xi32>
      %gather3A_112 = vector.shape_cast %broadcast_in_dim3A_111 : vector<16x1xi32> to vector<16xi32>
      %gather3A_113 = tpu.dynamic_gather %gather3A[%gather3A_112] in [0] : vector<16xf32>, vector<16xi32> -> vector<16xf32>
      %broadcast_in_dim3A_114 = vector.shape_cast %get3A_106 : vector<16xi32> to vector<16x1xi32>
      %gather3A_115 = vector.shape_cast %broadcast_in_dim3A_114 : vector<16x1xi32> to vector<16xi32>
      %gather3A_116 = tpu.dynamic_gather %gather3A_14[%gather3A_115] in [0] : vector<16xf32>, vector<16xi32> -> vector<16xf32>
      %broadcast_in_dim3A_117 = vector.shape_cast %get3A_106 : vector<16xi32> to vector<16x1xi32>
      %gather3A_118 = vector.shape_cast %broadcast_in_dim3A_117 : vector<16x1xi32> to vector<16xi32>
      %gather3A_119 = tpu.dynamic_gather %gather3A_18[%gather3A_118] in [0] : vector<16xf32>, vector<16xi32> -> vector<16xf32>
      %broadcast_in_dim3A_120 = vector.shape_cast %get3A_106 : vector<16xi32> to vector<16x1xi32>
      %gather3A_121 = vector.shape_cast %broadcast_in_dim3A_120 : vector<16x1xi32> to vector<16xi32>
      %gather3A_122 = tpu.dynamic_gather %max3A_22[%gather3A_121] in [0] : vector<16xf32>, vector<16xi32> -> vector<16xf32>
      %broadcast_in_dim3A_123 = vector.shape_cast %get3A_106 : vector<16xi32> to vector<16x1xi32>
      %gather3A_124 = vector.shape_cast %broadcast_in_dim3A_123 : vector<16x1xi32> to vector<16xi32>
      %gather3A_125 = tpu.dynamic_gather %exp3A[%gather3A_124] in [0] : vector<16xf32>, vector<16xi32> -> vector<16xf32>
      %broadcast_in_dim3A_126 = vector.shape_cast %get3A_106 : vector<16xi32> to vector<16x1xi32>
      %gather3A_127 = vector.shape_cast %broadcast_in_dim3A_126 : vector<16x1xi32> to vector<16xi32>
      %gather3A_128 = tpu.dynamic_gather %add3A_33[%gather3A_127] in [0] : vector<16xf32>, vector<16xi32> -> vector<16xf32>
      %sub3A_129 = arith.constant 2.000000e+00 : f32
      %sub3A_130 = vector.broadcast %sub3A_129 : f32 to vector<16xf32>
      %sub3A_131 = arith.subf %sub3A_130, %get3A_110 : vector<16xf32>
      %mul3A_132 = arith.mulf %get3A_110, %sub3A_131 : vector<16xf32>
      %bitcast3A = vector.bitcast %mul3A_132 : vector<16xf32> to vector<16xi32>
      %sub3A_133 = arith.constant 1060439283 : i32
      %sub3A_134 = vector.broadcast %sub3A_133 : i32 to vector<16xi32>
      %sub3A_135 = arith.subi %bitcast3A, %sub3A_134 : vector<16xi32>
      %shift_right_arithmetic3A = arith.constant 23 : i32
      %shift_right_arithmetic3A_136 = vector.broadcast %shift_right_arithmetic3A : i32 to vector<16xi32>
      %shift_right_arithmetic3A_137 = arith.shrsi %sub3A_135, %shift_right_arithmetic3A_136 : vector<16xi32>
      %shift_left3A = arith.constant 23 : i32
      %shift_left3A_138 = vector.broadcast %shift_left3A : i32 to vector<16xi32>
      %shift_left3A_139 = arith.shli %shift_right_arithmetic3A_137, %shift_left3A_138 : vector<16xi32>
      %sub3A_140 = arith.subi %bitcast3A, %shift_left3A_139 : vector<16xi32>
      %bitcast3A_141 = vector.bitcast %sub3A_140 : vector<16xi32> to vector<16xf32>
      %sub3A_142 = arith.constant 1.000000e+00 : f32
      %sub3A_143 = vector.broadcast %sub3A_142 : f32 to vector<16xf32>
      %sub3A_144 = arith.subf %bitcast3A_141, %sub3A_143 : vector<16xf32>
      %add3A_145 = arith.constant 1.000000e+00 : f32
      %add3A_146 = vector.broadcast %add3A_145 : f32 to vector<16xf32>
      %add3A_147 = arith.addf %bitcast3A_141, %add3A_146 : vector<16xf32>
      %div3A = arith.divf %sub3A_144, %add3A_147 : vector<16xf32>
      %mul3A_148 = arith.mulf %div3A, %div3A : vector<16xf32>
      %convert_element_type3A = arith.sitofp %shift_right_arithmetic3A_137 : vector<16xi32> to vector<16xf32>
      %mul3A_149 = arith.constant 0.693147182 : f32
      %mul3A_150 = vector.broadcast %mul3A_149 : f32 to vector<16xf32>
      %mul3A_151 = arith.mulf %convert_element_type3A, %mul3A_150 : vector<16xf32>
      %mul3A_152 = arith.constant 4.000000e-01 : f32
      %mul3A_153 = vector.broadcast %mul3A_152 : f32 to vector<16xf32>
      %mul3A_154 = arith.mulf %mul3A_148, %mul3A_153 : vector<16xf32>
      %add3A_155 = arith.constant 0.666666686 : f32
      %add3A_156 = vector.broadcast %add3A_155 : f32 to vector<16xf32>
      %add3A_157 = arith.addf %add3A_156, %mul3A_154 : vector<16xf32>
      %mul3A_158 = arith.mulf %mul3A_148, %add3A_157 : vector<16xf32>
      %add3A_159 = arith.constant 2.000000e+00 : f32
      %add3A_160 = vector.broadcast %add3A_159 : f32 to vector<16xf32>
      %add3A_161 = arith.addf %add3A_160, %mul3A_158 : vector<16xf32>
      %mul3A_162 = arith.mulf %div3A, %add3A_161 : vector<16xf32>
      %add3A_163 = arith.addf %mul3A_151, %mul3A_162 : vector<16xf32>
      %mul3A_164 = arith.mulf %mul3A_132, %gather3A_125 : vector<16xf32>
      %add3A_165 = arith.addf %gather3A_128, %mul3A_164 : vector<16xf32>
      %bitcast3A_166 = vector.bitcast %add3A_165 : vector<16xf32> to vector<16xi32>
      %sub3A_167 = arith.constant 1060439283 : i32
      %sub3A_168 = vector.broadcast %sub3A_167 : i32 to vector<16xi32>
      %sub3A_169 = arith.subi %bitcast3A_166, %sub3A_168 : vector<16xi32>
      %shift_right_arithmetic3A_170 = arith.constant 23 : i32
      %shift_right_arithmetic3A_171 = vector.broadcast %shift_right_arithmetic3A_170 : i32 to vector<16xi32>
      %shift_right_arithmetic3A_172 = arith.shrsi %sub3A_169, %shift_right_arithmetic3A_171 : vector<16xi32>
      %shift_left3A_173 = arith.constant 23 : i32
      %shift_left3A_174 = vector.broadcast %shift_left3A_173 : i32 to vector<16xi32>
      %shift_left3A_175 = arith.shli %shift_right_arithmetic3A_172, %shift_left3A_174 : vector<16xi32>
      %sub3A_176 = arith.subi %bitcast3A_166, %shift_left3A_175 : vector<16xi32>
      %bitcast3A_177 = vector.bitcast %sub3A_176 : vector<16xi32> to vector<16xf32>
      %sub3A_178 = arith.constant 1.000000e+00 : f32
      %sub3A_179 = vector.broadcast %sub3A_178 : f32 to vector<16xf32>
      %sub3A_180 = arith.subf %bitcast3A_177, %sub3A_179 : vector<16xf32>
      %add3A_181 = arith.constant 1.000000e+00 : f32
      %add3A_182 = vector.broadcast %add3A_181 : f32 to vector<16xf32>
      %add3A_183 = arith.addf %bitcast3A_177, %add3A_182 : vector<16xf32>
      %div3A_184 = arith.divf %sub3A_180, %add3A_183 : vector<16xf32>
      %mul3A_185 = arith.mulf %div3A_184, %div3A_184 : vector<16xf32>
      %convert_element_type3A_186 = arith.sitofp %shift_right_arithmetic3A_172 : vector<16xi32> to vector<16xf32>
      %mul3A_187 = arith.constant 0.693147182 : f32
      %mul3A_188 = vector.broadcast %mul3A_187 : f32 to vector<16xf32>
      %mul3A_189 = arith.mulf %convert_element_type3A_186, %mul3A_188 : vector<16xf32>
      %mul3A_190 = arith.constant 4.000000e-01 : f32
      %mul3A_191 = vector.broadcast %mul3A_190 : f32 to vector<16xf32>
      %mul3A_192 = arith.mulf %mul3A_185, %mul3A_191 : vector<16xf32>
      %add3A_193 = arith.constant 0.666666686 : f32
      %add3A_194 = vector.broadcast %add3A_193 : f32 to vector<16xf32>
      %add3A_195 = arith.addf %add3A_194, %mul3A_192 : vector<16xf32>
      %mul3A_196 = arith.mulf %mul3A_185, %add3A_195 : vector<16xf32>
      %add3A_197 = arith.constant 2.000000e+00 : f32
      %add3A_198 = vector.broadcast %add3A_197 : f32 to vector<16xf32>
      %add3A_199 = arith.addf %add3A_198, %mul3A_196 : vector<16xf32>
      %mul3A_200 = arith.mulf %div3A_184, %add3A_199 : vector<16xf32>
      %add3A_201 = arith.addf %mul3A_189, %mul3A_200 : vector<16xf32>
      %add3A_202 = arith.addf %gather3A_122, %add3A_201 : vector<16xf32>
      %mul3A_203 = arith.constant 16 : i32
      %mul3A_204 = arith.muli %scan3A_103, %mul3A_203 : i32
      %add3A_205 = vector.broadcast %mul3A_204 : i32 to vector<16xi32>
      %add3A_206 = arith.addi %iota3A, %add3A_205 : vector<16xi32>
      %sub3A_207 = arith.subf %gather3A_113, %add3A_202 : vector<16xf32>
      tpu.vector_store_idx %arg9[%add3A_206, %broadcast_in_dim3A_37], %sub3A_207 : memref<512x5xf32, #tpu.memory_space<vmem>>[vector<16xi32>, vector<16xi32>], vector<16xf32>,
      %sub3A_208 = arith.subf %gather3A_116, %add3A_202 : vector<16xf32>
      tpu.vector_store_idx %arg9[%add3A_206, %add3A_40], %sub3A_208 : memref<512x5xf32, #tpu.memory_space<vmem>>[vector<16xi32>, vector<16xi32>], vector<16xf32>,
      %sub3A_209 = arith.constant 0.000000e+00 : f32
      %sub3A_210 = vector.broadcast %sub3A_209 : f32 to vector<16xf32>
      %sub3A_211 = arith.subf %sub3A_210, %add3A_202 : vector<16xf32>
      tpu.vector_store_idx %arg9[%add3A_206, %add3A_43], %sub3A_211 : memref<512x5xf32, #tpu.memory_space<vmem>>[vector<16xi32>, vector<16xi32>], vector<16xf32>,
      %sub3A_212 = arith.subf %add3A_163, %add3A_202 : vector<16xf32>
      tpu.vector_store_idx %arg9[%add3A_206, %add3A_46], %sub3A_212 : memref<512x5xf32, #tpu.memory_space<vmem>>[vector<16xi32>, vector<16xi32>], vector<16xf32>,
      %sub3A_213 = arith.subf %gather3A_119, %add3A_202 : vector<16xf32>
      tpu.vector_store_idx %arg9[%add3A_206, %add3A_49], %sub3A_213 : memref<512x5xf32, #tpu.memory_space<vmem>>[vector<16xi32>, vector<16xi32>], vector<16xf32>,
      %scan3A_214 = arith.constant 1 : i32
      %scan3A_215 = arith.addi %scan3A_103, %scan3A_214 : i32
      %mul3A_216 = arith.constant 16 : i32
      %mul3A_217 = arith.muli %scan3A_215, %mul3A_216 : i32
      %get3A_218 = arith.index_cast %mul3A_217 : i32 to index
      %get3A_219 = tpu.vector_load %arg6[%get3A_218] {strides = array<i32>} : memref<512xi32, #tpu.memory_space<vmem>>, vector<16xi32>,
      %mul3A_220 = arith.constant 16 : i32
      %mul3A_221 = arith.muli %scan3A_215, %mul3A_220 : i32
      %get3A_222 = arith.index_cast %mul3A_221 : i32 to index
      %get3A_223 = tpu.vector_load %arg7[%get3A_222] {strides = array<i32>} : memref<512xf32, #tpu.memory_space<vmem>>, vector<16xf32>,
      %broadcast_in_dim3A_224 = vector.shape_cast %get3A_219 : vector<16xi32> to vector<16x1xi32>
      %gather3A_225 = vector.shape_cast %broadcast_in_dim3A_224 : vector<16x1xi32> to vector<16xi32>
      %gather3A_226 = tpu.dynamic_gather %gather3A[%gather3A_225] in [0] : vector<16xf32>, vector<16xi32> -> vector<16xf32>
      %broadcast_in_dim3A_227 = vector.shape_cast %get3A_219 : vector<16xi32> to vector<16x1xi32>
      %gather3A_228 = vector.shape_cast %broadcast_in_dim3A_227 : vector<16x1xi32> to vector<16xi32>
      %gather3A_229 = tpu.dynamic_gather %gather3A_14[%gather3A_228] in [0] : vector<16xf32>, vector<16xi32> -> vector<16xf32>
      %broadcast_in_dim3A_230 = vector.shape_cast %get3A_219 : vector<16xi32> to vector<16x1xi32>
      %gather3A_231 = vector.shape_cast %broadcast_in_dim3A_230 : vector<16x1xi32> to vector<16xi32>
      %gather3A_232 = tpu.dynamic_gather %gather3A_18[%gather3A_231] in [0] : vector<16xf32>, vector<16xi32> -> vector<16xf32>
      %broadcast_in_dim3A_233 = vector.shape_cast %get3A_219 : vector<16xi32> to vector<16x1xi32>
      %gather3A_234 = vector.shape_cast %broadcast_in_dim3A_233 : vector<16x1xi32> to vector<16xi32>
      %gather3A_235 = tpu.dynamic_gather %max3A_22[%gather3A_234] in [0] : vector<16xf32>, vector<16xi32> -> vector<16xf32>
      %broadcast_in_dim3A_236 = vector.shape_cast %get3A_219 : vector<16xi32> to vector<16x1xi32>
      %gather3A_237 = vector.shape_cast %broadcast_in_dim3A_236 : vector<16x1xi32> to vector<16xi32>
      %gather3A_238 = tpu.dynamic_gather %exp3A[%gather3A_237] in [0] : vector<16xf32>, vector<16xi32> -> vector<16xf32>
      %broadcast_in_dim3A_239 = vector.shape_cast %get3A_219 : vector<16xi32> to vector<16x1xi32>
      %gather3A_240 = vector.shape_cast %broadcast_in_dim3A_239 : vector<16x1xi32> to vector<16xi32>
      %gather3A_241 = tpu.dynamic_gather %add3A_33[%gather3A_240] in [0] : vector<16xf32>, vector<16xi32> -> vector<16xf32>
      %sub3A_242 = arith.constant 2.000000e+00 : f32
      %sub3A_243 = vector.broadcast %sub3A_242 : f32 to vector<16xf32>
      %sub3A_244 = arith.subf %sub3A_243, %get3A_223 : vector<16xf32>
      %mul3A_245 = arith.mulf %get3A_223, %sub3A_244 : vector<16xf32>
      %bitcast3A_246 = vector.bitcast %mul3A_245 : vector<16xf32> to vector<16xi32>
      %sub3A_247 = arith.constant 1060439283 : i32
      %sub3A_248 = vector.broadcast %sub3A_247 : i32 to vector<16xi32>
      %sub3A_249 = arith.subi %bitcast3A_246, %sub3A_248 : vector<16xi32>
      %shift_right_arithmetic3A_250 = arith.constant 23 : i32
      %shift_right_arithmetic3A_251 = vector.broadcast %shift_right_arithmetic3A_250 : i32 to vector<16xi32>
      %shift_right_arithmetic3A_252 = arith.shrsi %sub3A_249, %shift_right_arithmetic3A_251 : vector<16xi32>
      %shift_left3A_253 = arith.constant 23 : i32
      %shift_left3A_254 = vector.broadcast %shift_left3A_253 : i32 to vector<16xi32>
      %shift_left3A_255 = arith.shli %shift_right_arithmetic3A_252, %shift_left3A_254 : vector<16xi32>
      %sub3A_256 = arith.subi %bitcast3A_246, %shift_left3A_255 : vector<16xi32>
      %bitcast3A_257 = vector.bitcast %sub3A_256 : vector<16xi32> to vector<16xf32>
      %sub3A_258 = arith.constant 1.000000e+00 : f32
      %sub3A_259 = vector.broadcast %sub3A_258 : f32 to vector<16xf32>
      %sub3A_260 = arith.subf %bitcast3A_257, %sub3A_259 : vector<16xf32>
      %add3A_261 = arith.constant 1.000000e+00 : f32
      %add3A_262 = vector.broadcast %add3A_261 : f32 to vector<16xf32>
      %add3A_263 = arith.addf %bitcast3A_257, %add3A_262 : vector<16xf32>
      %div3A_264 = arith.divf %sub3A_260, %add3A_263 : vector<16xf32>
      %mul3A_265 = arith.mulf %div3A_264, %div3A_264 : vector<16xf32>
      %convert_element_type3A_266 = arith.sitofp %shift_right_arithmetic3A_252 : vector<16xi32> to vector<16xf32>
      %mul3A_267 = arith.constant 0.693147182 : f32
      %mul3A_268 = vector.broadcast %mul3A_267 : f32 to vector<16xf32>
      %mul3A_269 = arith.mulf %convert_element_type3A_266, %mul3A_268 : vector<16xf32>
      %mul3A_270 = arith.constant 4.000000e-01 : f32
      %mul3A_271 = vector.broadcast %mul3A_270 : f32 to vector<16xf32>
      %mul3A_272 = arith.mulf %mul3A_265, %mul3A_271 : vector<16xf32>
      %add3A_273 = arith.constant 0.666666686 : f32
      %add3A_274 = vector.broadcast %add3A_273 : f32 to vector<16xf32>
      %add3A_275 = arith.addf %add3A_274, %mul3A_272 : vector<16xf32>
      %mul3A_276 = arith.mulf %mul3A_265, %add3A_275 : vector<16xf32>
      %add3A_277 = arith.constant 2.000000e+00 : f32
      %add3A_278 = vector.broadcast %add3A_277 : f32 to vector<16xf32>
      %add3A_279 = arith.addf %add3A_278, %mul3A_276 : vector<16xf32>
      %mul3A_280 = arith.mulf %div3A_264, %add3A_279 : vector<16xf32>
      %add3A_281 = arith.addf %mul3A_269, %mul3A_280 : vector<16xf32>
      %mul3A_282 = arith.mulf %mul3A_245, %gather3A_238 : vector<16xf32>
      %add3A_283 = arith.addf %gather3A_241, %mul3A_282 : vector<16xf32>
      %bitcast3A_284 = vector.bitcast %add3A_283 : vector<16xf32> to vector<16xi32>
      %sub3A_285 = arith.constant 1060439283 : i32
      %sub3A_286 = vector.broadcast %sub3A_285 : i32 to vector<16xi32>
      %sub3A_287 = arith.subi %bitcast3A_284, %sub3A_286 : vector<16xi32>
      %shift_right_arithmetic3A_288 = arith.constant 23 : i32
      %shift_right_arithmetic3A_289 = vector.broadcast %shift_right_arithmetic3A_288 : i32 to vector<16xi32>
      %shift_right_arithmetic3A_290 = arith.shrsi %sub3A_287, %shift_right_arithmetic3A_289 : vector<16xi32>
      %shift_left3A_291 = arith.constant 23 : i32
      %shift_left3A_292 = vector.broadcast %shift_left3A_291 : i32 to vector<16xi32>
      %shift_left3A_293 = arith.shli %shift_right_arithmetic3A_290, %shift_left3A_292 : vector<16xi32>
      %sub3A_294 = arith.subi %bitcast3A_284, %shift_left3A_293 : vector<16xi32>
      %bitcast3A_295 = vector.bitcast %sub3A_294 : vector<16xi32> to vector<16xf32>
      %sub3A_296 = arith.constant 1.000000e+00 : f32
      %sub3A_297 = vector.broadcast %sub3A_296 : f32 to vector<16xf32>
      %sub3A_298 = arith.subf %bitcast3A_295, %sub3A_297 : vector<16xf32>
      %add3A_299 = arith.constant 1.000000e+00 : f32
      %add3A_300 = vector.broadcast %add3A_299 : f32 to vector<16xf32>
      %add3A_301 = arith.addf %bitcast3A_295, %add3A_300 : vector<16xf32>
      %div3A_302 = arith.divf %sub3A_298, %add3A_301 : vector<16xf32>
      %mul3A_303 = arith.mulf %div3A_302, %div3A_302 : vector<16xf32>
      %convert_element_type3A_304 = arith.sitofp %shift_right_arithmetic3A_290 : vector<16xi32> to vector<16xf32>
      %mul3A_305 = arith.constant 0.693147182 : f32
      %mul3A_306 = vector.broadcast %mul3A_305 : f32 to vector<16xf32>
      %mul3A_307 = arith.mulf %convert_element_type3A_304, %mul3A_306 : vector<16xf32>
      %mul3A_308 = arith.constant 4.000000e-01 : f32
      %mul3A_309 = vector.broadcast %mul3A_308 : f32 to vector<16xf32>
      %mul3A_310 = arith.mulf %mul3A_303, %mul3A_309 : vector<16xf32>
      %add3A_311 = arith.constant 0.666666686 : f32
      %add3A_312 = vector.broadcast %add3A_311 : f32 to vector<16xf32>
      %add3A_313 = arith.addf %add3A_312, %mul3A_310 : vector<16xf32>
      %mul3A_314 = arith.mulf %mul3A_303, %add3A_313 : vector<16xf32>
      %add3A_315 = arith.constant 2.000000e+00 : f32
      %add3A_316 = vector.broadcast %add3A_315 : f32 to vector<16xf32>
      %add3A_317 = arith.addf %add3A_316, %mul3A_314 : vector<16xf32>
      %mul3A_318 = arith.mulf %div3A_302, %add3A_317 : vector<16xf32>
      %add3A_319 = arith.addf %mul3A_307, %mul3A_318 : vector<16xf32>
      %add3A_320 = arith.addf %gather3A_235, %add3A_319 : vector<16xf32>
      %mul3A_321 = arith.constant 16 : i32
      %mul3A_322 = arith.muli %scan3A_215, %mul3A_321 : i32
      %add3A_323 = vector.broadcast %mul3A_322 : i32 to vector<16xi32>
      %add3A_324 = arith.addi %iota3A, %add3A_323 : vector<16xi32>
      %sub3A_325 = arith.subf %gather3A_226, %add3A_320 : vector<16xf32>
      tpu.vector_store_idx %arg9[%add3A_324, %broadcast_in_dim3A_37], %sub3A_325 : memref<512x5xf32, #tpu.memory_space<vmem>>[vector<16xi32>, vector<16xi32>], vector<16xf32>,
      %sub3A_326 = arith.subf %gather3A_229, %add3A_320 : vector<16xf32>
      tpu.vector_store_idx %arg9[%add3A_324, %add3A_40], %sub3A_326 : memref<512x5xf32, #tpu.memory_space<vmem>>[vector<16xi32>, vector<16xi32>], vector<16xf32>,
      %sub3A_327 = arith.constant 0.000000e+00 : f32
      %sub3A_328 = vector.broadcast %sub3A_327 : f32 to vector<16xf32>
      %sub3A_329 = arith.subf %sub3A_328, %add3A_320 : vector<16xf32>
      tpu.vector_store_idx %arg9[%add3A_324, %add3A_43], %sub3A_329 : memref<512x5xf32, #tpu.memory_space<vmem>>[vector<16xi32>, vector<16xi32>], vector<16xf32>,
      %sub3A_330 = arith.subf %add3A_281, %add3A_320 : vector<16xf32>
      tpu.vector_store_idx %arg9[%add3A_324, %add3A_46], %sub3A_330 : memref<512x5xf32, #tpu.memory_space<vmem>>[vector<16xi32>, vector<16xi32>], vector<16xf32>,
      %sub3A_331 = arith.subf %gather3A_232, %add3A_320 : vector<16xf32>
      tpu.vector_store_idx %arg9[%add3A_324, %add3A_49], %sub3A_331 : memref<512x5xf32, #tpu.memory_space<vmem>>[vector<16xi32>, vector<16xi32>], vector<16xf32>,
      %scan3A_332 = arith.constant 2 : i32
      %scan3A_333 = arith.addi %scan3A_103, %scan3A_332 : i32
      %mul3A_334 = arith.constant 16 : i32
      %mul3A_335 = arith.muli %scan3A_333, %mul3A_334 : i32
      %get3A_336 = arith.index_cast %mul3A_335 : i32 to index
      %get3A_337 = tpu.vector_load %arg6[%get3A_336] {strides = array<i32>} : memref<512xi32, #tpu.memory_space<vmem>>, vector<16xi32>,
      %mul3A_338 = arith.constant 16 : i32
      %mul3A_339 = arith.muli %scan3A_333, %mul3A_338 : i32
      %get3A_340 = arith.index_cast %mul3A_339 : i32 to index
      %get3A_341 = tpu.vector_load %arg7[%get3A_340] {strides = array<i32>} : memref<512xf32, #tpu.memory_space<vmem>>, vector<16xf32>,
      %broadcast_in_dim3A_342 = vector.shape_cast %get3A_337 : vector<16xi32> to vector<16x1xi32>
      %gather3A_343 = vector.shape_cast %broadcast_in_dim3A_342 : vector<16x1xi32> to vector<16xi32>
      %gather3A_344 = tpu.dynamic_gather %gather3A[%gather3A_343] in [0] : vector<16xf32>, vector<16xi32> -> vector<16xf32>
      %broadcast_in_dim3A_345 = vector.shape_cast %get3A_337 : vector<16xi32> to vector<16x1xi32>
      %gather3A_346 = vector.shape_cast %broadcast_in_dim3A_345 : vector<16x1xi32> to vector<16xi32>
      %gather3A_347 = tpu.dynamic_gather %gather3A_14[%gather3A_346] in [0] : vector<16xf32>, vector<16xi32> -> vector<16xf32>
      %broadcast_in_dim3A_348 = vector.shape_cast %get3A_337 : vector<16xi32> to vector<16x1xi32>
      %gather3A_349 = vector.shape_cast %broadcast_in_dim3A_348 : vector<16x1xi32> to vector<16xi32>
      %gather3A_350 = tpu.dynamic_gather %gather3A_18[%gather3A_349] in [0] : vector<16xf32>, vector<16xi32> -> vector<16xf32>
      %broadcast_in_dim3A_351 = vector.shape_cast %get3A_337 : vector<16xi32> to vector<16x1xi32>
      %gather3A_352 = vector.shape_cast %broadcast_in_dim3A_351 : vector<16x1xi32> to vector<16xi32>
      %gather3A_353 = tpu.dynamic_gather %max3A_22[%gather3A_352] in [0] : vector<16xf32>, vector<16xi32> -> vector<16xf32>
      %broadcast_in_dim3A_354 = vector.shape_cast %get3A_337 : vector<16xi32> to vector<16x1xi32>
      %gather3A_355 = vector.shape_cast %broadcast_in_dim3A_354 : vector<16x1xi32> to vector<16xi32>
      %gather3A_356 = tpu.dynamic_gather %exp3A[%gather3A_355] in [0] : vector<16xf32>, vector<16xi32> -> vector<16xf32>
      %broadcast_in_dim3A_357 = vector.shape_cast %get3A_337 : vector<16xi32> to vector<16x1xi32>
      %gather3A_358 = vector.shape_cast %broadcast_in_dim3A_357 : vector<16x1xi32> to vector<16xi32>
      %gather3A_359 = tpu.dynamic_gather %add3A_33[%gather3A_358] in [0] : vector<16xf32>, vector<16xi32> -> vector<16xf32>
      %sub3A_360 = arith.constant 2.000000e+00 : f32
      %sub3A_361 = vector.broadcast %sub3A_360 : f32 to vector<16xf32>
      %sub3A_362 = arith.subf %sub3A_361, %get3A_341 : vector<16xf32>
      %mul3A_363 = arith.mulf %get3A_341, %sub3A_362 : vector<16xf32>
      %bitcast3A_364 = vector.bitcast %mul3A_363 : vector<16xf32> to vector<16xi32>
      %sub3A_365 = arith.constant 1060439283 : i32
      %sub3A_366 = vector.broadcast %sub3A_365 : i32 to vector<16xi32>
      %sub3A_367 = arith.subi %bitcast3A_364, %sub3A_366 : vector<16xi32>
      %shift_right_arithmetic3A_368 = arith.constant 23 : i32
      %shift_right_arithmetic3A_369 = vector.broadcast %shift_right_arithmetic3A_368 : i32 to vector<16xi32>
      %shift_right_arithmetic3A_370 = arith.shrsi %sub3A_367, %shift_right_arithmetic3A_369 : vector<16xi32>
      %shift_left3A_371 = arith.constant 23 : i32
      %shift_left3A_372 = vector.broadcast %shift_left3A_371 : i32 to vector<16xi32>
      %shift_left3A_373 = arith.shli %shift_right_arithmetic3A_370, %shift_left3A_372 : vector<16xi32>
      %sub3A_374 = arith.subi %bitcast3A_364, %shift_left3A_373 : vector<16xi32>
      %bitcast3A_375 = vector.bitcast %sub3A_374 : vector<16xi32> to vector<16xf32>
      %sub3A_376 = arith.constant 1.000000e+00 : f32
      %sub3A_377 = vector.broadcast %sub3A_376 : f32 to vector<16xf32>
      %sub3A_378 = arith.subf %bitcast3A_375, %sub3A_377 : vector<16xf32>
      %add3A_379 = arith.constant 1.000000e+00 : f32
      %add3A_380 = vector.broadcast %add3A_379 : f32 to vector<16xf32>
      %add3A_381 = arith.addf %bitcast3A_375, %add3A_380 : vector<16xf32>
      %div3A_382 = arith.divf %sub3A_378, %add3A_381 : vector<16xf32>
      %mul3A_383 = arith.mulf %div3A_382, %div3A_382 : vector<16xf32>
      %convert_element_type3A_384 = arith.sitofp %shift_right_arithmetic3A_370 : vector<16xi32> to vector<16xf32>
      %mul3A_385 = arith.constant 0.693147182 : f32
      %mul3A_386 = vector.broadcast %mul3A_385 : f32 to vector<16xf32>
      %mul3A_387 = arith.mulf %convert_element_type3A_384, %mul3A_386 : vector<16xf32>
      %mul3A_388 = arith.constant 4.000000e-01 : f32
      %mul3A_389 = vector.broadcast %mul3A_388 : f32 to vector<16xf32>
      %mul3A_390 = arith.mulf %mul3A_383, %mul3A_389 : vector<16xf32>
      %add3A_391 = arith.constant 0.666666686 : f32
      %add3A_392 = vector.broadcast %add3A_391 : f32 to vector<16xf32>
      %add3A_393 = arith.addf %add3A_392, %mul3A_390 : vector<16xf32>
      %mul3A_394 = arith.mulf %mul3A_383, %add3A_393 : vector<16xf32>
      %add3A_395 = arith.constant 2.000000e+00 : f32
      %add3A_396 = vector.broadcast %add3A_395 : f32 to vector<16xf32>
      %add3A_397 = arith.addf %add3A_396, %mul3A_394 : vector<16xf32>
      %mul3A_398 = arith.mulf %div3A_382, %add3A_397 : vector<16xf32>
      %add3A_399 = arith.addf %mul3A_387, %mul3A_398 : vector<16xf32>
      %mul3A_400 = arith.mulf %mul3A_363, %gather3A_356 : vector<16xf32>
      %add3A_401 = arith.addf %gather3A_359, %mul3A_400 : vector<16xf32>
      %bitcast3A_402 = vector.bitcast %add3A_401 : vector<16xf32> to vector<16xi32>
      %sub3A_403 = arith.constant 1060439283 : i32
      %sub3A_404 = vector.broadcast %sub3A_403 : i32 to vector<16xi32>
      %sub3A_405 = arith.subi %bitcast3A_402, %sub3A_404 : vector<16xi32>
      %shift_right_arithmetic3A_406 = arith.constant 23 : i32
      %shift_right_arithmetic3A_407 = vector.broadcast %shift_right_arithmetic3A_406 : i32 to vector<16xi32>
      %shift_right_arithmetic3A_408 = arith.shrsi %sub3A_405, %shift_right_arithmetic3A_407 : vector<16xi32>
      %shift_left3A_409 = arith.constant 23 : i32
      %shift_left3A_410 = vector.broadcast %shift_left3A_409 : i32 to vector<16xi32>
      %shift_left3A_411 = arith.shli %shift_right_arithmetic3A_408, %shift_left3A_410 : vector<16xi32>
      %sub3A_412 = arith.subi %bitcast3A_402, %shift_left3A_411 : vector<16xi32>
      %bitcast3A_413 = vector.bitcast %sub3A_412 : vector<16xi32> to vector<16xf32>
      %sub3A_414 = arith.constant 1.000000e+00 : f32
      %sub3A_415 = vector.broadcast %sub3A_414 : f32 to vector<16xf32>
      %sub3A_416 = arith.subf %bitcast3A_413, %sub3A_415 : vector<16xf32>
      %add3A_417 = arith.constant 1.000000e+00 : f32
      %add3A_418 = vector.broadcast %add3A_417 : f32 to vector<16xf32>
      %add3A_419 = arith.addf %bitcast3A_413, %add3A_418 : vector<16xf32>
      %div3A_420 = arith.divf %sub3A_416, %add3A_419 : vector<16xf32>
      %mul3A_421 = arith.mulf %div3A_420, %div3A_420 : vector<16xf32>
      %convert_element_type3A_422 = arith.sitofp %shift_right_arithmetic3A_408 : vector<16xi32> to vector<16xf32>
      %mul3A_423 = arith.constant 0.693147182 : f32
      %mul3A_424 = vector.broadcast %mul3A_423 : f32 to vector<16xf32>
      %mul3A_425 = arith.mulf %convert_element_type3A_422, %mul3A_424 : vector<16xf32>
      %mul3A_426 = arith.constant 4.000000e-01 : f32
      %mul3A_427 = vector.broadcast %mul3A_426 : f32 to vector<16xf32>
      %mul3A_428 = arith.mulf %mul3A_421, %mul3A_427 : vector<16xf32>
      %add3A_429 = arith.constant 0.666666686 : f32
      %add3A_430 = vector.broadcast %add3A_429 : f32 to vector<16xf32>
      %add3A_431 = arith.addf %add3A_430, %mul3A_428 : vector<16xf32>
      %mul3A_432 = arith.mulf %mul3A_421, %add3A_431 : vector<16xf32>
      %add3A_433 = arith.constant 2.000000e+00 : f32
      %add3A_434 = vector.broadcast %add3A_433 : f32 to vector<16xf32>
      %add3A_435 = arith.addf %add3A_434, %mul3A_432 : vector<16xf32>
      %mul3A_436 = arith.mulf %div3A_420, %add3A_435 : vector<16xf32>
      %add3A_437 = arith.addf %mul3A_425, %mul3A_436 : vector<16xf32>
      %add3A_438 = arith.addf %gather3A_353, %add3A_437 : vector<16xf32>
      %mul3A_439 = arith.constant 16 : i32
      %mul3A_440 = arith.muli %scan3A_333, %mul3A_439 : i32
      %add3A_441 = vector.broadcast %mul3A_440 : i32 to vector<16xi32>
      %add3A_442 = arith.addi %iota3A, %add3A_441 : vector<16xi32>
      %sub3A_443 = arith.subf %gather3A_344, %add3A_438 : vector<16xf32>
      tpu.vector_store_idx %arg9[%add3A_442, %broadcast_in_dim3A_37], %sub3A_443 : memref<512x5xf32, #tpu.memory_space<vmem>>[vector<16xi32>, vector<16xi32>], vector<16xf32>,
      %sub3A_444 = arith.subf %gather3A_347, %add3A_438 : vector<16xf32>
      tpu.vector_store_idx %arg9[%add3A_442, %add3A_40], %sub3A_444 : memref<512x5xf32, #tpu.memory_space<vmem>>[vector<16xi32>, vector<16xi32>], vector<16xf32>,
      %sub3A_445 = arith.constant 0.000000e+00 : f32
      %sub3A_446 = vector.broadcast %sub3A_445 : f32 to vector<16xf32>
      %sub3A_447 = arith.subf %sub3A_446, %add3A_438 : vector<16xf32>
      tpu.vector_store_idx %arg9[%add3A_442, %add3A_43], %sub3A_447 : memref<512x5xf32, #tpu.memory_space<vmem>>[vector<16xi32>, vector<16xi32>], vector<16xf32>,
      %sub3A_448 = arith.subf %add3A_399, %add3A_438 : vector<16xf32>
      tpu.vector_store_idx %arg9[%add3A_442, %add3A_46], %sub3A_448 : memref<512x5xf32, #tpu.memory_space<vmem>>[vector<16xi32>, vector<16xi32>], vector<16xf32>,
      %sub3A_449 = arith.subf %gather3A_350, %add3A_438 : vector<16xf32>
      tpu.vector_store_idx %arg9[%add3A_442, %add3A_49], %sub3A_449 : memref<512x5xf32, #tpu.memory_space<vmem>>[vector<16xi32>, vector<16xi32>], vector<16xf32>,
      %scan3A_450 = arith.constant 3 : i32
      %scan3A_451 = arith.addi %scan3A_103, %scan3A_450 : i32
      %mul3A_452 = arith.constant 16 : i32
      %mul3A_453 = arith.muli %scan3A_451, %mul3A_452 : i32
      %get3A_454 = arith.index_cast %mul3A_453 : i32 to index
      %get3A_455 = tpu.vector_load %arg6[%get3A_454] {strides = array<i32>} : memref<512xi32, #tpu.memory_space<vmem>>, vector<16xi32>,
      %mul3A_456 = arith.constant 16 : i32
      %mul3A_457 = arith.muli %scan3A_451, %mul3A_456 : i32
      %get3A_458 = arith.index_cast %mul3A_457 : i32 to index
      %get3A_459 = tpu.vector_load %arg7[%get3A_458] {strides = array<i32>} : memref<512xf32, #tpu.memory_space<vmem>>, vector<16xf32>,
      %broadcast_in_dim3A_460 = vector.shape_cast %get3A_455 : vector<16xi32> to vector<16x1xi32>
      %gather3A_461 = vector.shape_cast %broadcast_in_dim3A_460 : vector<16x1xi32> to vector<16xi32>
      %gather3A_462 = tpu.dynamic_gather %gather3A[%gather3A_461] in [0] : vector<16xf32>, vector<16xi32> -> vector<16xf32>
      %broadcast_in_dim3A_463 = vector.shape_cast %get3A_455 : vector<16xi32> to vector<16x1xi32>
      %gather3A_464 = vector.shape_cast %broadcast_in_dim3A_463 : vector<16x1xi32> to vector<16xi32>
      %gather3A_465 = tpu.dynamic_gather %gather3A_14[%gather3A_464] in [0] : vector<16xf32>, vector<16xi32> -> vector<16xf32>
      %broadcast_in_dim3A_466 = vector.shape_cast %get3A_455 : vector<16xi32> to vector<16x1xi32>
      %gather3A_467 = vector.shape_cast %broadcast_in_dim3A_466 : vector<16x1xi32> to vector<16xi32>
      %gather3A_468 = tpu.dynamic_gather %gather3A_18[%gather3A_467] in [0] : vector<16xf32>, vector<16xi32> -> vector<16xf32>
      %broadcast_in_dim3A_469 = vector.shape_cast %get3A_455 : vector<16xi32> to vector<16x1xi32>
      %gather3A_470 = vector.shape_cast %broadcast_in_dim3A_469 : vector<16x1xi32> to vector<16xi32>
      %gather3A_471 = tpu.dynamic_gather %max3A_22[%gather3A_470] in [0] : vector<16xf32>, vector<16xi32> -> vector<16xf32>
      %broadcast_in_dim3A_472 = vector.shape_cast %get3A_455 : vector<16xi32> to vector<16x1xi32>
      %gather3A_473 = vector.shape_cast %broadcast_in_dim3A_472 : vector<16x1xi32> to vector<16xi32>
      %gather3A_474 = tpu.dynamic_gather %exp3A[%gather3A_473] in [0] : vector<16xf32>, vector<16xi32> -> vector<16xf32>
      %broadcast_in_dim3A_475 = vector.shape_cast %get3A_455 : vector<16xi32> to vector<16x1xi32>
      %gather3A_476 = vector.shape_cast %broadcast_in_dim3A_475 : vector<16x1xi32> to vector<16xi32>
      %gather3A_477 = tpu.dynamic_gather %add3A_33[%gather3A_476] in [0] : vector<16xf32>, vector<16xi32> -> vector<16xf32>
      %sub3A_478 = arith.constant 2.000000e+00 : f32
      %sub3A_479 = vector.broadcast %sub3A_478 : f32 to vector<16xf32>
      %sub3A_480 = arith.subf %sub3A_479, %get3A_459 : vector<16xf32>
      %mul3A_481 = arith.mulf %get3A_459, %sub3A_480 : vector<16xf32>
      %bitcast3A_482 = vector.bitcast %mul3A_481 : vector<16xf32> to vector<16xi32>
      %sub3A_483 = arith.constant 1060439283 : i32
      %sub3A_484 = vector.broadcast %sub3A_483 : i32 to vector<16xi32>
      %sub3A_485 = arith.subi %bitcast3A_482, %sub3A_484 : vector<16xi32>
      %shift_right_arithmetic3A_486 = arith.constant 23 : i32
      %shift_right_arithmetic3A_487 = vector.broadcast %shift_right_arithmetic3A_486 : i32 to vector<16xi32>
      %shift_right_arithmetic3A_488 = arith.shrsi %sub3A_485, %shift_right_arithmetic3A_487 : vector<16xi32>
      %shift_left3A_489 = arith.constant 23 : i32
      %shift_left3A_490 = vector.broadcast %shift_left3A_489 : i32 to vector<16xi32>
      %shift_left3A_491 = arith.shli %shift_right_arithmetic3A_488, %shift_left3A_490 : vector<16xi32>
      %sub3A_492 = arith.subi %bitcast3A_482, %shift_left3A_491 : vector<16xi32>
      %bitcast3A_493 = vector.bitcast %sub3A_492 : vector<16xi32> to vector<16xf32>
      %sub3A_494 = arith.constant 1.000000e+00 : f32
      %sub3A_495 = vector.broadcast %sub3A_494 : f32 to vector<16xf32>
      %sub3A_496 = arith.subf %bitcast3A_493, %sub3A_495 : vector<16xf32>
      %add3A_497 = arith.constant 1.000000e+00 : f32
      %add3A_498 = vector.broadcast %add3A_497 : f32 to vector<16xf32>
      %add3A_499 = arith.addf %bitcast3A_493, %add3A_498 : vector<16xf32>
      %div3A_500 = arith.divf %sub3A_496, %add3A_499 : vector<16xf32>
      %mul3A_501 = arith.mulf %div3A_500, %div3A_500 : vector<16xf32>
      %convert_element_type3A_502 = arith.sitofp %shift_right_arithmetic3A_488 : vector<16xi32> to vector<16xf32>
      %mul3A_503 = arith.constant 0.693147182 : f32
      %mul3A_504 = vector.broadcast %mul3A_503 : f32 to vector<16xf32>
      %mul3A_505 = arith.mulf %convert_element_type3A_502, %mul3A_504 : vector<16xf32>
      %mul3A_506 = arith.constant 4.000000e-01 : f32
      %mul3A_507 = vector.broadcast %mul3A_506 : f32 to vector<16xf32>
      %mul3A_508 = arith.mulf %mul3A_501, %mul3A_507 : vector<16xf32>
      %add3A_509 = arith.constant 0.666666686 : f32
      %add3A_510 = vector.broadcast %add3A_509 : f32 to vector<16xf32>
      %add3A_511 = arith.addf %add3A_510, %mul3A_508 : vector<16xf32>
      %mul3A_512 = arith.mulf %mul3A_501, %add3A_511 : vector<16xf32>
      %add3A_513 = arith.constant 2.000000e+00 : f32
      %add3A_514 = vector.broadcast %add3A_513 : f32 to vector<16xf32>
      %add3A_515 = arith.addf %add3A_514, %mul3A_512 : vector<16xf32>
      %mul3A_516 = arith.mulf %div3A_500, %add3A_515 : vector<16xf32>
      %add3A_517 = arith.addf %mul3A_505, %mul3A_516 : vector<16xf32>
      %mul3A_518 = arith.mulf %mul3A_481, %gather3A_474 : vector<16xf32>
      %add3A_519 = arith.addf %gather3A_477, %mul3A_518 : vector<16xf32>
      %bitcast3A_520 = vector.bitcast %add3A_519 : vector<16xf32> to vector<16xi32>
      %sub3A_521 = arith.constant 1060439283 : i32
      %sub3A_522 = vector.broadcast %sub3A_521 : i32 to vector<16xi32>
      %sub3A_523 = arith.subi %bitcast3A_520, %sub3A_522 : vector<16xi32>
      %shift_right_arithmetic3A_524 = arith.constant 23 : i32
      %shift_right_arithmetic3A_525 = vector.broadcast %shift_right_arithmetic3A_524 : i32 to vector<16xi32>
      %shift_right_arithmetic3A_526 = arith.shrsi %sub3A_523, %shift_right_arithmetic3A_525 : vector<16xi32>
      %shift_left3A_527 = arith.constant 23 : i32
      %shift_left3A_528 = vector.broadcast %shift_left3A_527 : i32 to vector<16xi32>
      %shift_left3A_529 = arith.shli %shift_right_arithmetic3A_526, %shift_left3A_528 : vector<16xi32>
      %sub3A_530 = arith.subi %bitcast3A_520, %shift_left3A_529 : vector<16xi32>
      %bitcast3A_531 = vector.bitcast %sub3A_530 : vector<16xi32> to vector<16xf32>
      %sub3A_532 = arith.constant 1.000000e+00 : f32
      %sub3A_533 = vector.broadcast %sub3A_532 : f32 to vector<16xf32>
      %sub3A_534 = arith.subf %bitcast3A_531, %sub3A_533 : vector<16xf32>
      %add3A_535 = arith.constant 1.000000e+00 : f32
      %add3A_536 = vector.broadcast %add3A_535 : f32 to vector<16xf32>
      %add3A_537 = arith.addf %bitcast3A_531, %add3A_536 : vector<16xf32>
      %div3A_538 = arith.divf %sub3A_534, %add3A_537 : vector<16xf32>
      %mul3A_539 = arith.mulf %div3A_538, %div3A_538 : vector<16xf32>
      %convert_element_type3A_540 = arith.sitofp %shift_right_arithmetic3A_526 : vector<16xi32> to vector<16xf32>
      %mul3A_541 = arith.constant 0.693147182 : f32
      %mul3A_542 = vector.broadcast %mul3A_541 : f32 to vector<16xf32>
      %mul3A_543 = arith.mulf %convert_element_type3A_540, %mul3A_542 : vector<16xf32>
      %mul3A_544 = arith.constant 4.000000e-01 : f32
      %mul3A_545 = vector.broadcast %mul3A_544 : f32 to vector<16xf32>
      %mul3A_546 = arith.mulf %mul3A_539, %mul3A_545 : vector<16xf32>
      %add3A_547 = arith.constant 0.666666686 : f32
      %add3A_548 = vector.broadcast %add3A_547 : f32 to vector<16xf32>
      %add3A_549 = arith.addf %add3A_548, %mul3A_546 : vector<16xf32>
      %mul3A_550 = arith.mulf %mul3A_539, %add3A_549 : vector<16xf32>
      %add3A_551 = arith.constant 2.000000e+00 : f32
      %add3A_552 = vector.broadcast %add3A_551 : f32 to vector<16xf32>
      %add3A_553 = arith.addf %add3A_552, %mul3A_550 : vector<16xf32>
      %mul3A_554 = arith.mulf %div3A_538, %add3A_553 : vector<16xf32>
      %add3A_555 = arith.addf %mul3A_543, %mul3A_554 : vector<16xf32>
      %add3A_556 = arith.addf %gather3A_471, %add3A_555 : vector<16xf32>
      %mul3A_557 = arith.constant 16 : i32
      %mul3A_558 = arith.muli %scan3A_451, %mul3A_557 : i32
      %add3A_559 = vector.broadcast %mul3A_558 : i32 to vector<16xi32>
      %add3A_560 = arith.addi %iota3A, %add3A_559 : vector<16xi32>
      %sub3A_561 = arith.subf %gather3A_462, %add3A_556 : vector<16xf32>
      tpu.vector_store_idx %arg9[%add3A_560, %broadcast_in_dim3A_37], %sub3A_561 : memref<512x5xf32, #tpu.memory_space<vmem>>[vector<16xi32>, vector<16xi32>], vector<16xf32>,
      %sub3A_562 = arith.subf %gather3A_465, %add3A_556 : vector<16xf32>
      tpu.vector_store_idx %arg9[%add3A_560, %add3A_40], %sub3A_562 : memref<512x5xf32, #tpu.memory_space<vmem>>[vector<16xi32>, vector<16xi32>], vector<16xf32>,
      %sub3A_563 = arith.constant 0.000000e+00 : f32
      %sub3A_564 = vector.broadcast %sub3A_563 : f32 to vector<16xf32>
      %sub3A_565 = arith.subf %sub3A_564, %add3A_556 : vector<16xf32>
      tpu.vector_store_idx %arg9[%add3A_560, %add3A_43], %sub3A_565 : memref<512x5xf32, #tpu.memory_space<vmem>>[vector<16xi32>, vector<16xi32>], vector<16xf32>,
      %sub3A_566 = arith.subf %add3A_517, %add3A_556 : vector<16xf32>
      tpu.vector_store_idx %arg9[%add3A_560, %add3A_46], %sub3A_566 : memref<512x5xf32, #tpu.memory_space<vmem>>[vector<16xi32>, vector<16xi32>], vector<16xf32>,
      %sub3A_567 = arith.subf %gather3A_468, %add3A_556 : vector<16xf32>
      tpu.vector_store_idx %arg9[%add3A_560, %add3A_49], %sub3A_567 : memref<512x5xf32, #tpu.memory_space<vmem>>[vector<16xi32>, vector<16xi32>], vector<16xf32>,
      %scan3A_568 = arith.constant 4 : i32
      %scan3A_569 = arith.addi %scan3A_103, %scan3A_568 : i32
      %mul3A_570 = arith.constant 16 : i32
      %mul3A_571 = arith.muli %scan3A_569, %mul3A_570 : i32
      %get3A_572 = arith.index_cast %mul3A_571 : i32 to index
      %get3A_573 = tpu.vector_load %arg6[%get3A_572] {strides = array<i32>} : memref<512xi32, #tpu.memory_space<vmem>>, vector<16xi32>,
      %mul3A_574 = arith.constant 16 : i32
      %mul3A_575 = arith.muli %scan3A_569, %mul3A_574 : i32
      %get3A_576 = arith.index_cast %mul3A_575 : i32 to index
      %get3A_577 = tpu.vector_load %arg7[%get3A_576] {strides = array<i32>} : memref<512xf32, #tpu.memory_space<vmem>>, vector<16xf32>,
      %broadcast_in_dim3A_578 = vector.shape_cast %get3A_573 : vector<16xi32> to vector<16x1xi32>
      %gather3A_579 = vector.shape_cast %broadcast_in_dim3A_578 : vector<16x1xi32> to vector<16xi32>
      %gather3A_580 = tpu.dynamic_gather %gather3A[%gather3A_579] in [0] : vector<16xf32>, vector<16xi32> -> vector<16xf32>
      %broadcast_in_dim3A_581 = vector.shape_cast %get3A_573 : vector<16xi32> to vector<16x1xi32>
      %gather3A_582 = vector.shape_cast %broadcast_in_dim3A_581 : vector<16x1xi32> to vector<16xi32>
      %gather3A_583 = tpu.dynamic_gather %gather3A_14[%gather3A_582] in [0] : vector<16xf32>, vector<16xi32> -> vector<16xf32>
      %broadcast_in_dim3A_584 = vector.shape_cast %get3A_573 : vector<16xi32> to vector<16x1xi32>
      %gather3A_585 = vector.shape_cast %broadcast_in_dim3A_584 : vector<16x1xi32> to vector<16xi32>
      %gather3A_586 = tpu.dynamic_gather %gather3A_18[%gather3A_585] in [0] : vector<16xf32>, vector<16xi32> -> vector<16xf32>
      %broadcast_in_dim3A_587 = vector.shape_cast %get3A_573 : vector<16xi32> to vector<16x1xi32>
      %gather3A_588 = vector.shape_cast %broadcast_in_dim3A_587 : vector<16x1xi32> to vector<16xi32>
      %gather3A_589 = tpu.dynamic_gather %max3A_22[%gather3A_588] in [0] : vector<16xf32>, vector<16xi32> -> vector<16xf32>
      %broadcast_in_dim3A_590 = vector.shape_cast %get3A_573 : vector<16xi32> to vector<16x1xi32>
      %gather3A_591 = vector.shape_cast %broadcast_in_dim3A_590 : vector<16x1xi32> to vector<16xi32>
      %gather3A_592 = tpu.dynamic_gather %exp3A[%gather3A_591] in [0] : vector<16xf32>, vector<16xi32> -> vector<16xf32>
      %broadcast_in_dim3A_593 = vector.shape_cast %get3A_573 : vector<16xi32> to vector<16x1xi32>
      %gather3A_594 = vector.shape_cast %broadcast_in_dim3A_593 : vector<16x1xi32> to vector<16xi32>
      %gather3A_595 = tpu.dynamic_gather %add3A_33[%gather3A_594] in [0] : vector<16xf32>, vector<16xi32> -> vector<16xf32>
      %sub3A_596 = arith.constant 2.000000e+00 : f32
      %sub3A_597 = vector.broadcast %sub3A_596 : f32 to vector<16xf32>
      %sub3A_598 = arith.subf %sub3A_597, %get3A_577 : vector<16xf32>
      %mul3A_599 = arith.mulf %get3A_577, %sub3A_598 : vector<16xf32>
      %bitcast3A_600 = vector.bitcast %mul3A_599 : vector<16xf32> to vector<16xi32>
      %sub3A_601 = arith.constant 1060439283 : i32
      %sub3A_602 = vector.broadcast %sub3A_601 : i32 to vector<16xi32>
      %sub3A_603 = arith.subi %bitcast3A_600, %sub3A_602 : vector<16xi32>
      %shift_right_arithmetic3A_604 = arith.constant 23 : i32
      %shift_right_arithmetic3A_605 = vector.broadcast %shift_right_arithmetic3A_604 : i32 to vector<16xi32>
      %shift_right_arithmetic3A_606 = arith.shrsi %sub3A_603, %shift_right_arithmetic3A_605 : vector<16xi32>
      %shift_left3A_607 = arith.constant 23 : i32
      %shift_left3A_608 = vector.broadcast %shift_left3A_607 : i32 to vector<16xi32>
      %shift_left3A_609 = arith.shli %shift_right_arithmetic3A_606, %shift_left3A_608 : vector<16xi32>
      %sub3A_610 = arith.subi %bitcast3A_600, %shift_left3A_609 : vector<16xi32>
      %bitcast3A_611 = vector.bitcast %sub3A_610 : vector<16xi32> to vector<16xf32>
      %sub3A_612 = arith.constant 1.000000e+00 : f32
      %sub3A_613 = vector.broadcast %sub3A_612 : f32 to vector<16xf32>
      %sub3A_614 = arith.subf %bitcast3A_611, %sub3A_613 : vector<16xf32>
      %add3A_615 = arith.constant 1.000000e+00 : f32
      %add3A_616 = vector.broadcast %add3A_615 : f32 to vector<16xf32>
      %add3A_617 = arith.addf %bitcast3A_611, %add3A_616 : vector<16xf32>
      %div3A_618 = arith.divf %sub3A_614, %add3A_617 : vector<16xf32>
      %mul3A_619 = arith.mulf %div3A_618, %div3A_618 : vector<16xf32>
      %convert_element_type3A_620 = arith.sitofp %shift_right_arithmetic3A_606 : vector<16xi32> to vector<16xf32>
      %mul3A_621 = arith.constant 0.693147182 : f32
      %mul3A_622 = vector.broadcast %mul3A_621 : f32 to vector<16xf32>
      %mul3A_623 = arith.mulf %convert_element_type3A_620, %mul3A_622 : vector<16xf32>
      %mul3A_624 = arith.constant 4.000000e-01 : f32
      %mul3A_625 = vector.broadcast %mul3A_624 : f32 to vector<16xf32>
      %mul3A_626 = arith.mulf %mul3A_619, %mul3A_625 : vector<16xf32>
      %add3A_627 = arith.constant 0.666666686 : f32
      %add3A_628 = vector.broadcast %add3A_627 : f32 to vector<16xf32>
      %add3A_629 = arith.addf %add3A_628, %mul3A_626 : vector<16xf32>
      %mul3A_630 = arith.mulf %mul3A_619, %add3A_629 : vector<16xf32>
      %add3A_631 = arith.constant 2.000000e+00 : f32
      %add3A_632 = vector.broadcast %add3A_631 : f32 to vector<16xf32>
      %add3A_633 = arith.addf %add3A_632, %mul3A_630 : vector<16xf32>
      %mul3A_634 = arith.mulf %div3A_618, %add3A_633 : vector<16xf32>
      %add3A_635 = arith.addf %mul3A_623, %mul3A_634 : vector<16xf32>
      %mul3A_636 = arith.mulf %mul3A_599, %gather3A_592 : vector<16xf32>
      %add3A_637 = arith.addf %gather3A_595, %mul3A_636 : vector<16xf32>
      %bitcast3A_638 = vector.bitcast %add3A_637 : vector<16xf32> to vector<16xi32>
      %sub3A_639 = arith.constant 1060439283 : i32
      %sub3A_640 = vector.broadcast %sub3A_639 : i32 to vector<16xi32>
      %sub3A_641 = arith.subi %bitcast3A_638, %sub3A_640 : vector<16xi32>
      %shift_right_arithmetic3A_642 = arith.constant 23 : i32
      %shift_right_arithmetic3A_643 = vector.broadcast %shift_right_arithmetic3A_642 : i32 to vector<16xi32>
      %shift_right_arithmetic3A_644 = arith.shrsi %sub3A_641, %shift_right_arithmetic3A_643 : vector<16xi32>
      %shift_left3A_645 = arith.constant 23 : i32
      %shift_left3A_646 = vector.broadcast %shift_left3A_645 : i32 to vector<16xi32>
      %shift_left3A_647 = arith.shli %shift_right_arithmetic3A_644, %shift_left3A_646 : vector<16xi32>
      %sub3A_648 = arith.subi %bitcast3A_638, %shift_left3A_647 : vector<16xi32>
      %bitcast3A_649 = vector.bitcast %sub3A_648 : vector<16xi32> to vector<16xf32>
      %sub3A_650 = arith.constant 1.000000e+00 : f32
      %sub3A_651 = vector.broadcast %sub3A_650 : f32 to vector<16xf32>
      %sub3A_652 = arith.subf %bitcast3A_649, %sub3A_651 : vector<16xf32>
      %add3A_653 = arith.constant 1.000000e+00 : f32
      %add3A_654 = vector.broadcast %add3A_653 : f32 to vector<16xf32>
      %add3A_655 = arith.addf %bitcast3A_649, %add3A_654 : vector<16xf32>
      %div3A_656 = arith.divf %sub3A_652, %add3A_655 : vector<16xf32>
      %mul3A_657 = arith.mulf %div3A_656, %div3A_656 : vector<16xf32>
      %convert_element_type3A_658 = arith.sitofp %shift_right_arithmetic3A_644 : vector<16xi32> to vector<16xf32>
      %mul3A_659 = arith.constant 0.693147182 : f32
      %mul3A_660 = vector.broadcast %mul3A_659 : f32 to vector<16xf32>
      %mul3A_661 = arith.mulf %convert_element_type3A_658, %mul3A_660 : vector<16xf32>
      %mul3A_662 = arith.constant 4.000000e-01 : f32
      %mul3A_663 = vector.broadcast %mul3A_662 : f32 to vector<16xf32>
      %mul3A_664 = arith.mulf %mul3A_657, %mul3A_663 : vector<16xf32>
      %add3A_665 = arith.constant 0.666666686 : f32
      %add3A_666 = vector.broadcast %add3A_665 : f32 to vector<16xf32>
      %add3A_667 = arith.addf %add3A_666, %mul3A_664 : vector<16xf32>
      %mul3A_668 = arith.mulf %mul3A_657, %add3A_667 : vector<16xf32>
      %add3A_669 = arith.constant 2.000000e+00 : f32
      %add3A_670 = vector.broadcast %add3A_669 : f32 to vector<16xf32>
      %add3A_671 = arith.addf %add3A_670, %mul3A_668 : vector<16xf32>
      %mul3A_672 = arith.mulf %div3A_656, %add3A_671 : vector<16xf32>
      %add3A_673 = arith.addf %mul3A_661, %mul3A_672 : vector<16xf32>
      %add3A_674 = arith.addf %gather3A_589, %add3A_673 : vector<16xf32>
      %mul3A_675 = arith.constant 16 : i32
      %mul3A_676 = arith.muli %scan3A_569, %mul3A_675 : i32
      %add3A_677 = vector.broadcast %mul3A_676 : i32 to vector<16xi32>
      %add3A_678 = arith.addi %iota3A, %add3A_677 : vector<16xi32>
      %sub3A_679 = arith.subf %gather3A_580, %add3A_674 : vector<16xf32>
      tpu.vector_store_idx %arg9[%add3A_678, %broadcast_in_dim3A_37], %sub3A_679 : memref<512x5xf32, #tpu.memory_space<vmem>>[vector<16xi32>, vector<16xi32>], vector<16xf32>,
      %sub3A_680 = arith.subf %gather3A_583, %add3A_674 : vector<16xf32>
      tpu.vector_store_idx %arg9[%add3A_678, %add3A_40], %sub3A_680 : memref<512x5xf32, #tpu.memory_space<vmem>>[vector<16xi32>, vector<16xi32>], vector<16xf32>,
      %sub3A_681 = arith.constant 0.000000e+00 : f32
      %sub3A_682 = vector.broadcast %sub3A_681 : f32 to vector<16xf32>
      %sub3A_683 = arith.subf %sub3A_682, %add3A_674 : vector<16xf32>
      tpu.vector_store_idx %arg9[%add3A_678, %add3A_43], %sub3A_683 : memref<512x5xf32, #tpu.memory_space<vmem>>[vector<16xi32>, vector<16xi32>], vector<16xf32>,
      %sub3A_684 = arith.subf %add3A_635, %add3A_674 : vector<16xf32>
      tpu.vector_store_idx %arg9[%add3A_678, %add3A_46], %sub3A_684 : memref<512x5xf32, #tpu.memory_space<vmem>>[vector<16xi32>, vector<16xi32>], vector<16xf32>,
      %sub3A_685 = arith.subf %gather3A_586, %add3A_674 : vector<16xf32>
      tpu.vector_store_idx %arg9[%add3A_678, %add3A_49], %sub3A_685 : memref<512x5xf32, #tpu.memory_space<vmem>>[vector<16xi32>, vector<16xi32>], vector<16xf32>,
      %scan3A_686 = arith.constant 5 : i32
      %scan3A_687 = arith.addi %scan3A_103, %scan3A_686 : i32
      %mul3A_688 = arith.constant 16 : i32
      %mul3A_689 = arith.muli %scan3A_687, %mul3A_688 : i32
      %get3A_690 = arith.index_cast %mul3A_689 : i32 to index
      %get3A_691 = tpu.vector_load %arg6[%get3A_690] {strides = array<i32>} : memref<512xi32, #tpu.memory_space<vmem>>, vector<16xi32>,
      %mul3A_692 = arith.constant 16 : i32
      %mul3A_693 = arith.muli %scan3A_687, %mul3A_692 : i32
      %get3A_694 = arith.index_cast %mul3A_693 : i32 to index
      %get3A_695 = tpu.vector_load %arg7[%get3A_694] {strides = array<i32>} : memref<512xf32, #tpu.memory_space<vmem>>, vector<16xf32>,
      %broadcast_in_dim3A_696 = vector.shape_cast %get3A_691 : vector<16xi32> to vector<16x1xi32>
      %gather3A_697 = vector.shape_cast %broadcast_in_dim3A_696 : vector<16x1xi32> to vector<16xi32>
      %gather3A_698 = tpu.dynamic_gather %gather3A[%gather3A_697] in [0] : vector<16xf32>, vector<16xi32> -> vector<16xf32>
      %broadcast_in_dim3A_699 = vector.shape_cast %get3A_691 : vector<16xi32> to vector<16x1xi32>
      %gather3A_700 = vector.shape_cast %broadcast_in_dim3A_699 : vector<16x1xi32> to vector<16xi32>
      %gather3A_701 = tpu.dynamic_gather %gather3A_14[%gather3A_700] in [0] : vector<16xf32>, vector<16xi32> -> vector<16xf32>
      %broadcast_in_dim3A_702 = vector.shape_cast %get3A_691 : vector<16xi32> to vector<16x1xi32>
      %gather3A_703 = vector.shape_cast %broadcast_in_dim3A_702 : vector<16x1xi32> to vector<16xi32>
      %gather3A_704 = tpu.dynamic_gather %gather3A_18[%gather3A_703] in [0] : vector<16xf32>, vector<16xi32> -> vector<16xf32>
      %broadcast_in_dim3A_705 = vector.shape_cast %get3A_691 : vector<16xi32> to vector<16x1xi32>
      %gather3A_706 = vector.shape_cast %broadcast_in_dim3A_705 : vector<16x1xi32> to vector<16xi32>
      %gather3A_707 = tpu.dynamic_gather %max3A_22[%gather3A_706] in [0] : vector<16xf32>, vector<16xi32> -> vector<16xf32>
      %broadcast_in_dim3A_708 = vector.shape_cast %get3A_691 : vector<16xi32> to vector<16x1xi32>
      %gather3A_709 = vector.shape_cast %broadcast_in_dim3A_708 : vector<16x1xi32> to vector<16xi32>
      %gather3A_710 = tpu.dynamic_gather %exp3A[%gather3A_709] in [0] : vector<16xf32>, vector<16xi32> -> vector<16xf32>
      %broadcast_in_dim3A_711 = vector.shape_cast %get3A_691 : vector<16xi32> to vector<16x1xi32>
      %gather3A_712 = vector.shape_cast %broadcast_in_dim3A_711 : vector<16x1xi32> to vector<16xi32>
      %gather3A_713 = tpu.dynamic_gather %add3A_33[%gather3A_712] in [0] : vector<16xf32>, vector<16xi32> -> vector<16xf32>
      %sub3A_714 = arith.constant 2.000000e+00 : f32
      %sub3A_715 = vector.broadcast %sub3A_714 : f32 to vector<16xf32>
      %sub3A_716 = arith.subf %sub3A_715, %get3A_695 : vector<16xf32>
      %mul3A_717 = arith.mulf %get3A_695, %sub3A_716 : vector<16xf32>
      %bitcast3A_718 = vector.bitcast %mul3A_717 : vector<16xf32> to vector<16xi32>
      %sub3A_719 = arith.constant 1060439283 : i32
      %sub3A_720 = vector.broadcast %sub3A_719 : i32 to vector<16xi32>
      %sub3A_721 = arith.subi %bitcast3A_718, %sub3A_720 : vector<16xi32>
      %shift_right_arithmetic3A_722 = arith.constant 23 : i32
      %shift_right_arithmetic3A_723 = vector.broadcast %shift_right_arithmetic3A_722 : i32 to vector<16xi32>
      %shift_right_arithmetic3A_724 = arith.shrsi %sub3A_721, %shift_right_arithmetic3A_723 : vector<16xi32>
      %shift_left3A_725 = arith.constant 23 : i32
      %shift_left3A_726 = vector.broadcast %shift_left3A_725 : i32 to vector<16xi32>
      %shift_left3A_727 = arith.shli %shift_right_arithmetic3A_724, %shift_left3A_726 : vector<16xi32>
      %sub3A_728 = arith.subi %bitcast3A_718, %shift_left3A_727 : vector<16xi32>
      %bitcast3A_729 = vector.bitcast %sub3A_728 : vector<16xi32> to vector<16xf32>
      %sub3A_730 = arith.constant 1.000000e+00 : f32
      %sub3A_731 = vector.broadcast %sub3A_730 : f32 to vector<16xf32>
      %sub3A_732 = arith.subf %bitcast3A_729, %sub3A_731 : vector<16xf32>
      %add3A_733 = arith.constant 1.000000e+00 : f32
      %add3A_734 = vector.broadcast %add3A_733 : f32 to vector<16xf32>
      %add3A_735 = arith.addf %bitcast3A_729, %add3A_734 : vector<16xf32>
      %div3A_736 = arith.divf %sub3A_732, %add3A_735 : vector<16xf32>
      %mul3A_737 = arith.mulf %div3A_736, %div3A_736 : vector<16xf32>
      %convert_element_type3A_738 = arith.sitofp %shift_right_arithmetic3A_724 : vector<16xi32> to vector<16xf32>
      %mul3A_739 = arith.constant 0.693147182 : f32
      %mul3A_740 = vector.broadcast %mul3A_739 : f32 to vector<16xf32>
      %mul3A_741 = arith.mulf %convert_element_type3A_738, %mul3A_740 : vector<16xf32>
      %mul3A_742 = arith.constant 4.000000e-01 : f32
      %mul3A_743 = vector.broadcast %mul3A_742 : f32 to vector<16xf32>
      %mul3A_744 = arith.mulf %mul3A_737, %mul3A_743 : vector<16xf32>
      %add3A_745 = arith.constant 0.666666686 : f32
      %add3A_746 = vector.broadcast %add3A_745 : f32 to vector<16xf32>
      %add3A_747 = arith.addf %add3A_746, %mul3A_744 : vector<16xf32>
      %mul3A_748 = arith.mulf %mul3A_737, %add3A_747 : vector<16xf32>
      %add3A_749 = arith.constant 2.000000e+00 : f32
      %add3A_750 = vector.broadcast %add3A_749 : f32 to vector<16xf32>
      %add3A_751 = arith.addf %add3A_750, %mul3A_748 : vector<16xf32>
      %mul3A_752 = arith.mulf %div3A_736, %add3A_751 : vector<16xf32>
      %add3A_753 = arith.addf %mul3A_741, %mul3A_752 : vector<16xf32>
      %mul3A_754 = arith.mulf %mul3A_717, %gather3A_710 : vector<16xf32>
      %add3A_755 = arith.addf %gather3A_713, %mul3A_754 : vector<16xf32>
      %bitcast3A_756 = vector.bitcast %add3A_755 : vector<16xf32> to vector<16xi32>
      %sub3A_757 = arith.constant 1060439283 : i32
      %sub3A_758 = vector.broadcast %sub3A_757 : i32 to vector<16xi32>
      %sub3A_759 = arith.subi %bitcast3A_756, %sub3A_758 : vector<16xi32>
      %shift_right_arithmetic3A_760 = arith.constant 23 : i32
      %shift_right_arithmetic3A_761 = vector.broadcast %shift_right_arithmetic3A_760 : i32 to vector<16xi32>
      %shift_right_arithmetic3A_762 = arith.shrsi %sub3A_759, %shift_right_arithmetic3A_761 : vector<16xi32>
      %shift_left3A_763 = arith.constant 23 : i32
      %shift_left3A_764 = vector.broadcast %shift_left3A_763 : i32 to vector<16xi32>
      %shift_left3A_765 = arith.shli %shift_right_arithmetic3A_762, %shift_left3A_764 : vector<16xi32>
      %sub3A_766 = arith.subi %bitcast3A_756, %shift_left3A_765 : vector<16xi32>
      %bitcast3A_767 = vector.bitcast %sub3A_766 : vector<16xi32> to vector<16xf32>
      %sub3A_768 = arith.constant 1.000000e+00 : f32
      %sub3A_769 = vector.broadcast %sub3A_768 : f32 to vector<16xf32>
      %sub3A_770 = arith.subf %bitcast3A_767, %sub3A_769 : vector<16xf32>
      %add3A_771 = arith.constant 1.000000e+00 : f32
      %add3A_772 = vector.broadcast %add3A_771 : f32 to vector<16xf32>
      %add3A_773 = arith.addf %bitcast3A_767, %add3A_772 : vector<16xf32>
      %div3A_774 = arith.divf %sub3A_770, %add3A_773 : vector<16xf32>
      %mul3A_775 = arith.mulf %div3A_774, %div3A_774 : vector<16xf32>
      %convert_element_type3A_776 = arith.sitofp %shift_right_arithmetic3A_762 : vector<16xi32> to vector<16xf32>
      %mul3A_777 = arith.constant 0.693147182 : f32
      %mul3A_778 = vector.broadcast %mul3A_777 : f32 to vector<16xf32>
      %mul3A_779 = arith.mulf %convert_element_type3A_776, %mul3A_778 : vector<16xf32>
      %mul3A_780 = arith.constant 4.000000e-01 : f32
      %mul3A_781 = vector.broadcast %mul3A_780 : f32 to vector<16xf32>
      %mul3A_782 = arith.mulf %mul3A_775, %mul3A_781 : vector<16xf32>
      %add3A_783 = arith.constant 0.666666686 : f32
      %add3A_784 = vector.broadcast %add3A_783 : f32 to vector<16xf32>
      %add3A_785 = arith.addf %add3A_784, %mul3A_782 : vector<16xf32>
      %mul3A_786 = arith.mulf %mul3A_775, %add3A_785 : vector<16xf32>
      %add3A_787 = arith.constant 2.000000e+00 : f32
      %add3A_788 = vector.broadcast %add3A_787 : f32 to vector<16xf32>
      %add3A_789 = arith.addf %add3A_788, %mul3A_786 : vector<16xf32>
      %mul3A_790 = arith.mulf %div3A_774, %add3A_789 : vector<16xf32>
      %add3A_791 = arith.addf %mul3A_779, %mul3A_790 : vector<16xf32>
      %add3A_792 = arith.addf %gather3A_707, %add3A_791 : vector<16xf32>
      %mul3A_793 = arith.constant 16 : i32
      %mul3A_794 = arith.muli %scan3A_687, %mul3A_793 : i32
      %add3A_795 = vector.broadcast %mul3A_794 : i32 to vector<16xi32>
      %add3A_796 = arith.addi %iota3A, %add3A_795 : vector<16xi32>
      %sub3A_797 = arith.subf %gather3A_698, %add3A_792 : vector<16xf32>
      tpu.vector_store_idx %arg9[%add3A_796, %broadcast_in_dim3A_37], %sub3A_797 : memref<512x5xf32, #tpu.memory_space<vmem>>[vector<16xi32>, vector<16xi32>], vector<16xf32>,
      %sub3A_798 = arith.subf %gather3A_701, %add3A_792 : vector<16xf32>
      tpu.vector_store_idx %arg9[%add3A_796, %add3A_40], %sub3A_798 : memref<512x5xf32, #tpu.memory_space<vmem>>[vector<16xi32>, vector<16xi32>], vector<16xf32>,
      %sub3A_799 = arith.constant 0.000000e+00 : f32
      %sub3A_800 = vector.broadcast %sub3A_799 : f32 to vector<16xf32>
      %sub3A_801 = arith.subf %sub3A_800, %add3A_792 : vector<16xf32>
      tpu.vector_store_idx %arg9[%add3A_796, %add3A_43], %sub3A_801 : memref<512x5xf32, #tpu.memory_space<vmem>>[vector<16xi32>, vector<16xi32>], vector<16xf32>,
      %sub3A_802 = arith.subf %add3A_753, %add3A_792 : vector<16xf32>
      tpu.vector_store_idx %arg9[%add3A_796, %add3A_46], %sub3A_802 : memref<512x5xf32, #tpu.memory_space<vmem>>[vector<16xi32>, vector<16xi32>], vector<16xf32>,
      %sub3A_803 = arith.subf %gather3A_704, %add3A_792 : vector<16xf32>
      tpu.vector_store_idx %arg9[%add3A_796, %add3A_49], %sub3A_803 : memref<512x5xf32, #tpu.memory_space<vmem>>[vector<16xi32>, vector<16xi32>], vector<16xf32>,
      %scan3A_804 = arith.constant 6 : i32
      %scan3A_805 = arith.addi %scan3A_103, %scan3A_804 : i32
      %mul3A_806 = arith.constant 16 : i32
      %mul3A_807 = arith.muli %scan3A_805, %mul3A_806 : i32
      %get3A_808 = arith.index_cast %mul3A_807 : i32 to index
      %get3A_809 = tpu.vector_load %arg6[%get3A_808] {strides = array<i32>} : memref<512xi32, #tpu.memory_space<vmem>>, vector<16xi32>,
      %mul3A_810 = arith.constant 16 : i32
      %mul3A_811 = arith.muli %scan3A_805, %mul3A_810 : i32
      %get3A_812 = arith.index_cast %mul3A_811 : i32 to index
      %get3A_813 = tpu.vector_load %arg7[%get3A_812] {strides = array<i32>} : memref<512xf32, #tpu.memory_space<vmem>>, vector<16xf32>,
      %broadcast_in_dim3A_814 = vector.shape_cast %get3A_809 : vector<16xi32> to vector<16x1xi32>
      %gather3A_815 = vector.shape_cast %broadcast_in_dim3A_814 : vector<16x1xi32> to vector<16xi32>
      %gather3A_816 = tpu.dynamic_gather %gather3A[%gather3A_815] in [0] : vector<16xf32>, vector<16xi32> -> vector<16xf32>
      %broadcast_in_dim3A_817 = vector.shape_cast %get3A_809 : vector<16xi32> to vector<16x1xi32>
      %gather3A_818 = vector.shape_cast %broadcast_in_dim3A_817 : vector<16x1xi32> to vector<16xi32>
      %gather3A_819 = tpu.dynamic_gather %gather3A_14[%gather3A_818] in [0] : vector<16xf32>, vector<16xi32> -> vector<16xf32>
      %broadcast_in_dim3A_820 = vector.shape_cast %get3A_809 : vector<16xi32> to vector<16x1xi32>
      %gather3A_821 = vector.shape_cast %broadcast_in_dim3A_820 : vector<16x1xi32> to vector<16xi32>
      %gather3A_822 = tpu.dynamic_gather %gather3A_18[%gather3A_821] in [0] : vector<16xf32>, vector<16xi32> -> vector<16xf32>
      %broadcast_in_dim3A_823 = vector.shape_cast %get3A_809 : vector<16xi32> to vector<16x1xi32>
      %gather3A_824 = vector.shape_cast %broadcast_in_dim3A_823 : vector<16x1xi32> to vector<16xi32>
      %gather3A_825 = tpu.dynamic_gather %max3A_22[%gather3A_824] in [0] : vector<16xf32>, vector<16xi32> -> vector<16xf32>
      %broadcast_in_dim3A_826 = vector.shape_cast %get3A_809 : vector<16xi32> to vector<16x1xi32>
      %gather3A_827 = vector.shape_cast %broadcast_in_dim3A_826 : vector<16x1xi32> to vector<16xi32>
      %gather3A_828 = tpu.dynamic_gather %exp3A[%gather3A_827] in [0] : vector<16xf32>, vector<16xi32> -> vector<16xf32>
      %broadcast_in_dim3A_829 = vector.shape_cast %get3A_809 : vector<16xi32> to vector<16x1xi32>
      %gather3A_830 = vector.shape_cast %broadcast_in_dim3A_829 : vector<16x1xi32> to vector<16xi32>
      %gather3A_831 = tpu.dynamic_gather %add3A_33[%gather3A_830] in [0] : vector<16xf32>, vector<16xi32> -> vector<16xf32>
      %sub3A_832 = arith.constant 2.000000e+00 : f32
      %sub3A_833 = vector.broadcast %sub3A_832 : f32 to vector<16xf32>
      %sub3A_834 = arith.subf %sub3A_833, %get3A_813 : vector<16xf32>
      %mul3A_835 = arith.mulf %get3A_813, %sub3A_834 : vector<16xf32>
      %bitcast3A_836 = vector.bitcast %mul3A_835 : vector<16xf32> to vector<16xi32>
      %sub3A_837 = arith.constant 1060439283 : i32
      %sub3A_838 = vector.broadcast %sub3A_837 : i32 to vector<16xi32>
      %sub3A_839 = arith.subi %bitcast3A_836, %sub3A_838 : vector<16xi32>
      %shift_right_arithmetic3A_840 = arith.constant 23 : i32
      %shift_right_arithmetic3A_841 = vector.broadcast %shift_right_arithmetic3A_840 : i32 to vector<16xi32>
      %shift_right_arithmetic3A_842 = arith.shrsi %sub3A_839, %shift_right_arithmetic3A_841 : vector<16xi32>
      %shift_left3A_843 = arith.constant 23 : i32
      %shift_left3A_844 = vector.broadcast %shift_left3A_843 : i32 to vector<16xi32>
      %shift_left3A_845 = arith.shli %shift_right_arithmetic3A_842, %shift_left3A_844 : vector<16xi32>
      %sub3A_846 = arith.subi %bitcast3A_836, %shift_left3A_845 : vector<16xi32>
      %bitcast3A_847 = vector.bitcast %sub3A_846 : vector<16xi32> to vector<16xf32>
      %sub3A_848 = arith.constant 1.000000e+00 : f32
      %sub3A_849 = vector.broadcast %sub3A_848 : f32 to vector<16xf32>
      %sub3A_850 = arith.subf %bitcast3A_847, %sub3A_849 : vector<16xf32>
      %add3A_851 = arith.constant 1.000000e+00 : f32
      %add3A_852 = vector.broadcast %add3A_851 : f32 to vector<16xf32>
      %add3A_853 = arith.addf %bitcast3A_847, %add3A_852 : vector<16xf32>
      %div3A_854 = arith.divf %sub3A_850, %add3A_853 : vector<16xf32>
      %mul3A_855 = arith.mulf %div3A_854, %div3A_854 : vector<16xf32>
      %convert_element_type3A_856 = arith.sitofp %shift_right_arithmetic3A_842 : vector<16xi32> to vector<16xf32>
      %mul3A_857 = arith.constant 0.693147182 : f32
      %mul3A_858 = vector.broadcast %mul3A_857 : f32 to vector<16xf32>
      %mul3A_859 = arith.mulf %convert_element_type3A_856, %mul3A_858 : vector<16xf32>
      %mul3A_860 = arith.constant 4.000000e-01 : f32
      %mul3A_861 = vector.broadcast %mul3A_860 : f32 to vector<16xf32>
      %mul3A_862 = arith.mulf %mul3A_855, %mul3A_861 : vector<16xf32>
      %add3A_863 = arith.constant 0.666666686 : f32
      %add3A_864 = vector.broadcast %add3A_863 : f32 to vector<16xf32>
      %add3A_865 = arith.addf %add3A_864, %mul3A_862 : vector<16xf32>
      %mul3A_866 = arith.mulf %mul3A_855, %add3A_865 : vector<16xf32>
      %add3A_867 = arith.constant 2.000000e+00 : f32
      %add3A_868 = vector.broadcast %add3A_867 : f32 to vector<16xf32>
      %add3A_869 = arith.addf %add3A_868, %mul3A_866 : vector<16xf32>
      %mul3A_870 = arith.mulf %div3A_854, %add3A_869 : vector<16xf32>
      %add3A_871 = arith.addf %mul3A_859, %mul3A_870 : vector<16xf32>
      %mul3A_872 = arith.mulf %mul3A_835, %gather3A_828 : vector<16xf32>
      %add3A_873 = arith.addf %gather3A_831, %mul3A_872 : vector<16xf32>
      %bitcast3A_874 = vector.bitcast %add3A_873 : vector<16xf32> to vector<16xi32>
      %sub3A_875 = arith.constant 1060439283 : i32
      %sub3A_876 = vector.broadcast %sub3A_875 : i32 to vector<16xi32>
      %sub3A_877 = arith.subi %bitcast3A_874, %sub3A_876 : vector<16xi32>
      %shift_right_arithmetic3A_878 = arith.constant 23 : i32
      %shift_right_arithmetic3A_879 = vector.broadcast %shift_right_arithmetic3A_878 : i32 to vector<16xi32>
      %shift_right_arithmetic3A_880 = arith.shrsi %sub3A_877, %shift_right_arithmetic3A_879 : vector<16xi32>
      %shift_left3A_881 = arith.constant 23 : i32
      %shift_left3A_882 = vector.broadcast %shift_left3A_881 : i32 to vector<16xi32>
      %shift_left3A_883 = arith.shli %shift_right_arithmetic3A_880, %shift_left3A_882 : vector<16xi32>
      %sub3A_884 = arith.subi %bitcast3A_874, %shift_left3A_883 : vector<16xi32>
      %bitcast3A_885 = vector.bitcast %sub3A_884 : vector<16xi32> to vector<16xf32>
      %sub3A_886 = arith.constant 1.000000e+00 : f32
      %sub3A_887 = vector.broadcast %sub3A_886 : f32 to vector<16xf32>
      %sub3A_888 = arith.subf %bitcast3A_885, %sub3A_887 : vector<16xf32>
      %add3A_889 = arith.constant 1.000000e+00 : f32
      %add3A_890 = vector.broadcast %add3A_889 : f32 to vector<16xf32>
      %add3A_891 = arith.addf %bitcast3A_885, %add3A_890 : vector<16xf32>
      %div3A_892 = arith.divf %sub3A_888, %add3A_891 : vector<16xf32>
      %mul3A_893 = arith.mulf %div3A_892, %div3A_892 : vector<16xf32>
      %convert_element_type3A_894 = arith.sitofp %shift_right_arithmetic3A_880 : vector<16xi32> to vector<16xf32>
      %mul3A_895 = arith.constant 0.693147182 : f32
      %mul3A_896 = vector.broadcast %mul3A_895 : f32 to vector<16xf32>
      %mul3A_897 = arith.mulf %convert_element_type3A_894, %mul3A_896 : vector<16xf32>
      %mul3A_898 = arith.constant 4.000000e-01 : f32
      %mul3A_899 = vector.broadcast %mul3A_898 : f32 to vector<16xf32>
      %mul3A_900 = arith.mulf %mul3A_893, %mul3A_899 : vector<16xf32>
      %add3A_901 = arith.constant 0.666666686 : f32
      %add3A_902 = vector.broadcast %add3A_901 : f32 to vector<16xf32>
      %add3A_903 = arith.addf %add3A_902, %mul3A_900 : vector<16xf32>
      %mul3A_904 = arith.mulf %mul3A_893, %add3A_903 : vector<16xf32>
      %add3A_905 = arith.constant 2.000000e+00 : f32
      %add3A_906 = vector.broadcast %add3A_905 : f32 to vector<16xf32>
      %add3A_907 = arith.addf %add3A_906, %mul3A_904 : vector<16xf32>
      %mul3A_908 = arith.mulf %div3A_892, %add3A_907 : vector<16xf32>
      %add3A_909 = arith.addf %mul3A_897, %mul3A_908 : vector<16xf32>
      %add3A_910 = arith.addf %gather3A_825, %add3A_909 : vector<16xf32>
      %mul3A_911 = arith.constant 16 : i32
      %mul3A_912 = arith.muli %scan3A_805, %mul3A_911 : i32
      %add3A_913 = vector.broadcast %mul3A_912 : i32 to vector<16xi32>
      %add3A_914 = arith.addi %iota3A, %add3A_913 : vector<16xi32>
      %sub3A_915 = arith.subf %gather3A_816, %add3A_910 : vector<16xf32>
      tpu.vector_store_idx %arg9[%add3A_914, %broadcast_in_dim3A_37], %sub3A_915 : memref<512x5xf32, #tpu.memory_space<vmem>>[vector<16xi32>, vector<16xi32>], vector<16xf32>,
      %sub3A_916 = arith.subf %gather3A_819, %add3A_910 : vector<16xf32>
      tpu.vector_store_idx %arg9[%add3A_914, %add3A_40], %sub3A_916 : memref<512x5xf32, #tpu.memory_space<vmem>>[vector<16xi32>, vector<16xi32>], vector<16xf32>,
      %sub3A_917 = arith.constant 0.000000e+00 : f32
      %sub3A_918 = vector.broadcast %sub3A_917 : f32 to vector<16xf32>
      %sub3A_919 = arith.subf %sub3A_918, %add3A_910 : vector<16xf32>
      tpu.vector_store_idx %arg9[%add3A_914, %add3A_43], %sub3A_919 : memref<512x5xf32, #tpu.memory_space<vmem>>[vector<16xi32>, vector<16xi32>], vector<16xf32>,
      %sub3A_920 = arith.subf %add3A_871, %add3A_910 : vector<16xf32>
      tpu.vector_store_idx %arg9[%add3A_914, %add3A_46], %sub3A_920 : memref<512x5xf32, #tpu.memory_space<vmem>>[vector<16xi32>, vector<16xi32>], vector<16xf32>,
      %sub3A_921 = arith.subf %gather3A_822, %add3A_910 : vector<16xf32>
      tpu.vector_store_idx %arg9[%add3A_914, %add3A_49], %sub3A_921 : memref<512x5xf32, #tpu.memory_space<vmem>>[vector<16xi32>, vector<16xi32>], vector<16xf32>,
      %scan3A_922 = arith.constant 7 : i32
      %scan3A_923 = arith.addi %scan3A_103, %scan3A_922 : i32
      %mul3A_924 = arith.constant 16 : i32
      %mul3A_925 = arith.muli %scan3A_923, %mul3A_924 : i32
      %get3A_926 = arith.index_cast %mul3A_925 : i32 to index
      %get3A_927 = tpu.vector_load %arg6[%get3A_926] {strides = array<i32>} : memref<512xi32, #tpu.memory_space<vmem>>, vector<16xi32>,
      %mul3A_928 = arith.constant 16 : i32
      %mul3A_929 = arith.muli %scan3A_923, %mul3A_928 : i32
      %get3A_930 = arith.index_cast %mul3A_929 : i32 to index
      %get3A_931 = tpu.vector_load %arg7[%get3A_930] {strides = array<i32>} : memref<512xf32, #tpu.memory_space<vmem>>, vector<16xf32>,
      %broadcast_in_dim3A_932 = vector.shape_cast %get3A_927 : vector<16xi32> to vector<16x1xi32>
      %gather3A_933 = vector.shape_cast %broadcast_in_dim3A_932 : vector<16x1xi32> to vector<16xi32>
      %gather3A_934 = tpu.dynamic_gather %gather3A[%gather3A_933] in [0] : vector<16xf32>, vector<16xi32> -> vector<16xf32>
      %broadcast_in_dim3A_935 = vector.shape_cast %get3A_927 : vector<16xi32> to vector<16x1xi32>
      %gather3A_936 = vector.shape_cast %broadcast_in_dim3A_935 : vector<16x1xi32> to vector<16xi32>
      %gather3A_937 = tpu.dynamic_gather %gather3A_14[%gather3A_936] in [0] : vector<16xf32>, vector<16xi32> -> vector<16xf32>
      %broadcast_in_dim3A_938 = vector.shape_cast %get3A_927 : vector<16xi32> to vector<16x1xi32>
      %gather3A_939 = vector.shape_cast %broadcast_in_dim3A_938 : vector<16x1xi32> to vector<16xi32>
      %gather3A_940 = tpu.dynamic_gather %gather3A_18[%gather3A_939] in [0] : vector<16xf32>, vector<16xi32> -> vector<16xf32>
      %broadcast_in_dim3A_941 = vector.shape_cast %get3A_927 : vector<16xi32> to vector<16x1xi32>
      %gather3A_942 = vector.shape_cast %broadcast_in_dim3A_941 : vector<16x1xi32> to vector<16xi32>
      %gather3A_943 = tpu.dynamic_gather %max3A_22[%gather3A_942] in [0] : vector<16xf32>, vector<16xi32> -> vector<16xf32>
      %broadcast_in_dim3A_944 = vector.shape_cast %get3A_927 : vector<16xi32> to vector<16x1xi32>
      %gather3A_945 = vector.shape_cast %broadcast_in_dim3A_944 : vector<16x1xi32> to vector<16xi32>
      %gather3A_946 = tpu.dynamic_gather %exp3A[%gather3A_945] in [0] : vector<16xf32>, vector<16xi32> -> vector<16xf32>
      %broadcast_in_dim3A_947 = vector.shape_cast %get3A_927 : vector<16xi32> to vector<16x1xi32>
      %gather3A_948 = vector.shape_cast %broadcast_in_dim3A_947 : vector<16x1xi32> to vector<16xi32>
      %gather3A_949 = tpu.dynamic_gather %add3A_33[%gather3A_948] in [0] : vector<16xf32>, vector<16xi32> -> vector<16xf32>
      %sub3A_950 = arith.constant 2.000000e+00 : f32
      %sub3A_951 = vector.broadcast %sub3A_950 : f32 to vector<16xf32>
      %sub3A_952 = arith.subf %sub3A_951, %get3A_931 : vector<16xf32>
      %mul3A_953 = arith.mulf %get3A_931, %sub3A_952 : vector<16xf32>
      %bitcast3A_954 = vector.bitcast %mul3A_953 : vector<16xf32> to vector<16xi32>
      %sub3A_955 = arith.constant 1060439283 : i32
      %sub3A_956 = vector.broadcast %sub3A_955 : i32 to vector<16xi32>
      %sub3A_957 = arith.subi %bitcast3A_954, %sub3A_956 : vector<16xi32>
      %shift_right_arithmetic3A_958 = arith.constant 23 : i32
      %shift_right_arithmetic3A_959 = vector.broadcast %shift_right_arithmetic3A_958 : i32 to vector<16xi32>
      %shift_right_arithmetic3A_960 = arith.shrsi %sub3A_957, %shift_right_arithmetic3A_959 : vector<16xi32>
      %shift_left3A_961 = arith.constant 23 : i32
      %shift_left3A_962 = vector.broadcast %shift_left3A_961 : i32 to vector<16xi32>
      %shift_left3A_963 = arith.shli %shift_right_arithmetic3A_960, %shift_left3A_962 : vector<16xi32>
      %sub3A_964 = arith.subi %bitcast3A_954, %shift_left3A_963 : vector<16xi32>
      %bitcast3A_965 = vector.bitcast %sub3A_964 : vector<16xi32> to vector<16xf32>
      %sub3A_966 = arith.constant 1.000000e+00 : f32
      %sub3A_967 = vector.broadcast %sub3A_966 : f32 to vector<16xf32>
      %sub3A_968 = arith.subf %bitcast3A_965, %sub3A_967 : vector<16xf32>
      %add3A_969 = arith.constant 1.000000e+00 : f32
      %add3A_970 = vector.broadcast %add3A_969 : f32 to vector<16xf32>
      %add3A_971 = arith.addf %bitcast3A_965, %add3A_970 : vector<16xf32>
      %div3A_972 = arith.divf %sub3A_968, %add3A_971 : vector<16xf32>
      %mul3A_973 = arith.mulf %div3A_972, %div3A_972 : vector<16xf32>
      %convert_element_type3A_974 = arith.sitofp %shift_right_arithmetic3A_960 : vector<16xi32> to vector<16xf32>
      %mul3A_975 = arith.constant 0.693147182 : f32
      %mul3A_976 = vector.broadcast %mul3A_975 : f32 to vector<16xf32>
      %mul3A_977 = arith.mulf %convert_element_type3A_974, %mul3A_976 : vector<16xf32>
      %mul3A_978 = arith.constant 4.000000e-01 : f32
      %mul3A_979 = vector.broadcast %mul3A_978 : f32 to vector<16xf32>
      %mul3A_980 = arith.mulf %mul3A_973, %mul3A_979 : vector<16xf32>
      %add3A_981 = arith.constant 0.666666686 : f32
      %add3A_982 = vector.broadcast %add3A_981 : f32 to vector<16xf32>
      %add3A_983 = arith.addf %add3A_982, %mul3A_980 : vector<16xf32>
      %mul3A_984 = arith.mulf %mul3A_973, %add3A_983 : vector<16xf32>
      %add3A_985 = arith.constant 2.000000e+00 : f32
      %add3A_986 = vector.broadcast %add3A_985 : f32 to vector<16xf32>
      %add3A_987 = arith.addf %add3A_986, %mul3A_984 : vector<16xf32>
      %mul3A_988 = arith.mulf %div3A_972, %add3A_987 : vector<16xf32>
      %add3A_989 = arith.addf %mul3A_977, %mul3A_988 : vector<16xf32>
      %mul3A_990 = arith.mulf %mul3A_953, %gather3A_946 : vector<16xf32>
      %add3A_991 = arith.addf %gather3A_949, %mul3A_990 : vector<16xf32>
      %bitcast3A_992 = vector.bitcast %add3A_991 : vector<16xf32> to vector<16xi32>
      %sub3A_993 = arith.constant 1060439283 : i32
      %sub3A_994 = vector.broadcast %sub3A_993 : i32 to vector<16xi32>
      %sub3A_995 = arith.subi %bitcast3A_992, %sub3A_994 : vector<16xi32>
      %shift_right_arithmetic3A_996 = arith.constant 23 : i32
      %shift_right_arithmetic3A_997 = vector.broadcast %shift_right_arithmetic3A_996 : i32 to vector<16xi32>
      %shift_right_arithmetic3A_998 = arith.shrsi %sub3A_995, %shift_right_arithmetic3A_997 : vector<16xi32>
      %shift_left3A_999 = arith.constant 23 : i32
      %shift_left3A_1000 = vector.broadcast %shift_left3A_999 : i32 to vector<16xi32>
      %shift_left3A_1001 = arith.shli %shift_right_arithmetic3A_998, %shift_left3A_1000 : vector<16xi32>
      %sub3A_1002 = arith.subi %bitcast3A_992, %shift_left3A_1001 : vector<16xi32>
      %bitcast3A_1003 = vector.bitcast %sub3A_1002 : vector<16xi32> to vector<16xf32>
      %sub3A_1004 = arith.constant 1.000000e+00 : f32
      %sub3A_1005 = vector.broadcast %sub3A_1004 : f32 to vector<16xf32>
      %sub3A_1006 = arith.subf %bitcast3A_1003, %sub3A_1005 : vector<16xf32>
      %add3A_1007 = arith.constant 1.000000e+00 : f32
      %add3A_1008 = vector.broadcast %add3A_1007 : f32 to vector<16xf32>
      %add3A_1009 = arith.addf %bitcast3A_1003, %add3A_1008 : vector<16xf32>
      %div3A_1010 = arith.divf %sub3A_1006, %add3A_1009 : vector<16xf32>
      %mul3A_1011 = arith.mulf %div3A_1010, %div3A_1010 : vector<16xf32>
      %convert_element_type3A_1012 = arith.sitofp %shift_right_arithmetic3A_998 : vector<16xi32> to vector<16xf32>
      %mul3A_1013 = arith.constant 0.693147182 : f32
      %mul3A_1014 = vector.broadcast %mul3A_1013 : f32 to vector<16xf32>
      %mul3A_1015 = arith.mulf %convert_element_type3A_1012, %mul3A_1014 : vector<16xf32>
      %mul3A_1016 = arith.constant 4.000000e-01 : f32
      %mul3A_1017 = vector.broadcast %mul3A_1016 : f32 to vector<16xf32>
      %mul3A_1018 = arith.mulf %mul3A_1011, %mul3A_1017 : vector<16xf32>
      %add3A_1019 = arith.constant 0.666666686 : f32
      %add3A_1020 = vector.broadcast %add3A_1019 : f32 to vector<16xf32>
      %add3A_1021 = arith.addf %add3A_1020, %mul3A_1018 : vector<16xf32>
      %mul3A_1022 = arith.mulf %mul3A_1011, %add3A_1021 : vector<16xf32>
      %add3A_1023 = arith.constant 2.000000e+00 : f32
      %add3A_1024 = vector.broadcast %add3A_1023 : f32 to vector<16xf32>
      %add3A_1025 = arith.addf %add3A_1024, %mul3A_1022 : vector<16xf32>
      %mul3A_1026 = arith.mulf %div3A_1010, %add3A_1025 : vector<16xf32>
      %add3A_1027 = arith.addf %mul3A_1015, %mul3A_1026 : vector<16xf32>
      %add3A_1028 = arith.addf %gather3A_943, %add3A_1027 : vector<16xf32>
      %mul3A_1029 = arith.constant 16 : i32
      %mul3A_1030 = arith.muli %scan3A_923, %mul3A_1029 : i32
      %add3A_1031 = vector.broadcast %mul3A_1030 : i32 to vector<16xi32>
      %add3A_1032 = arith.addi %iota3A, %add3A_1031 : vector<16xi32>
      %sub3A_1033 = arith.subf %gather3A_934, %add3A_1028 : vector<16xf32>
      tpu.vector_store_idx %arg9[%add3A_1032, %broadcast_in_dim3A_37], %sub3A_1033 : memref<512x5xf32, #tpu.memory_space<vmem>>[vector<16xi32>, vector<16xi32>], vector<16xf32>,
      %sub3A_1034 = arith.subf %gather3A_937, %add3A_1028 : vector<16xf32>
      tpu.vector_store_idx %arg9[%add3A_1032, %add3A_40], %sub3A_1034 : memref<512x5xf32, #tpu.memory_space<vmem>>[vector<16xi32>, vector<16xi32>], vector<16xf32>,
      %sub3A_1035 = arith.constant 0.000000e+00 : f32
      %sub3A_1036 = vector.broadcast %sub3A_1035 : f32 to vector<16xf32>
      %sub3A_1037 = arith.subf %sub3A_1036, %add3A_1028 : vector<16xf32>
      tpu.vector_store_idx %arg9[%add3A_1032, %add3A_43], %sub3A_1037 : memref<512x5xf32, #tpu.memory_space<vmem>>[vector<16xi32>, vector<16xi32>], vector<16xf32>,
      %sub3A_1038 = arith.subf %add3A_989, %add3A_1028 : vector<16xf32>
      tpu.vector_store_idx %arg9[%add3A_1032, %add3A_46], %sub3A_1038 : memref<512x5xf32, #tpu.memory_space<vmem>>[vector<16xi32>, vector<16xi32>], vector<16xf32>,
      %sub3A_1039 = arith.subf %gather3A_940, %add3A_1028 : vector<16xf32>
      tpu.vector_store_idx %arg9[%add3A_1032, %add3A_49], %sub3A_1039 : memref<512x5xf32, #tpu.memory_space<vmem>>[vector<16xi32>, vector<16xi32>], vector<16xf32>,
    }
    %scan3A_54 = arith.constant 16 : i32
    %dma_start3A_55 = arith.constant 0 : i32
    %dma_start3A_56 = arith.constant 0 : i32
    %dma_start3A_57 = tpu.memref_slice %arg9[%dma_start3A_55, %dma_start3A_56] : memref<512x5xf32, #tpu.memory_space<vmem>> -> memref<256x5xf32, #tpu.memory_space<vmem>>
    %dma_start3A_58 = arith.constant 0 : i32
    %dma_start3A_59 = tpu.memref_slice %arg5[%mul3A_2, %dma_start3A_58] : memref<16384x5xf32, #tpu.memory_space<hbm>> -> memref<256x5xf32, #tpu.memory_space<hbm>>
    %dma_start3A_60 = arith.constant 0 : i32
    %dma_start3A_61 = tpu.memref_slice %arg5[%mul3A_2, %dma_start3A_60] : memref<16384x5xf32, #tpu.memory_space<hbm>> -> memref<256x5xf32, #tpu.memory_space<hbm>>
    %dma_start3A_62 = arith.constant 0 : i32
    %dma_start3A_63 = arith.constant 0 : i32
    %dma_start3A_64 = tpu.memref_slice %arg9[%dma_start3A_62, %dma_start3A_63] : memref<512x5xf32, #tpu.memory_space<vmem>> -> memref<256x5xf32, #tpu.memory_space<vmem>>
    tpu.enqueue_dma source(%dma_start3A_64 : memref<256x5xf32, #tpu.memory_space<vmem>>) target(%dma_start3A_61 : memref<256x5xf32, #tpu.memory_space<hbm>>) target_semaphore(%arg11 : memref<!tpu.dma_semaphore, #tpu.memory_space<semaphore_mem>>)
    %scan3A_65 = arith.constant 0 : i32
    %scan3A_66 = arith.constant 16 : i32
    %scan3A_67 = arith.constant 16 : i32
    %scan3A_68 = arith.addi %scan3A_66, %scan3A_67 : i32
    %scan3A_69 = arith.constant 8 : i32
    scf.for %scan3A_103 = %scan3A_66 to %scan3A_68 step %scan3A_69  : i32 {
      %mul3A_104 = arith.constant 16 : i32
      %mul3A_105 = arith.muli %scan3A_103, %mul3A_104 : i32
      %get3A = arith.index_cast %mul3A_105 : i32 to index
      %get3A_106 = tpu.vector_load %arg6[%get3A] {strides = array<i32>} : memref<512xi32, #tpu.memory_space<vmem>>, vector<16xi32>,
      %mul3A_107 = arith.constant 16 : i32
      %mul3A_108 = arith.muli %scan3A_103, %mul3A_107 : i32
      %get3A_109 = arith.index_cast %mul3A_108 : i32 to index
      %get3A_110 = tpu.vector_load %arg7[%get3A_109] {strides = array<i32>} : memref<512xf32, #tpu.memory_space<vmem>>, vector<16xf32>,
      %broadcast_in_dim3A_111 = vector.shape_cast %get3A_106 : vector<16xi32> to vector<16x1xi32>
      %gather3A_112 = vector.shape_cast %broadcast_in_dim3A_111 : vector<16x1xi32> to vector<16xi32>
      %gather3A_113 = tpu.dynamic_gather %gather3A[%gather3A_112] in [0] : vector<16xf32>, vector<16xi32> -> vector<16xf32>
      %broadcast_in_dim3A_114 = vector.shape_cast %get3A_106 : vector<16xi32> to vector<16x1xi32>
      %gather3A_115 = vector.shape_cast %broadcast_in_dim3A_114 : vector<16x1xi32> to vector<16xi32>
      %gather3A_116 = tpu.dynamic_gather %gather3A_14[%gather3A_115] in [0] : vector<16xf32>, vector<16xi32> -> vector<16xf32>
      %broadcast_in_dim3A_117 = vector.shape_cast %get3A_106 : vector<16xi32> to vector<16x1xi32>
      %gather3A_118 = vector.shape_cast %broadcast_in_dim3A_117 : vector<16x1xi32> to vector<16xi32>
      %gather3A_119 = tpu.dynamic_gather %gather3A_18[%gather3A_118] in [0] : vector<16xf32>, vector<16xi32> -> vector<16xf32>
      %broadcast_in_dim3A_120 = vector.shape_cast %get3A_106 : vector<16xi32> to vector<16x1xi32>
      %gather3A_121 = vector.shape_cast %broadcast_in_dim3A_120 : vector<16x1xi32> to vector<16xi32>
      %gather3A_122 = tpu.dynamic_gather %max3A_22[%gather3A_121] in [0] : vector<16xf32>, vector<16xi32> -> vector<16xf32>
      %broadcast_in_dim3A_123 = vector.shape_cast %get3A_106 : vector<16xi32> to vector<16x1xi32>
      %gather3A_124 = vector.shape_cast %broadcast_in_dim3A_123 : vector<16x1xi32> to vector<16xi32>
      %gather3A_125 = tpu.dynamic_gather %exp3A[%gather3A_124] in [0] : vector<16xf32>, vector<16xi32> -> vector<16xf32>
      %broadcast_in_dim3A_126 = vector.shape_cast %get3A_106 : vector<16xi32> to vector<16x1xi32>
      %gather3A_127 = vector.shape_cast %broadcast_in_dim3A_126 : vector<16x1xi32> to vector<16xi32>
      %gather3A_128 = tpu.dynamic_gather %add3A_33[%gather3A_127] in [0] : vector<16xf32>, vector<16xi32> -> vector<16xf32>
      %sub3A_129 = arith.constant 2.000000e+00 : f32
      %sub3A_130 = vector.broadcast %sub3A_129 : f32 to vector<16xf32>
      %sub3A_131 = arith.subf %sub3A_130, %get3A_110 : vector<16xf32>
      %mul3A_132 = arith.mulf %get3A_110, %sub3A_131 : vector<16xf32>
      %bitcast3A = vector.bitcast %mul3A_132 : vector<16xf32> to vector<16xi32>
      %sub3A_133 = arith.constant 1060439283 : i32
      %sub3A_134 = vector.broadcast %sub3A_133 : i32 to vector<16xi32>
      %sub3A_135 = arith.subi %bitcast3A, %sub3A_134 : vector<16xi32>
      %shift_right_arithmetic3A = arith.constant 23 : i32
      %shift_right_arithmetic3A_136 = vector.broadcast %shift_right_arithmetic3A : i32 to vector<16xi32>
      %shift_right_arithmetic3A_137 = arith.shrsi %sub3A_135, %shift_right_arithmetic3A_136 : vector<16xi32>
      %shift_left3A = arith.constant 23 : i32
      %shift_left3A_138 = vector.broadcast %shift_left3A : i32 to vector<16xi32>
      %shift_left3A_139 = arith.shli %shift_right_arithmetic3A_137, %shift_left3A_138 : vector<16xi32>
      %sub3A_140 = arith.subi %bitcast3A, %shift_left3A_139 : vector<16xi32>
      %bitcast3A_141 = vector.bitcast %sub3A_140 : vector<16xi32> to vector<16xf32>
      %sub3A_142 = arith.constant 1.000000e+00 : f32
      %sub3A_143 = vector.broadcast %sub3A_142 : f32 to vector<16xf32>
      %sub3A_144 = arith.subf %bitcast3A_141, %sub3A_143 : vector<16xf32>
      %add3A_145 = arith.constant 1.000000e+00 : f32
      %add3A_146 = vector.broadcast %add3A_145 : f32 to vector<16xf32>
      %add3A_147 = arith.addf %bitcast3A_141, %add3A_146 : vector<16xf32>
      %div3A = arith.divf %sub3A_144, %add3A_147 : vector<16xf32>
      %mul3A_148 = arith.mulf %div3A, %div3A : vector<16xf32>
      %convert_element_type3A = arith.sitofp %shift_right_arithmetic3A_137 : vector<16xi32> to vector<16xf32>
      %mul3A_149 = arith.constant 0.693147182 : f32
      %mul3A_150 = vector.broadcast %mul3A_149 : f32 to vector<16xf32>
      %mul3A_151 = arith.mulf %convert_element_type3A, %mul3A_150 : vector<16xf32>
      %mul3A_152 = arith.constant 4.000000e-01 : f32
      %mul3A_153 = vector.broadcast %mul3A_152 : f32 to vector<16xf32>
      %mul3A_154 = arith.mulf %mul3A_148, %mul3A_153 : vector<16xf32>
      %add3A_155 = arith.constant 0.666666686 : f32
      %add3A_156 = vector.broadcast %add3A_155 : f32 to vector<16xf32>
      %add3A_157 = arith.addf %add3A_156, %mul3A_154 : vector<16xf32>
      %mul3A_158 = arith.mulf %mul3A_148, %add3A_157 : vector<16xf32>
      %add3A_159 = arith.constant 2.000000e+00 : f32
      %add3A_160 = vector.broadcast %add3A_159 : f32 to vector<16xf32>
      %add3A_161 = arith.addf %add3A_160, %mul3A_158 : vector<16xf32>
      %mul3A_162 = arith.mulf %div3A, %add3A_161 : vector<16xf32>
      %add3A_163 = arith.addf %mul3A_151, %mul3A_162 : vector<16xf32>
      %mul3A_164 = arith.mulf %mul3A_132, %gather3A_125 : vector<16xf32>
      %add3A_165 = arith.addf %gather3A_128, %mul3A_164 : vector<16xf32>
      %bitcast3A_166 = vector.bitcast %add3A_165 : vector<16xf32> to vector<16xi32>
      %sub3A_167 = arith.constant 1060439283 : i32
      %sub3A_168 = vector.broadcast %sub3A_167 : i32 to vector<16xi32>
      %sub3A_169 = arith.subi %bitcast3A_166, %sub3A_168 : vector<16xi32>
      %shift_right_arithmetic3A_170 = arith.constant 23 : i32
      %shift_right_arithmetic3A_171 = vector.broadcast %shift_right_arithmetic3A_170 : i32 to vector<16xi32>
      %shift_right_arithmetic3A_172 = arith.shrsi %sub3A_169, %shift_right_arithmetic3A_171 : vector<16xi32>
      %shift_left3A_173 = arith.constant 23 : i32
      %shift_left3A_174 = vector.broadcast %shift_left3A_173 : i32 to vector<16xi32>
      %shift_left3A_175 = arith.shli %shift_right_arithmetic3A_172, %shift_left3A_174 : vector<16xi32>
      %sub3A_176 = arith.subi %bitcast3A_166, %shift_left3A_175 : vector<16xi32>
      %bitcast3A_177 = vector.bitcast %sub3A_176 : vector<16xi32> to vector<16xf32>
      %sub3A_178 = arith.constant 1.000000e+00 : f32
      %sub3A_179 = vector.broadcast %sub3A_178 : f32 to vector<16xf32>
      %sub3A_180 = arith.subf %bitcast3A_177, %sub3A_179 : vector<16xf32>
      %add3A_181 = arith.constant 1.000000e+00 : f32
      %add3A_182 = vector.broadcast %add3A_181 : f32 to vector<16xf32>
      %add3A_183 = arith.addf %bitcast3A_177, %add3A_182 : vector<16xf32>
      %div3A_184 = arith.divf %sub3A_180, %add3A_183 : vector<16xf32>
      %mul3A_185 = arith.mulf %div3A_184, %div3A_184 : vector<16xf32>
      %convert_element_type3A_186 = arith.sitofp %shift_right_arithmetic3A_172 : vector<16xi32> to vector<16xf32>
      %mul3A_187 = arith.constant 0.693147182 : f32
      %mul3A_188 = vector.broadcast %mul3A_187 : f32 to vector<16xf32>
      %mul3A_189 = arith.mulf %convert_element_type3A_186, %mul3A_188 : vector<16xf32>
      %mul3A_190 = arith.constant 4.000000e-01 : f32
      %mul3A_191 = vector.broadcast %mul3A_190 : f32 to vector<16xf32>
      %mul3A_192 = arith.mulf %mul3A_185, %mul3A_191 : vector<16xf32>
      %add3A_193 = arith.constant 0.666666686 : f32
      %add3A_194 = vector.broadcast %add3A_193 : f32 to vector<16xf32>
      %add3A_195 = arith.addf %add3A_194, %mul3A_192 : vector<16xf32>
      %mul3A_196 = arith.mulf %mul3A_185, %add3A_195 : vector<16xf32>
      %add3A_197 = arith.constant 2.000000e+00 : f32
      %add3A_198 = vector.broadcast %add3A_197 : f32 to vector<16xf32>
      %add3A_199 = arith.addf %add3A_198, %mul3A_196 : vector<16xf32>
      %mul3A_200 = arith.mulf %div3A_184, %add3A_199 : vector<16xf32>
      %add3A_201 = arith.addf %mul3A_189, %mul3A_200 : vector<16xf32>
      %add3A_202 = arith.addf %gather3A_122, %add3A_201 : vector<16xf32>
      %mul3A_203 = arith.constant 16 : i32
      %mul3A_204 = arith.muli %scan3A_103, %mul3A_203 : i32
      %add3A_205 = vector.broadcast %mul3A_204 : i32 to vector<16xi32>
      %add3A_206 = arith.addi %iota3A, %add3A_205 : vector<16xi32>
      %sub3A_207 = arith.subf %gather3A_113, %add3A_202 : vector<16xf32>
      tpu.vector_store_idx %arg9[%add3A_206, %broadcast_in_dim3A_37], %sub3A_207 : memref<512x5xf32, #tpu.memory_space<vmem>>[vector<16xi32>, vector<16xi32>], vector<16xf32>,
      %sub3A_208 = arith.subf %gather3A_116, %add3A_202 : vector<16xf32>
      tpu.vector_store_idx %arg9[%add3A_206, %add3A_40], %sub3A_208 : memref<512x5xf32, #tpu.memory_space<vmem>>[vector<16xi32>, vector<16xi32>], vector<16xf32>,
      %sub3A_209 = arith.constant 0.000000e+00 : f32
      %sub3A_210 = vector.broadcast %sub3A_209 : f32 to vector<16xf32>
      %sub3A_211 = arith.subf %sub3A_210, %add3A_202 : vector<16xf32>
      tpu.vector_store_idx %arg9[%add3A_206, %add3A_43], %sub3A_211 : memref<512x5xf32, #tpu.memory_space<vmem>>[vector<16xi32>, vector<16xi32>], vector<16xf32>,
      %sub3A_212 = arith.subf %add3A_163, %add3A_202 : vector<16xf32>
      tpu.vector_store_idx %arg9[%add3A_206, %add3A_46], %sub3A_212 : memref<512x5xf32, #tpu.memory_space<vmem>>[vector<16xi32>, vector<16xi32>], vector<16xf32>,
      %sub3A_213 = arith.subf %gather3A_119, %add3A_202 : vector<16xf32>
      tpu.vector_store_idx %arg9[%add3A_206, %add3A_49], %sub3A_213 : memref<512x5xf32, #tpu.memory_space<vmem>>[vector<16xi32>, vector<16xi32>], vector<16xf32>,
      %scan3A_214 = arith.constant 1 : i32
      %scan3A_215 = arith.addi %scan3A_103, %scan3A_214 : i32
      %mul3A_216 = arith.constant 16 : i32
      %mul3A_217 = arith.muli %scan3A_215, %mul3A_216 : i32
      %get3A_218 = arith.index_cast %mul3A_217 : i32 to index
      %get3A_219 = tpu.vector_load %arg6[%get3A_218] {strides = array<i32>} : memref<512xi32, #tpu.memory_space<vmem>>, vector<16xi32>,
      %mul3A_220 = arith.constant 16 : i32
      %mul3A_221 = arith.muli %scan3A_215, %mul3A_220 : i32
      %get3A_222 = arith.index_cast %mul3A_221 : i32 to index
      %get3A_223 = tpu.vector_load %arg7[%get3A_222] {strides = array<i32>} : memref<512xf32, #tpu.memory_space<vmem>>, vector<16xf32>,
      %broadcast_in_dim3A_224 = vector.shape_cast %get3A_219 : vector<16xi32> to vector<16x1xi32>
      %gather3A_225 = vector.shape_cast %broadcast_in_dim3A_224 : vector<16x1xi32> to vector<16xi32>
      %gather3A_226 = tpu.dynamic_gather %gather3A[%gather3A_225] in [0] : vector<16xf32>, vector<16xi32> -> vector<16xf32>
      %broadcast_in_dim3A_227 = vector.shape_cast %get3A_219 : vector<16xi32> to vector<16x1xi32>
      %gather3A_228 = vector.shape_cast %broadcast_in_dim3A_227 : vector<16x1xi32> to vector<16xi32>
      %gather3A_229 = tpu.dynamic_gather %gather3A_14[%gather3A_228] in [0] : vector<16xf32>, vector<16xi32> -> vector<16xf32>
      %broadcast_in_dim3A_230 = vector.shape_cast %get3A_219 : vector<16xi32> to vector<16x1xi32>
      %gather3A_231 = vector.shape_cast %broadcast_in_dim3A_230 : vector<16x1xi32> to vector<16xi32>
      %gather3A_232 = tpu.dynamic_gather %gather3A_18[%gather3A_231] in [0] : vector<16xf32>, vector<16xi32> -> vector<16xf32>
      %broadcast_in_dim3A_233 = vector.shape_cast %get3A_219 : vector<16xi32> to vector<16x1xi32>
      %gather3A_234 = vector.shape_cast %broadcast_in_dim3A_233 : vector<16x1xi32> to vector<16xi32>
      %gather3A_235 = tpu.dynamic_gather %max3A_22[%gather3A_234] in [0] : vector<16xf32>, vector<16xi32> -> vector<16xf32>
      %broadcast_in_dim3A_236 = vector.shape_cast %get3A_219 : vector<16xi32> to vector<16x1xi32>
      %gather3A_237 = vector.shape_cast %broadcast_in_dim3A_236 : vector<16x1xi32> to vector<16xi32>
      %gather3A_238 = tpu.dynamic_gather %exp3A[%gather3A_237] in [0] : vector<16xf32>, vector<16xi32> -> vector<16xf32>
      %broadcast_in_dim3A_239 = vector.shape_cast %get3A_219 : vector<16xi32> to vector<16x1xi32>
      %gather3A_240 = vector.shape_cast %broadcast_in_dim3A_239 : vector<16x1xi32> to vector<16xi32>
      %gather3A_241 = tpu.dynamic_gather %add3A_33[%gather3A_240] in [0] : vector<16xf32>, vector<16xi32> -> vector<16xf32>
      %sub3A_242 = arith.constant 2.000000e+00 : f32
      %sub3A_243 = vector.broadcast %sub3A_242 : f32 to vector<16xf32>
      %sub3A_244 = arith.subf %sub3A_243, %get3A_223 : vector<16xf32>
      %mul3A_245 = arith.mulf %get3A_223, %sub3A_244 : vector<16xf32>
      %bitcast3A_246 = vector.bitcast %mul3A_245 : vector<16xf32> to vector<16xi32>
      %sub3A_247 = arith.constant 1060439283 : i32
      %sub3A_248 = vector.broadcast %sub3A_247 : i32 to vector<16xi32>
      %sub3A_249 = arith.subi %bitcast3A_246, %sub3A_248 : vector<16xi32>
      %shift_right_arithmetic3A_250 = arith.constant 23 : i32
      %shift_right_arithmetic3A_251 = vector.broadcast %shift_right_arithmetic3A_250 : i32 to vector<16xi32>
      %shift_right_arithmetic3A_252 = arith.shrsi %sub3A_249, %shift_right_arithmetic3A_251 : vector<16xi32>
      %shift_left3A_253 = arith.constant 23 : i32
      %shift_left3A_254 = vector.broadcast %shift_left3A_253 : i32 to vector<16xi32>
      %shift_left3A_255 = arith.shli %shift_right_arithmetic3A_252, %shift_left3A_254 : vector<16xi32>
      %sub3A_256 = arith.subi %bitcast3A_246, %shift_left3A_255 : vector<16xi32>
      %bitcast3A_257 = vector.bitcast %sub3A_256 : vector<16xi32> to vector<16xf32>
      %sub3A_258 = arith.constant 1.000000e+00 : f32
      %sub3A_259 = vector.broadcast %sub3A_258 : f32 to vector<16xf32>
      %sub3A_260 = arith.subf %bitcast3A_257, %sub3A_259 : vector<16xf32>
      %add3A_261 = arith.constant 1.000000e+00 : f32
      %add3A_262 = vector.broadcast %add3A_261 : f32 to vector<16xf32>
      %add3A_263 = arith.addf %bitcast3A_257, %add3A_262 : vector<16xf32>
      %div3A_264 = arith.divf %sub3A_260, %add3A_263 : vector<16xf32>
      %mul3A_265 = arith.mulf %div3A_264, %div3A_264 : vector<16xf32>
      %convert_element_type3A_266 = arith.sitofp %shift_right_arithmetic3A_252 : vector<16xi32> to vector<16xf32>
      %mul3A_267 = arith.constant 0.693147182 : f32
      %mul3A_268 = vector.broadcast %mul3A_267 : f32 to vector<16xf32>
      %mul3A_269 = arith.mulf %convert_element_type3A_266, %mul3A_268 : vector<16xf32>
      %mul3A_270 = arith.constant 4.000000e-01 : f32
      %mul3A_271 = vector.broadcast %mul3A_270 : f32 to vector<16xf32>
      %mul3A_272 = arith.mulf %mul3A_265, %mul3A_271 : vector<16xf32>
      %add3A_273 = arith.constant 0.666666686 : f32
      %add3A_274 = vector.broadcast %add3A_273 : f32 to vector<16xf32>
      %add3A_275 = arith.addf %add3A_274, %mul3A_272 : vector<16xf32>
      %mul3A_276 = arith.mulf %mul3A_265, %add3A_275 : vector<16xf32>
      %add3A_277 = arith.constant 2.000000e+00 : f32
      %add3A_278 = vector.broadcast %add3A_277 : f32 to vector<16xf32>
      %add3A_279 = arith.addf %add3A_278, %mul3A_276 : vector<16xf32>
      %mul3A_280 = arith.mulf %div3A_264, %add3A_279 : vector<16xf32>
      %add3A_281 = arith.addf %mul3A_269, %mul3A_280 : vector<16xf32>
      %mul3A_282 = arith.mulf %mul3A_245, %gather3A_238 : vector<16xf32>
      %add3A_283 = arith.addf %gather3A_241, %mul3A_282 : vector<16xf32>
      %bitcast3A_284 = vector.bitcast %add3A_283 : vector<16xf32> to vector<16xi32>
      %sub3A_285 = arith.constant 1060439283 : i32
      %sub3A_286 = vector.broadcast %sub3A_285 : i32 to vector<16xi32>
      %sub3A_287 = arith.subi %bitcast3A_284, %sub3A_286 : vector<16xi32>
      %shift_right_arithmetic3A_288 = arith.constant 23 : i32
      %shift_right_arithmetic3A_289 = vector.broadcast %shift_right_arithmetic3A_288 : i32 to vector<16xi32>
      %shift_right_arithmetic3A_290 = arith.shrsi %sub3A_287, %shift_right_arithmetic3A_289 : vector<16xi32>
      %shift_left3A_291 = arith.constant 23 : i32
      %shift_left3A_292 = vector.broadcast %shift_left3A_291 : i32 to vector<16xi32>
      %shift_left3A_293 = arith.shli %shift_right_arithmetic3A_290, %shift_left3A_292 : vector<16xi32>
      %sub3A_294 = arith.subi %bitcast3A_284, %shift_left3A_293 : vector<16xi32>
      %bitcast3A_295 = vector.bitcast %sub3A_294 : vector<16xi32> to vector<16xf32>
      %sub3A_296 = arith.constant 1.000000e+00 : f32
      %sub3A_297 = vector.broadcast %sub3A_296 : f32 to vector<16xf32>
      %sub3A_298 = arith.subf %bitcast3A_295, %sub3A_297 : vector<16xf32>
      %add3A_299 = arith.constant 1.000000e+00 : f32
      %add3A_300 = vector.broadcast %add3A_299 : f32 to vector<16xf32>
      %add3A_301 = arith.addf %bitcast3A_295, %add3A_300 : vector<16xf32>
      %div3A_302 = arith.divf %sub3A_298, %add3A_301 : vector<16xf32>
      %mul3A_303 = arith.mulf %div3A_302, %div3A_302 : vector<16xf32>
      %convert_element_type3A_304 = arith.sitofp %shift_right_arithmetic3A_290 : vector<16xi32> to vector<16xf32>
      %mul3A_305 = arith.constant 0.693147182 : f32
      %mul3A_306 = vector.broadcast %mul3A_305 : f32 to vector<16xf32>
      %mul3A_307 = arith.mulf %convert_element_type3A_304, %mul3A_306 : vector<16xf32>
      %mul3A_308 = arith.constant 4.000000e-01 : f32
      %mul3A_309 = vector.broadcast %mul3A_308 : f32 to vector<16xf32>
      %mul3A_310 = arith.mulf %mul3A_303, %mul3A_309 : vector<16xf32>
      %add3A_311 = arith.constant 0.666666686 : f32
      %add3A_312 = vector.broadcast %add3A_311 : f32 to vector<16xf32>
      %add3A_313 = arith.addf %add3A_312, %mul3A_310 : vector<16xf32>
      %mul3A_314 = arith.mulf %mul3A_303, %add3A_313 : vector<16xf32>
      %add3A_315 = arith.constant 2.000000e+00 : f32
      %add3A_316 = vector.broadcast %add3A_315 : f32 to vector<16xf32>
      %add3A_317 = arith.addf %add3A_316, %mul3A_314 : vector<16xf32>
      %mul3A_318 = arith.mulf %div3A_302, %add3A_317 : vector<16xf32>
      %add3A_319 = arith.addf %mul3A_307, %mul3A_318 : vector<16xf32>
      %add3A_320 = arith.addf %gather3A_235, %add3A_319 : vector<16xf32>
      %mul3A_321 = arith.constant 16 : i32
      %mul3A_322 = arith.muli %scan3A_215, %mul3A_321 : i32
      %add3A_323 = vector.broadcast %mul3A_322 : i32 to vector<16xi32>
      %add3A_324 = arith.addi %iota3A, %add3A_323 : vector<16xi32>
      %sub3A_325 = arith.subf %gather3A_226, %add3A_320 : vector<16xf32>
      tpu.vector_store_idx %arg9[%add3A_324, %broadcast_in_dim3A_37], %sub3A_325 : memref<512x5xf32, #tpu.memory_space<vmem>>[vector<16xi32>, vector<16xi32>], vector<16xf32>,
      %sub3A_326 = arith.subf %gather3A_229, %add3A_320 : vector<16xf32>
      tpu.vector_store_idx %arg9[%add3A_324, %add3A_40], %sub3A_326 : memref<512x5xf32, #tpu.memory_space<vmem>>[vector<16xi32>, vector<16xi32>], vector<16xf32>,
      %sub3A_327 = arith.constant 0.000000e+00 : f32
      %sub3A_328 = vector.broadcast %sub3A_327 : f32 to vector<16xf32>
      %sub3A_329 = arith.subf %sub3A_328, %add3A_320 : vector<16xf32>
      tpu.vector_store_idx %arg9[%add3A_324, %add3A_43], %sub3A_329 : memref<512x5xf32, #tpu.memory_space<vmem>>[vector<16xi32>, vector<16xi32>], vector<16xf32>,
      %sub3A_330 = arith.subf %add3A_281, %add3A_320 : vector<16xf32>
      tpu.vector_store_idx %arg9[%add3A_324, %add3A_46], %sub3A_330 : memref<512x5xf32, #tpu.memory_space<vmem>>[vector<16xi32>, vector<16xi32>], vector<16xf32>,
      %sub3A_331 = arith.subf %gather3A_232, %add3A_320 : vector<16xf32>
      tpu.vector_store_idx %arg9[%add3A_324, %add3A_49], %sub3A_331 : memref<512x5xf32, #tpu.memory_space<vmem>>[vector<16xi32>, vector<16xi32>], vector<16xf32>,
      %scan3A_332 = arith.constant 2 : i32
      %scan3A_333 = arith.addi %scan3A_103, %scan3A_332 : i32
      %mul3A_334 = arith.constant 16 : i32
      %mul3A_335 = arith.muli %scan3A_333, %mul3A_334 : i32
      %get3A_336 = arith.index_cast %mul3A_335 : i32 to index
      %get3A_337 = tpu.vector_load %arg6[%get3A_336] {strides = array<i32>} : memref<512xi32, #tpu.memory_space<vmem>>, vector<16xi32>,
      %mul3A_338 = arith.constant 16 : i32
      %mul3A_339 = arith.muli %scan3A_333, %mul3A_338 : i32
      %get3A_340 = arith.index_cast %mul3A_339 : i32 to index
      %get3A_341 = tpu.vector_load %arg7[%get3A_340] {strides = array<i32>} : memref<512xf32, #tpu.memory_space<vmem>>, vector<16xf32>,
      %broadcast_in_dim3A_342 = vector.shape_cast %get3A_337 : vector<16xi32> to vector<16x1xi32>
      %gather3A_343 = vector.shape_cast %broadcast_in_dim3A_342 : vector<16x1xi32> to vector<16xi32>
      %gather3A_344 = tpu.dynamic_gather %gather3A[%gather3A_343] in [0] : vector<16xf32>, vector<16xi32> -> vector<16xf32>
      %broadcast_in_dim3A_345 = vector.shape_cast %get3A_337 : vector<16xi32> to vector<16x1xi32>
      %gather3A_346 = vector.shape_cast %broadcast_in_dim3A_345 : vector<16x1xi32> to vector<16xi32>
      %gather3A_347 = tpu.dynamic_gather %gather3A_14[%gather3A_346] in [0] : vector<16xf32>, vector<16xi32> -> vector<16xf32>
      %broadcast_in_dim3A_348 = vector.shape_cast %get3A_337 : vector<16xi32> to vector<16x1xi32>
      %gather3A_349 = vector.shape_cast %broadcast_in_dim3A_348 : vector<16x1xi32> to vector<16xi32>
      %gather3A_350 = tpu.dynamic_gather %gather3A_18[%gather3A_349] in [0] : vector<16xf32>, vector<16xi32> -> vector<16xf32>
      %broadcast_in_dim3A_351 = vector.shape_cast %get3A_337 : vector<16xi32> to vector<16x1xi32>
      %gather3A_352 = vector.shape_cast %broadcast_in_dim3A_351 : vector<16x1xi32> to vector<16xi32>
      %gather3A_353 = tpu.dynamic_gather %max3A_22[%gather3A_352] in [0] : vector<16xf32>, vector<16xi32> -> vector<16xf32>
      %broadcast_in_dim3A_354 = vector.shape_cast %get3A_337 : vector<16xi32> to vector<16x1xi32>
      %gather3A_355 = vector.shape_cast %broadcast_in_dim3A_354 : vector<16x1xi32> to vector<16xi32>
      %gather3A_356 = tpu.dynamic_gather %exp3A[%gather3A_355] in [0] : vector<16xf32>, vector<16xi32> -> vector<16xf32>
      %broadcast_in_dim3A_357 = vector.shape_cast %get3A_337 : vector<16xi32> to vector<16x1xi32>
      %gather3A_358 = vector.shape_cast %broadcast_in_dim3A_357 : vector<16x1xi32> to vector<16xi32>
      %gather3A_359 = tpu.dynamic_gather %add3A_33[%gather3A_358] in [0] : vector<16xf32>, vector<16xi32> -> vector<16xf32>
      %sub3A_360 = arith.constant 2.000000e+00 : f32
      %sub3A_361 = vector.broadcast %sub3A_360 : f32 to vector<16xf32>
      %sub3A_362 = arith.subf %sub3A_361, %get3A_341 : vector<16xf32>
      %mul3A_363 = arith.mulf %get3A_341, %sub3A_362 : vector<16xf32>
      %bitcast3A_364 = vector.bitcast %mul3A_363 : vector<16xf32> to vector<16xi32>
      %sub3A_365 = arith.constant 1060439283 : i32
      %sub3A_366 = vector.broadcast %sub3A_365 : i32 to vector<16xi32>
      %sub3A_367 = arith.subi %bitcast3A_364, %sub3A_366 : vector<16xi32>
      %shift_right_arithmetic3A_368 = arith.constant 23 : i32
      %shift_right_arithmetic3A_369 = vector.broadcast %shift_right_arithmetic3A_368 : i32 to vector<16xi32>
      %shift_right_arithmetic3A_370 = arith.shrsi %sub3A_367, %shift_right_arithmetic3A_369 : vector<16xi32>
      %shift_left3A_371 = arith.constant 23 : i32
      %shift_left3A_372 = vector.broadcast %shift_left3A_371 : i32 to vector<16xi32>
      %shift_left3A_373 = arith.shli %shift_right_arithmetic3A_370, %shift_left3A_372 : vector<16xi32>
      %sub3A_374 = arith.subi %bitcast3A_364, %shift_left3A_373 : vector<16xi32>
      %bitcast3A_375 = vector.bitcast %sub3A_374 : vector<16xi32> to vector<16xf32>
      %sub3A_376 = arith.constant 1.000000e+00 : f32
      %sub3A_377 = vector.broadcast %sub3A_376 : f32 to vector<16xf32>
      %sub3A_378 = arith.subf %bitcast3A_375, %sub3A_377 : vector<16xf32>
      %add3A_379 = arith.constant 1.000000e+00 : f32
      %add3A_380 = vector.broadcast %add3A_379 : f32 to vector<16xf32>
      %add3A_381 = arith.addf %bitcast3A_375, %add3A_380 : vector<16xf32>
      %div3A_382 = arith.divf %sub3A_378, %add3A_381 : vector<16xf32>
      %mul3A_383 = arith.mulf %div3A_382, %div3A_382 : vector<16xf32>
      %convert_element_type3A_384 = arith.sitofp %shift_right_arithmetic3A_370 : vector<16xi32> to vector<16xf32>
      %mul3A_385 = arith.constant 0.693147182 : f32
      %mul3A_386 = vector.broadcast %mul3A_385 : f32 to vector<16xf32>
      %mul3A_387 = arith.mulf %convert_element_type3A_384, %mul3A_386 : vector<16xf32>
      %mul3A_388 = arith.constant 4.000000e-01 : f32
      %mul3A_389 = vector.broadcast %mul3A_388 : f32 to vector<16xf32>
      %mul3A_390 = arith.mulf %mul3A_383, %mul3A_389 : vector<16xf32>
      %add3A_391 = arith.constant 0.666666686 : f32
      %add3A_392 = vector.broadcast %add3A_391 : f32 to vector<16xf32>
      %add3A_393 = arith.addf %add3A_392, %mul3A_390 : vector<16xf32>
      %mul3A_394 = arith.mulf %mul3A_383, %add3A_393 : vector<16xf32>
      %add3A_395 = arith.constant 2.000000e+00 : f32
      %add3A_396 = vector.broadcast %add3A_395 : f32 to vector<16xf32>
      %add3A_397 = arith.addf %add3A_396, %mul3A_394 : vector<16xf32>
      %mul3A_398 = arith.mulf %div3A_382, %add3A_397 : vector<16xf32>
      %add3A_399 = arith.addf %mul3A_387, %mul3A_398 : vector<16xf32>
      %mul3A_400 = arith.mulf %mul3A_363, %gather3A_356 : vector<16xf32>
      %add3A_401 = arith.addf %gather3A_359, %mul3A_400 : vector<16xf32>
      %bitcast3A_402 = vector.bitcast %add3A_401 : vector<16xf32> to vector<16xi32>
      %sub3A_403 = arith.constant 1060439283 : i32
      %sub3A_404 = vector.broadcast %sub3A_403 : i32 to vector<16xi32>
      %sub3A_405 = arith.subi %bitcast3A_402, %sub3A_404 : vector<16xi32>
      %shift_right_arithmetic3A_406 = arith.constant 23 : i32
      %shift_right_arithmetic3A_407 = vector.broadcast %shift_right_arithmetic3A_406 : i32 to vector<16xi32>
      %shift_right_arithmetic3A_408 = arith.shrsi %sub3A_405, %shift_right_arithmetic3A_407 : vector<16xi32>
      %shift_left3A_409 = arith.constant 23 : i32
      %shift_left3A_410 = vector.broadcast %shift_left3A_409 : i32 to vector<16xi32>
      %shift_left3A_411 = arith.shli %shift_right_arithmetic3A_408, %shift_left3A_410 : vector<16xi32>
      %sub3A_412 = arith.subi %bitcast3A_402, %shift_left3A_411 : vector<16xi32>
      %bitcast3A_413 = vector.bitcast %sub3A_412 : vector<16xi32> to vector<16xf32>
      %sub3A_414 = arith.constant 1.000000e+00 : f32
      %sub3A_415 = vector.broadcast %sub3A_414 : f32 to vector<16xf32>
      %sub3A_416 = arith.subf %bitcast3A_413, %sub3A_415 : vector<16xf32>
      %add3A_417 = arith.constant 1.000000e+00 : f32
      %add3A_418 = vector.broadcast %add3A_417 : f32 to vector<16xf32>
      %add3A_419 = arith.addf %bitcast3A_413, %add3A_418 : vector<16xf32>
      %div3A_420 = arith.divf %sub3A_416, %add3A_419 : vector<16xf32>
      %mul3A_421 = arith.mulf %div3A_420, %div3A_420 : vector<16xf32>
      %convert_element_type3A_422 = arith.sitofp %shift_right_arithmetic3A_408 : vector<16xi32> to vector<16xf32>
      %mul3A_423 = arith.constant 0.693147182 : f32
      %mul3A_424 = vector.broadcast %mul3A_423 : f32 to vector<16xf32>
      %mul3A_425 = arith.mulf %convert_element_type3A_422, %mul3A_424 : vector<16xf32>
      %mul3A_426 = arith.constant 4.000000e-01 : f32
      %mul3A_427 = vector.broadcast %mul3A_426 : f32 to vector<16xf32>
      %mul3A_428 = arith.mulf %mul3A_421, %mul3A_427 : vector<16xf32>
      %add3A_429 = arith.constant 0.666666686 : f32
      %add3A_430 = vector.broadcast %add3A_429 : f32 to vector<16xf32>
      %add3A_431 = arith.addf %add3A_430, %mul3A_428 : vector<16xf32>
      %mul3A_432 = arith.mulf %mul3A_421, %add3A_431 : vector<16xf32>
      %add3A_433 = arith.constant 2.000000e+00 : f32
      %add3A_434 = vector.broadcast %add3A_433 : f32 to vector<16xf32>
      %add3A_435 = arith.addf %add3A_434, %mul3A_432 : vector<16xf32>
      %mul3A_436 = arith.mulf %div3A_420, %add3A_435 : vector<16xf32>
      %add3A_437 = arith.addf %mul3A_425, %mul3A_436 : vector<16xf32>
      %add3A_438 = arith.addf %gather3A_353, %add3A_437 : vector<16xf32>
      %mul3A_439 = arith.constant 16 : i32
      %mul3A_440 = arith.muli %scan3A_333, %mul3A_439 : i32
      %add3A_441 = vector.broadcast %mul3A_440 : i32 to vector<16xi32>
      %add3A_442 = arith.addi %iota3A, %add3A_441 : vector<16xi32>
      %sub3A_443 = arith.subf %gather3A_344, %add3A_438 : vector<16xf32>
      tpu.vector_store_idx %arg9[%add3A_442, %broadcast_in_dim3A_37], %sub3A_443 : memref<512x5xf32, #tpu.memory_space<vmem>>[vector<16xi32>, vector<16xi32>], vector<16xf32>,
      %sub3A_444 = arith.subf %gather3A_347, %add3A_438 : vector<16xf32>
      tpu.vector_store_idx %arg9[%add3A_442, %add3A_40], %sub3A_444 : memref<512x5xf32, #tpu.memory_space<vmem>>[vector<16xi32>, vector<16xi32>], vector<16xf32>,
      %sub3A_445 = arith.constant 0.000000e+00 : f32
      %sub3A_446 = vector.broadcast %sub3A_445 : f32 to vector<16xf32>
      %sub3A_447 = arith.subf %sub3A_446, %add3A_438 : vector<16xf32>
      tpu.vector_store_idx %arg9[%add3A_442, %add3A_43], %sub3A_447 : memref<512x5xf32, #tpu.memory_space<vmem>>[vector<16xi32>, vector<16xi32>], vector<16xf32>,
      %sub3A_448 = arith.subf %add3A_399, %add3A_438 : vector<16xf32>
      tpu.vector_store_idx %arg9[%add3A_442, %add3A_46], %sub3A_448 : memref<512x5xf32, #tpu.memory_space<vmem>>[vector<16xi32>, vector<16xi32>], vector<16xf32>,
      %sub3A_449 = arith.subf %gather3A_350, %add3A_438 : vector<16xf32>
      tpu.vector_store_idx %arg9[%add3A_442, %add3A_49], %sub3A_449 : memref<512x5xf32, #tpu.memory_space<vmem>>[vector<16xi32>, vector<16xi32>], vector<16xf32>,
      %scan3A_450 = arith.constant 3 : i32
      %scan3A_451 = arith.addi %scan3A_103, %scan3A_450 : i32
      %mul3A_452 = arith.constant 16 : i32
      %mul3A_453 = arith.muli %scan3A_451, %mul3A_452 : i32
      %get3A_454 = arith.index_cast %mul3A_453 : i32 to index
      %get3A_455 = tpu.vector_load %arg6[%get3A_454] {strides = array<i32>} : memref<512xi32, #tpu.memory_space<vmem>>, vector<16xi32>,
      %mul3A_456 = arith.constant 16 : i32
      %mul3A_457 = arith.muli %scan3A_451, %mul3A_456 : i32
      %get3A_458 = arith.index_cast %mul3A_457 : i32 to index
      %get3A_459 = tpu.vector_load %arg7[%get3A_458] {strides = array<i32>} : memref<512xf32, #tpu.memory_space<vmem>>, vector<16xf32>,
      %broadcast_in_dim3A_460 = vector.shape_cast %get3A_455 : vector<16xi32> to vector<16x1xi32>
      %gather3A_461 = vector.shape_cast %broadcast_in_dim3A_460 : vector<16x1xi32> to vector<16xi32>
      %gather3A_462 = tpu.dynamic_gather %gather3A[%gather3A_461] in [0] : vector<16xf32>, vector<16xi32> -> vector<16xf32>
      %broadcast_in_dim3A_463 = vector.shape_cast %get3A_455 : vector<16xi32> to vector<16x1xi32>
      %gather3A_464 = vector.shape_cast %broadcast_in_dim3A_463 : vector<16x1xi32> to vector<16xi32>
      %gather3A_465 = tpu.dynamic_gather %gather3A_14[%gather3A_464] in [0] : vector<16xf32>, vector<16xi32> -> vector<16xf32>
      %broadcast_in_dim3A_466 = vector.shape_cast %get3A_455 : vector<16xi32> to vector<16x1xi32>
      %gather3A_467 = vector.shape_cast %broadcast_in_dim3A_466 : vector<16x1xi32> to vector<16xi32>
      %gather3A_468 = tpu.dynamic_gather %gather3A_18[%gather3A_467] in [0] : vector<16xf32>, vector<16xi32> -> vector<16xf32>
      %broadcast_in_dim3A_469 = vector.shape_cast %get3A_455 : vector<16xi32> to vector<16x1xi32>
      %gather3A_470 = vector.shape_cast %broadcast_in_dim3A_469 : vector<16x1xi32> to vector<16xi32>
      %gather3A_471 = tpu.dynamic_gather %max3A_22[%gather3A_470] in [0] : vector<16xf32>, vector<16xi32> -> vector<16xf32>
      %broadcast_in_dim3A_472 = vector.shape_cast %get3A_455 : vector<16xi32> to vector<16x1xi32>
      %gather3A_473 = vector.shape_cast %broadcast_in_dim3A_472 : vector<16x1xi32> to vector<16xi32>
      %gather3A_474 = tpu.dynamic_gather %exp3A[%gather3A_473] in [0] : vector<16xf32>, vector<16xi32> -> vector<16xf32>
      %broadcast_in_dim3A_475 = vector.shape_cast %get3A_455 : vector<16xi32> to vector<16x1xi32>
      %gather3A_476 = vector.shape_cast %broadcast_in_dim3A_475 : vector<16x1xi32> to vector<16xi32>
      %gather3A_477 = tpu.dynamic_gather %add3A_33[%gather3A_476] in [0] : vector<16xf32>, vector<16xi32> -> vector<16xf32>
      %sub3A_478 = arith.constant 2.000000e+00 : f32
      %sub3A_479 = vector.broadcast %sub3A_478 : f32 to vector<16xf32>
      %sub3A_480 = arith.subf %sub3A_479, %get3A_459 : vector<16xf32>
      %mul3A_481 = arith.mulf %get3A_459, %sub3A_480 : vector<16xf32>
      %bitcast3A_482 = vector.bitcast %mul3A_481 : vector<16xf32> to vector<16xi32>
      %sub3A_483 = arith.constant 1060439283 : i32
      %sub3A_484 = vector.broadcast %sub3A_483 : i32 to vector<16xi32>
      %sub3A_485 = arith.subi %bitcast3A_482, %sub3A_484 : vector<16xi32>
      %shift_right_arithmetic3A_486 = arith.constant 23 : i32
      %shift_right_arithmetic3A_487 = vector.broadcast %shift_right_arithmetic3A_486 : i32 to vector<16xi32>
      %shift_right_arithmetic3A_488 = arith.shrsi %sub3A_485, %shift_right_arithmetic3A_487 : vector<16xi32>
      %shift_left3A_489 = arith.constant 23 : i32
      %shift_left3A_490 = vector.broadcast %shift_left3A_489 : i32 to vector<16xi32>
      %shift_left3A_491 = arith.shli %shift_right_arithmetic3A_488, %shift_left3A_490 : vector<16xi32>
      %sub3A_492 = arith.subi %bitcast3A_482, %shift_left3A_491 : vector<16xi32>
      %bitcast3A_493 = vector.bitcast %sub3A_492 : vector<16xi32> to vector<16xf32>
      %sub3A_494 = arith.constant 1.000000e+00 : f32
      %sub3A_495 = vector.broadcast %sub3A_494 : f32 to vector<16xf32>
      %sub3A_496 = arith.subf %bitcast3A_493, %sub3A_495 : vector<16xf32>
      %add3A_497 = arith.constant 1.000000e+00 : f32
      %add3A_498 = vector.broadcast %add3A_497 : f32 to vector<16xf32>
      %add3A_499 = arith.addf %bitcast3A_493, %add3A_498 : vector<16xf32>
      %div3A_500 = arith.divf %sub3A_496, %add3A_499 : vector<16xf32>
      %mul3A_501 = arith.mulf %div3A_500, %div3A_500 : vector<16xf32>
      %convert_element_type3A_502 = arith.sitofp %shift_right_arithmetic3A_488 : vector<16xi32> to vector<16xf32>
      %mul3A_503 = arith.constant 0.693147182 : f32
      %mul3A_504 = vector.broadcast %mul3A_503 : f32 to vector<16xf32>
      %mul3A_505 = arith.mulf %convert_element_type3A_502, %mul3A_504 : vector<16xf32>
      %mul3A_506 = arith.constant 4.000000e-01 : f32
      %mul3A_507 = vector.broadcast %mul3A_506 : f32 to vector<16xf32>
      %mul3A_508 = arith.mulf %mul3A_501, %mul3A_507 : vector<16xf32>
      %add3A_509 = arith.constant 0.666666686 : f32
      %add3A_510 = vector.broadcast %add3A_509 : f32 to vector<16xf32>
      %add3A_511 = arith.addf %add3A_510, %mul3A_508 : vector<16xf32>
      %mul3A_512 = arith.mulf %mul3A_501, %add3A_511 : vector<16xf32>
      %add3A_513 = arith.constant 2.000000e+00 : f32
      %add3A_514 = vector.broadcast %add3A_513 : f32 to vector<16xf32>
      %add3A_515 = arith.addf %add3A_514, %mul3A_512 : vector<16xf32>
      %mul3A_516 = arith.mulf %div3A_500, %add3A_515 : vector<16xf32>
      %add3A_517 = arith.addf %mul3A_505, %mul3A_516 : vector<16xf32>
      %mul3A_518 = arith.mulf %mul3A_481, %gather3A_474 : vector<16xf32>
      %add3A_519 = arith.addf %gather3A_477, %mul3A_518 : vector<16xf32>
      %bitcast3A_520 = vector.bitcast %add3A_519 : vector<16xf32> to vector<16xi32>
      %sub3A_521 = arith.constant 1060439283 : i32
      %sub3A_522 = vector.broadcast %sub3A_521 : i32 to vector<16xi32>
      %sub3A_523 = arith.subi %bitcast3A_520, %sub3A_522 : vector<16xi32>
      %shift_right_arithmetic3A_524 = arith.constant 23 : i32
      %shift_right_arithmetic3A_525 = vector.broadcast %shift_right_arithmetic3A_524 : i32 to vector<16xi32>
      %shift_right_arithmetic3A_526 = arith.shrsi %sub3A_523, %shift_right_arithmetic3A_525 : vector<16xi32>
      %shift_left3A_527 = arith.constant 23 : i32
      %shift_left3A_528 = vector.broadcast %shift_left3A_527 : i32 to vector<16xi32>
      %shift_left3A_529 = arith.shli %shift_right_arithmetic3A_526, %shift_left3A_528 : vector<16xi32>
      %sub3A_530 = arith.subi %bitcast3A_520, %shift_left3A_529 : vector<16xi32>
      %bitcast3A_531 = vector.bitcast %sub3A_530 : vector<16xi32> to vector<16xf32>
      %sub3A_532 = arith.constant 1.000000e+00 : f32
      %sub3A_533 = vector.broadcast %sub3A_532 : f32 to vector<16xf32>
      %sub3A_534 = arith.subf %bitcast3A_531, %sub3A_533 : vector<16xf32>
      %add3A_535 = arith.constant 1.000000e+00 : f32
      %add3A_536 = vector.broadcast %add3A_535 : f32 to vector<16xf32>
      %add3A_537 = arith.addf %bitcast3A_531, %add3A_536 : vector<16xf32>
      %div3A_538 = arith.divf %sub3A_534, %add3A_537 : vector<16xf32>
      %mul3A_539 = arith.mulf %div3A_538, %div3A_538 : vector<16xf32>
      %convert_element_type3A_540 = arith.sitofp %shift_right_arithmetic3A_526 : vector<16xi32> to vector<16xf32>
      %mul3A_541 = arith.constant 0.693147182 : f32
      %mul3A_542 = vector.broadcast %mul3A_541 : f32 to vector<16xf32>
      %mul3A_543 = arith.mulf %convert_element_type3A_540, %mul3A_542 : vector<16xf32>
      %mul3A_544 = arith.constant 4.000000e-01 : f32
      %mul3A_545 = vector.broadcast %mul3A_544 : f32 to vector<16xf32>
      %mul3A_546 = arith.mulf %mul3A_539, %mul3A_545 : vector<16xf32>
      %add3A_547 = arith.constant 0.666666686 : f32
      %add3A_548 = vector.broadcast %add3A_547 : f32 to vector<16xf32>
      %add3A_549 = arith.addf %add3A_548, %mul3A_546 : vector<16xf32>
      %mul3A_550 = arith.mulf %mul3A_539, %add3A_549 : vector<16xf32>
      %add3A_551 = arith.constant 2.000000e+00 : f32
      %add3A_552 = vector.broadcast %add3A_551 : f32 to vector<16xf32>
      %add3A_553 = arith.addf %add3A_552, %mul3A_550 : vector<16xf32>
      %mul3A_554 = arith.mulf %div3A_538, %add3A_553 : vector<16xf32>
      %add3A_555 = arith.addf %mul3A_543, %mul3A_554 : vector<16xf32>
      %add3A_556 = arith.addf %gather3A_471, %add3A_555 : vector<16xf32>
      %mul3A_557 = arith.constant 16 : i32
      %mul3A_558 = arith.muli %scan3A_451, %mul3A_557 : i32
      %add3A_559 = vector.broadcast %mul3A_558 : i32 to vector<16xi32>
      %add3A_560 = arith.addi %iota3A, %add3A_559 : vector<16xi32>
      %sub3A_561 = arith.subf %gather3A_462, %add3A_556 : vector<16xf32>
      tpu.vector_store_idx %arg9[%add3A_560, %broadcast_in_dim3A_37], %sub3A_561 : memref<512x5xf32, #tpu.memory_space<vmem>>[vector<16xi32>, vector<16xi32>], vector<16xf32>,
      %sub3A_562 = arith.subf %gather3A_465, %add3A_556 : vector<16xf32>
      tpu.vector_store_idx %arg9[%add3A_560, %add3A_40], %sub3A_562 : memref<512x5xf32, #tpu.memory_space<vmem>>[vector<16xi32>, vector<16xi32>], vector<16xf32>,
      %sub3A_563 = arith.constant 0.000000e+00 : f32
      %sub3A_564 = vector.broadcast %sub3A_563 : f32 to vector<16xf32>
      %sub3A_565 = arith.subf %sub3A_564, %add3A_556 : vector<16xf32>
      tpu.vector_store_idx %arg9[%add3A_560, %add3A_43], %sub3A_565 : memref<512x5xf32, #tpu.memory_space<vmem>>[vector<16xi32>, vector<16xi32>], vector<16xf32>,
      %sub3A_566 = arith.subf %add3A_517, %add3A_556 : vector<16xf32>
      tpu.vector_store_idx %arg9[%add3A_560, %add3A_46], %sub3A_566 : memref<512x5xf32, #tpu.memory_space<vmem>>[vector<16xi32>, vector<16xi32>], vector<16xf32>,
      %sub3A_567 = arith.subf %gather3A_468, %add3A_556 : vector<16xf32>
      tpu.vector_store_idx %arg9[%add3A_560, %add3A_49], %sub3A_567 : memref<512x5xf32, #tpu.memory_space<vmem>>[vector<16xi32>, vector<16xi32>], vector<16xf32>,
      %scan3A_568 = arith.constant 4 : i32
      %scan3A_569 = arith.addi %scan3A_103, %scan3A_568 : i32
      %mul3A_570 = arith.constant 16 : i32
      %mul3A_571 = arith.muli %scan3A_569, %mul3A_570 : i32
      %get3A_572 = arith.index_cast %mul3A_571 : i32 to index
      %get3A_573 = tpu.vector_load %arg6[%get3A_572] {strides = array<i32>} : memref<512xi32, #tpu.memory_space<vmem>>, vector<16xi32>,
      %mul3A_574 = arith.constant 16 : i32
      %mul3A_575 = arith.muli %scan3A_569, %mul3A_574 : i32
      %get3A_576 = arith.index_cast %mul3A_575 : i32 to index
      %get3A_577 = tpu.vector_load %arg7[%get3A_576] {strides = array<i32>} : memref<512xf32, #tpu.memory_space<vmem>>, vector<16xf32>,
      %broadcast_in_dim3A_578 = vector.shape_cast %get3A_573 : vector<16xi32> to vector<16x1xi32>
      %gather3A_579 = vector.shape_cast %broadcast_in_dim3A_578 : vector<16x1xi32> to vector<16xi32>
      %gather3A_580 = tpu.dynamic_gather %gather3A[%gather3A_579] in [0] : vector<16xf32>, vector<16xi32> -> vector<16xf32>
      %broadcast_in_dim3A_581 = vector.shape_cast %get3A_573 : vector<16xi32> to vector<16x1xi32>
      %gather3A_582 = vector.shape_cast %broadcast_in_dim3A_581 : vector<16x1xi32> to vector<16xi32>
      %gather3A_583 = tpu.dynamic_gather %gather3A_14[%gather3A_582] in [0] : vector<16xf32>, vector<16xi32> -> vector<16xf32>
      %broadcast_in_dim3A_584 = vector.shape_cast %get3A_573 : vector<16xi32> to vector<16x1xi32>
      %gather3A_585 = vector.shape_cast %broadcast_in_dim3A_584 : vector<16x1xi32> to vector<16xi32>
      %gather3A_586 = tpu.dynamic_gather %gather3A_18[%gather3A_585] in [0] : vector<16xf32>, vector<16xi32> -> vector<16xf32>
      %broadcast_in_dim3A_587 = vector.shape_cast %get3A_573 : vector<16xi32> to vector<16x1xi32>
      %gather3A_588 = vector.shape_cast %broadcast_in_dim3A_587 : vector<16x1xi32> to vector<16xi32>
      %gather3A_589 = tpu.dynamic_gather %max3A_22[%gather3A_588] in [0] : vector<16xf32>, vector<16xi32> -> vector<16xf32>
      %broadcast_in_dim3A_590 = vector.shape_cast %get3A_573 : vector<16xi32> to vector<16x1xi32>
      %gather3A_591 = vector.shape_cast %broadcast_in_dim3A_590 : vector<16x1xi32> to vector<16xi32>
      %gather3A_592 = tpu.dynamic_gather %exp3A[%gather3A_591] in [0] : vector<16xf32>, vector<16xi32> -> vector<16xf32>
      %broadcast_in_dim3A_593 = vector.shape_cast %get3A_573 : vector<16xi32> to vector<16x1xi32>
      %gather3A_594 = vector.shape_cast %broadcast_in_dim3A_593 : vector<16x1xi32> to vector<16xi32>
      %gather3A_595 = tpu.dynamic_gather %add3A_33[%gather3A_594] in [0] : vector<16xf32>, vector<16xi32> -> vector<16xf32>
      %sub3A_596 = arith.constant 2.000000e+00 : f32
      %sub3A_597 = vector.broadcast %sub3A_596 : f32 to vector<16xf32>
      %sub3A_598 = arith.subf %sub3A_597, %get3A_577 : vector<16xf32>
      %mul3A_599 = arith.mulf %get3A_577, %sub3A_598 : vector<16xf32>
      %bitcast3A_600 = vector.bitcast %mul3A_599 : vector<16xf32> to vector<16xi32>
      %sub3A_601 = arith.constant 1060439283 : i32
      %sub3A_602 = vector.broadcast %sub3A_601 : i32 to vector<16xi32>
      %sub3A_603 = arith.subi %bitcast3A_600, %sub3A_602 : vector<16xi32>
      %shift_right_arithmetic3A_604 = arith.constant 23 : i32
      %shift_right_arithmetic3A_605 = vector.broadcast %shift_right_arithmetic3A_604 : i32 to vector<16xi32>
      %shift_right_arithmetic3A_606 = arith.shrsi %sub3A_603, %shift_right_arithmetic3A_605 : vector<16xi32>
      %shift_left3A_607 = arith.constant 23 : i32
      %shift_left3A_608 = vector.broadcast %shift_left3A_607 : i32 to vector<16xi32>
      %shift_left3A_609 = arith.shli %shift_right_arithmetic3A_606, %shift_left3A_608 : vector<16xi32>
      %sub3A_610 = arith.subi %bitcast3A_600, %shift_left3A_609 : vector<16xi32>
      %bitcast3A_611 = vector.bitcast %sub3A_610 : vector<16xi32> to vector<16xf32>
      %sub3A_612 = arith.constant 1.000000e+00 : f32
      %sub3A_613 = vector.broadcast %sub3A_612 : f32 to vector<16xf32>
      %sub3A_614 = arith.subf %bitcast3A_611, %sub3A_613 : vector<16xf32>
      %add3A_615 = arith.constant 1.000000e+00 : f32
      %add3A_616 = vector.broadcast %add3A_615 : f32 to vector<16xf32>
      %add3A_617 = arith.addf %bitcast3A_611, %add3A_616 : vector<16xf32>
      %div3A_618 = arith.divf %sub3A_614, %add3A_617 : vector<16xf32>
      %mul3A_619 = arith.mulf %div3A_618, %div3A_618 : vector<16xf32>
      %convert_element_type3A_620 = arith.sitofp %shift_right_arithmetic3A_606 : vector<16xi32> to vector<16xf32>
      %mul3A_621 = arith.constant 0.693147182 : f32
      %mul3A_622 = vector.broadcast %mul3A_621 : f32 to vector<16xf32>
      %mul3A_623 = arith.mulf %convert_element_type3A_620, %mul3A_622 : vector<16xf32>
      %mul3A_624 = arith.constant 4.000000e-01 : f32
      %mul3A_625 = vector.broadcast %mul3A_624 : f32 to vector<16xf32>
      %mul3A_626 = arith.mulf %mul3A_619, %mul3A_625 : vector<16xf32>
      %add3A_627 = arith.constant 0.666666686 : f32
      %add3A_628 = vector.broadcast %add3A_627 : f32 to vector<16xf32>
      %add3A_629 = arith.addf %add3A_628, %mul3A_626 : vector<16xf32>
      %mul3A_630 = arith.mulf %mul3A_619, %add3A_629 : vector<16xf32>
      %add3A_631 = arith.constant 2.000000e+00 : f32
      %add3A_632 = vector.broadcast %add3A_631 : f32 to vector<16xf32>
      %add3A_633 = arith.addf %add3A_632, %mul3A_630 : vector<16xf32>
      %mul3A_634 = arith.mulf %div3A_618, %add3A_633 : vector<16xf32>
      %add3A_635 = arith.addf %mul3A_623, %mul3A_634 : vector<16xf32>
      %mul3A_636 = arith.mulf %mul3A_599, %gather3A_592 : vector<16xf32>
      %add3A_637 = arith.addf %gather3A_595, %mul3A_636 : vector<16xf32>
      %bitcast3A_638 = vector.bitcast %add3A_637 : vector<16xf32> to vector<16xi32>
      %sub3A_639 = arith.constant 1060439283 : i32
      %sub3A_640 = vector.broadcast %sub3A_639 : i32 to vector<16xi32>
      %sub3A_641 = arith.subi %bitcast3A_638, %sub3A_640 : vector<16xi32>
      %shift_right_arithmetic3A_642 = arith.constant 23 : i32
      %shift_right_arithmetic3A_643 = vector.broadcast %shift_right_arithmetic3A_642 : i32 to vector<16xi32>
      %shift_right_arithmetic3A_644 = arith.shrsi %sub3A_641, %shift_right_arithmetic3A_643 : vector<16xi32>
      %shift_left3A_645 = arith.constant 23 : i32
      %shift_left3A_646 = vector.broadcast %shift_left3A_645 : i32 to vector<16xi32>
      %shift_left3A_647 = arith.shli %shift_right_arithmetic3A_644, %shift_left3A_646 : vector<16xi32>
      %sub3A_648 = arith.subi %bitcast3A_638, %shift_left3A_647 : vector<16xi32>
      %bitcast3A_649 = vector.bitcast %sub3A_648 : vector<16xi32> to vector<16xf32>
      %sub3A_650 = arith.constant 1.000000e+00 : f32
      %sub3A_651 = vector.broadcast %sub3A_650 : f32 to vector<16xf32>
      %sub3A_652 = arith.subf %bitcast3A_649, %sub3A_651 : vector<16xf32>
      %add3A_653 = arith.constant 1.000000e+00 : f32
      %add3A_654 = vector.broadcast %add3A_653 : f32 to vector<16xf32>
      %add3A_655 = arith.addf %bitcast3A_649, %add3A_654 : vector<16xf32>
      %div3A_656 = arith.divf %sub3A_652, %add3A_655 : vector<16xf32>
      %mul3A_657 = arith.mulf %div3A_656, %div3A_656 : vector<16xf32>
      %convert_element_type3A_658 = arith.sitofp %shift_right_arithmetic3A_644 : vector<16xi32> to vector<16xf32>
      %mul3A_659 = arith.constant 0.693147182 : f32
      %mul3A_660 = vector.broadcast %mul3A_659 : f32 to vector<16xf32>
      %mul3A_661 = arith.mulf %convert_element_type3A_658, %mul3A_660 : vector<16xf32>
      %mul3A_662 = arith.constant 4.000000e-01 : f32
      %mul3A_663 = vector.broadcast %mul3A_662 : f32 to vector<16xf32>
      %mul3A_664 = arith.mulf %mul3A_657, %mul3A_663 : vector<16xf32>
      %add3A_665 = arith.constant 0.666666686 : f32
      %add3A_666 = vector.broadcast %add3A_665 : f32 to vector<16xf32>
      %add3A_667 = arith.addf %add3A_666, %mul3A_664 : vector<16xf32>
      %mul3A_668 = arith.mulf %mul3A_657, %add3A_667 : vector<16xf32>
      %add3A_669 = arith.constant 2.000000e+00 : f32
      %add3A_670 = vector.broadcast %add3A_669 : f32 to vector<16xf32>
      %add3A_671 = arith.addf %add3A_670, %mul3A_668 : vector<16xf32>
      %mul3A_672 = arith.mulf %div3A_656, %add3A_671 : vector<16xf32>
      %add3A_673 = arith.addf %mul3A_661, %mul3A_672 : vector<16xf32>
      %add3A_674 = arith.addf %gather3A_589, %add3A_673 : vector<16xf32>
      %mul3A_675 = arith.constant 16 : i32
      %mul3A_676 = arith.muli %scan3A_569, %mul3A_675 : i32
      %add3A_677 = vector.broadcast %mul3A_676 : i32 to vector<16xi32>
      %add3A_678 = arith.addi %iota3A, %add3A_677 : vector<16xi32>
      %sub3A_679 = arith.subf %gather3A_580, %add3A_674 : vector<16xf32>
      tpu.vector_store_idx %arg9[%add3A_678, %broadcast_in_dim3A_37], %sub3A_679 : memref<512x5xf32, #tpu.memory_space<vmem>>[vector<16xi32>, vector<16xi32>], vector<16xf32>,
      %sub3A_680 = arith.subf %gather3A_583, %add3A_674 : vector<16xf32>
      tpu.vector_store_idx %arg9[%add3A_678, %add3A_40], %sub3A_680 : memref<512x5xf32, #tpu.memory_space<vmem>>[vector<16xi32>, vector<16xi32>], vector<16xf32>,
      %sub3A_681 = arith.constant 0.000000e+00 : f32
      %sub3A_682 = vector.broadcast %sub3A_681 : f32 to vector<16xf32>
      %sub3A_683 = arith.subf %sub3A_682, %add3A_674 : vector<16xf32>
      tpu.vector_store_idx %arg9[%add3A_678, %add3A_43], %sub3A_683 : memref<512x5xf32, #tpu.memory_space<vmem>>[vector<16xi32>, vector<16xi32>], vector<16xf32>,
      %sub3A_684 = arith.subf %add3A_635, %add3A_674 : vector<16xf32>
      tpu.vector_store_idx %arg9[%add3A_678, %add3A_46], %sub3A_684 : memref<512x5xf32, #tpu.memory_space<vmem>>[vector<16xi32>, vector<16xi32>], vector<16xf32>,
      %sub3A_685 = arith.subf %gather3A_586, %add3A_674 : vector<16xf32>
      tpu.vector_store_idx %arg9[%add3A_678, %add3A_49], %sub3A_685 : memref<512x5xf32, #tpu.memory_space<vmem>>[vector<16xi32>, vector<16xi32>], vector<16xf32>,
      %scan3A_686 = arith.constant 5 : i32
      %scan3A_687 = arith.addi %scan3A_103, %scan3A_686 : i32
      %mul3A_688 = arith.constant 16 : i32
      %mul3A_689 = arith.muli %scan3A_687, %mul3A_688 : i32
      %get3A_690 = arith.index_cast %mul3A_689 : i32 to index
      %get3A_691 = tpu.vector_load %arg6[%get3A_690] {strides = array<i32>} : memref<512xi32, #tpu.memory_space<vmem>>, vector<16xi32>,
      %mul3A_692 = arith.constant 16 : i32
      %mul3A_693 = arith.muli %scan3A_687, %mul3A_692 : i32
      %get3A_694 = arith.index_cast %mul3A_693 : i32 to index
      %get3A_695 = tpu.vector_load %arg7[%get3A_694] {strides = array<i32>} : memref<512xf32, #tpu.memory_space<vmem>>, vector<16xf32>,
      %broadcast_in_dim3A_696 = vector.shape_cast %get3A_691 : vector<16xi32> to vector<16x1xi32>
      %gather3A_697 = vector.shape_cast %broadcast_in_dim3A_696 : vector<16x1xi32> to vector<16xi32>
      %gather3A_698 = tpu.dynamic_gather %gather3A[%gather3A_697] in [0] : vector<16xf32>, vector<16xi32> -> vector<16xf32>
      %broadcast_in_dim3A_699 = vector.shape_cast %get3A_691 : vector<16xi32> to vector<16x1xi32>
      %gather3A_700 = vector.shape_cast %broadcast_in_dim3A_699 : vector<16x1xi32> to vector<16xi32>
      %gather3A_701 = tpu.dynamic_gather %gather3A_14[%gather3A_700] in [0] : vector<16xf32>, vector<16xi32> -> vector<16xf32>
      %broadcast_in_dim3A_702 = vector.shape_cast %get3A_691 : vector<16xi32> to vector<16x1xi32>
      %gather3A_703 = vector.shape_cast %broadcast_in_dim3A_702 : vector<16x1xi32> to vector<16xi32>
      %gather3A_704 = tpu.dynamic_gather %gather3A_18[%gather3A_703] in [0] : vector<16xf32>, vector<16xi32> -> vector<16xf32>
      %broadcast_in_dim3A_705 = vector.shape_cast %get3A_691 : vector<16xi32> to vector<16x1xi32>
      %gather3A_706 = vector.shape_cast %broadcast_in_dim3A_705 : vector<16x1xi32> to vector<16xi32>
      %gather3A_707 = tpu.dynamic_gather %max3A_22[%gather3A_706] in [0] : vector<16xf32>, vector<16xi32> -> vector<16xf32>
      %broadcast_in_dim3A_708 = vector.shape_cast %get3A_691 : vector<16xi32> to vector<16x1xi32>
      %gather3A_709 = vector.shape_cast %broadcast_in_dim3A_708 : vector<16x1xi32> to vector<16xi32>
      %gather3A_710 = tpu.dynamic_gather %exp3A[%gather3A_709] in [0] : vector<16xf32>, vector<16xi32> -> vector<16xf32>
      %broadcast_in_dim3A_711 = vector.shape_cast %get3A_691 : vector<16xi32> to vector<16x1xi32>
      %gather3A_712 = vector.shape_cast %broadcast_in_dim3A_711 : vector<16x1xi32> to vector<16xi32>
      %gather3A_713 = tpu.dynamic_gather %add3A_33[%gather3A_712] in [0] : vector<16xf32>, vector<16xi32> -> vector<16xf32>
      %sub3A_714 = arith.constant 2.000000e+00 : f32
      %sub3A_715 = vector.broadcast %sub3A_714 : f32 to vector<16xf32>
      %sub3A_716 = arith.subf %sub3A_715, %get3A_695 : vector<16xf32>
      %mul3A_717 = arith.mulf %get3A_695, %sub3A_716 : vector<16xf32>
      %bitcast3A_718 = vector.bitcast %mul3A_717 : vector<16xf32> to vector<16xi32>
      %sub3A_719 = arith.constant 1060439283 : i32
      %sub3A_720 = vector.broadcast %sub3A_719 : i32 to vector<16xi32>
      %sub3A_721 = arith.subi %bitcast3A_718, %sub3A_720 : vector<16xi32>
      %shift_right_arithmetic3A_722 = arith.constant 23 : i32
      %shift_right_arithmetic3A_723 = vector.broadcast %shift_right_arithmetic3A_722 : i32 to vector<16xi32>
      %shift_right_arithmetic3A_724 = arith.shrsi %sub3A_721, %shift_right_arithmetic3A_723 : vector<16xi32>
      %shift_left3A_725 = arith.constant 23 : i32
      %shift_left3A_726 = vector.broadcast %shift_left3A_725 : i32 to vector<16xi32>
      %shift_left3A_727 = arith.shli %shift_right_arithmetic3A_724, %shift_left3A_726 : vector<16xi32>
      %sub3A_728 = arith.subi %bitcast3A_718, %shift_left3A_727 : vector<16xi32>
      %bitcast3A_729 = vector.bitcast %sub3A_728 : vector<16xi32> to vector<16xf32>
      %sub3A_730 = arith.constant 1.000000e+00 : f32
      %sub3A_731 = vector.broadcast %sub3A_730 : f32 to vector<16xf32>
      %sub3A_732 = arith.subf %bitcast3A_729, %sub3A_731 : vector<16xf32>
      %add3A_733 = arith.constant 1.000000e+00 : f32
      %add3A_734 = vector.broadcast %add3A_733 : f32 to vector<16xf32>
      %add3A_735 = arith.addf %bitcast3A_729, %add3A_734 : vector<16xf32>
      %div3A_736 = arith.divf %sub3A_732, %add3A_735 : vector<16xf32>
      %mul3A_737 = arith.mulf %div3A_736, %div3A_736 : vector<16xf32>
      %convert_element_type3A_738 = arith.sitofp %shift_right_arithmetic3A_724 : vector<16xi32> to vector<16xf32>
      %mul3A_739 = arith.constant 0.693147182 : f32
      %mul3A_740 = vector.broadcast %mul3A_739 : f32 to vector<16xf32>
      %mul3A_741 = arith.mulf %convert_element_type3A_738, %mul3A_740 : vector<16xf32>
      %mul3A_742 = arith.constant 4.000000e-01 : f32
      %mul3A_743 = vector.broadcast %mul3A_742 : f32 to vector<16xf32>
      %mul3A_744 = arith.mulf %mul3A_737, %mul3A_743 : vector<16xf32>
      %add3A_745 = arith.constant 0.666666686 : f32
      %add3A_746 = vector.broadcast %add3A_745 : f32 to vector<16xf32>
      %add3A_747 = arith.addf %add3A_746, %mul3A_744 : vector<16xf32>
      %mul3A_748 = arith.mulf %mul3A_737, %add3A_747 : vector<16xf32>
      %add3A_749 = arith.constant 2.000000e+00 : f32
      %add3A_750 = vector.broadcast %add3A_749 : f32 to vector<16xf32>
      %add3A_751 = arith.addf %add3A_750, %mul3A_748 : vector<16xf32>
      %mul3A_752 = arith.mulf %div3A_736, %add3A_751 : vector<16xf32>
      %add3A_753 = arith.addf %mul3A_741, %mul3A_752 : vector<16xf32>
      %mul3A_754 = arith.mulf %mul3A_717, %gather3A_710 : vector<16xf32>
      %add3A_755 = arith.addf %gather3A_713, %mul3A_754 : vector<16xf32>
      %bitcast3A_756 = vector.bitcast %add3A_755 : vector<16xf32> to vector<16xi32>
      %sub3A_757 = arith.constant 1060439283 : i32
      %sub3A_758 = vector.broadcast %sub3A_757 : i32 to vector<16xi32>
      %sub3A_759 = arith.subi %bitcast3A_756, %sub3A_758 : vector<16xi32>
      %shift_right_arithmetic3A_760 = arith.constant 23 : i32
      %shift_right_arithmetic3A_761 = vector.broadcast %shift_right_arithmetic3A_760 : i32 to vector<16xi32>
      %shift_right_arithmetic3A_762 = arith.shrsi %sub3A_759, %shift_right_arithmetic3A_761 : vector<16xi32>
      %shift_left3A_763 = arith.constant 23 : i32
      %shift_left3A_764 = vector.broadcast %shift_left3A_763 : i32 to vector<16xi32>
      %shift_left3A_765 = arith.shli %shift_right_arithmetic3A_762, %shift_left3A_764 : vector<16xi32>
      %sub3A_766 = arith.subi %bitcast3A_756, %shift_left3A_765 : vector<16xi32>
      %bitcast3A_767 = vector.bitcast %sub3A_766 : vector<16xi32> to vector<16xf32>
      %sub3A_768 = arith.constant 1.000000e+00 : f32
      %sub3A_769 = vector.broadcast %sub3A_768 : f32 to vector<16xf32>
      %sub3A_770 = arith.subf %bitcast3A_767, %sub3A_769 : vector<16xf32>
      %add3A_771 = arith.constant 1.000000e+00 : f32
      %add3A_772 = vector.broadcast %add3A_771 : f32 to vector<16xf32>
      %add3A_773 = arith.addf %bitcast3A_767, %add3A_772 : vector<16xf32>
      %div3A_774 = arith.divf %sub3A_770, %add3A_773 : vector<16xf32>
      %mul3A_775 = arith.mulf %div3A_774, %div3A_774 : vector<16xf32>
      %convert_element_type3A_776 = arith.sitofp %shift_right_arithmetic3A_762 : vector<16xi32> to vector<16xf32>
      %mul3A_777 = arith.constant 0.693147182 : f32
      %mul3A_778 = vector.broadcast %mul3A_777 : f32 to vector<16xf32>
      %mul3A_779 = arith.mulf %convert_element_type3A_776, %mul3A_778 : vector<16xf32>
      %mul3A_780 = arith.constant 4.000000e-01 : f32
      %mul3A_781 = vector.broadcast %mul3A_780 : f32 to vector<16xf32>
      %mul3A_782 = arith.mulf %mul3A_775, %mul3A_781 : vector<16xf32>
      %add3A_783 = arith.constant 0.666666686 : f32
      %add3A_784 = vector.broadcast %add3A_783 : f32 to vector<16xf32>
      %add3A_785 = arith.addf %add3A_784, %mul3A_782 : vector<16xf32>
      %mul3A_786 = arith.mulf %mul3A_775, %add3A_785 : vector<16xf32>
      %add3A_787 = arith.constant 2.000000e+00 : f32
      %add3A_788 = vector.broadcast %add3A_787 : f32 to vector<16xf32>
      %add3A_789 = arith.addf %add3A_788, %mul3A_786 : vector<16xf32>
      %mul3A_790 = arith.mulf %div3A_774, %add3A_789 : vector<16xf32>
      %add3A_791 = arith.addf %mul3A_779, %mul3A_790 : vector<16xf32>
      %add3A_792 = arith.addf %gather3A_707, %add3A_791 : vector<16xf32>
      %mul3A_793 = arith.constant 16 : i32
      %mul3A_794 = arith.muli %scan3A_687, %mul3A_793 : i32
      %add3A_795 = vector.broadcast %mul3A_794 : i32 to vector<16xi32>
      %add3A_796 = arith.addi %iota3A, %add3A_795 : vector<16xi32>
      %sub3A_797 = arith.subf %gather3A_698, %add3A_792 : vector<16xf32>
      tpu.vector_store_idx %arg9[%add3A_796, %broadcast_in_dim3A_37], %sub3A_797 : memref<512x5xf32, #tpu.memory_space<vmem>>[vector<16xi32>, vector<16xi32>], vector<16xf32>,
      %sub3A_798 = arith.subf %gather3A_701, %add3A_792 : vector<16xf32>
      tpu.vector_store_idx %arg9[%add3A_796, %add3A_40], %sub3A_798 : memref<512x5xf32, #tpu.memory_space<vmem>>[vector<16xi32>, vector<16xi32>], vector<16xf32>,
      %sub3A_799 = arith.constant 0.000000e+00 : f32
      %sub3A_800 = vector.broadcast %sub3A_799 : f32 to vector<16xf32>
      %sub3A_801 = arith.subf %sub3A_800, %add3A_792 : vector<16xf32>
      tpu.vector_store_idx %arg9[%add3A_796, %add3A_43], %sub3A_801 : memref<512x5xf32, #tpu.memory_space<vmem>>[vector<16xi32>, vector<16xi32>], vector<16xf32>,
      %sub3A_802 = arith.subf %add3A_753, %add3A_792 : vector<16xf32>
      tpu.vector_store_idx %arg9[%add3A_796, %add3A_46], %sub3A_802 : memref<512x5xf32, #tpu.memory_space<vmem>>[vector<16xi32>, vector<16xi32>], vector<16xf32>,
      %sub3A_803 = arith.subf %gather3A_704, %add3A_792 : vector<16xf32>
      tpu.vector_store_idx %arg9[%add3A_796, %add3A_49], %sub3A_803 : memref<512x5xf32, #tpu.memory_space<vmem>>[vector<16xi32>, vector<16xi32>], vector<16xf32>,
      %scan3A_804 = arith.constant 6 : i32
      %scan3A_805 = arith.addi %scan3A_103, %scan3A_804 : i32
      %mul3A_806 = arith.constant 16 : i32
      %mul3A_807 = arith.muli %scan3A_805, %mul3A_806 : i32
      %get3A_808 = arith.index_cast %mul3A_807 : i32 to index
      %get3A_809 = tpu.vector_load %arg6[%get3A_808] {strides = array<i32>} : memref<512xi32, #tpu.memory_space<vmem>>, vector<16xi32>,
      %mul3A_810 = arith.constant 16 : i32
      %mul3A_811 = arith.muli %scan3A_805, %mul3A_810 : i32
      %get3A_812 = arith.index_cast %mul3A_811 : i32 to index
      %get3A_813 = tpu.vector_load %arg7[%get3A_812] {strides = array<i32>} : memref<512xf32, #tpu.memory_space<vmem>>, vector<16xf32>,
      %broadcast_in_dim3A_814 = vector.shape_cast %get3A_809 : vector<16xi32> to vector<16x1xi32>
      %gather3A_815 = vector.shape_cast %broadcast_in_dim3A_814 : vector<16x1xi32> to vector<16xi32>
      %gather3A_816 = tpu.dynamic_gather %gather3A[%gather3A_815] in [0] : vector<16xf32>, vector<16xi32> -> vector<16xf32>
      %broadcast_in_dim3A_817 = vector.shape_cast %get3A_809 : vector<16xi32> to vector<16x1xi32>
      %gather3A_818 = vector.shape_cast %broadcast_in_dim3A_817 : vector<16x1xi32> to vector<16xi32>
      %gather3A_819 = tpu.dynamic_gather %gather3A_14[%gather3A_818] in [0] : vector<16xf32>, vector<16xi32> -> vector<16xf32>
      %broadcast_in_dim3A_820 = vector.shape_cast %get3A_809 : vector<16xi32> to vector<16x1xi32>
      %gather3A_821 = vector.shape_cast %broadcast_in_dim3A_820 : vector<16x1xi32> to vector<16xi32>
      %gather3A_822 = tpu.dynamic_gather %gather3A_18[%gather3A_821] in [0] : vector<16xf32>, vector<16xi32> -> vector<16xf32>
      %broadcast_in_dim3A_823 = vector.shape_cast %get3A_809 : vector<16xi32> to vector<16x1xi32>
      %gather3A_824 = vector.shape_cast %broadcast_in_dim3A_823 : vector<16x1xi32> to vector<16xi32>
      %gather3A_825 = tpu.dynamic_gather %max3A_22[%gather3A_824] in [0] : vector<16xf32>, vector<16xi32> -> vector<16xf32>
      %broadcast_in_dim3A_826 = vector.shape_cast %get3A_809 : vector<16xi32> to vector<16x1xi32>
      %gather3A_827 = vector.shape_cast %broadcast_in_dim3A_826 : vector<16x1xi32> to vector<16xi32>
      %gather3A_828 = tpu.dynamic_gather %exp3A[%gather3A_827] in [0] : vector<16xf32>, vector<16xi32> -> vector<16xf32>
      %broadcast_in_dim3A_829 = vector.shape_cast %get3A_809 : vector<16xi32> to vector<16x1xi32>
      %gather3A_830 = vector.shape_cast %broadcast_in_dim3A_829 : vector<16x1xi32> to vector<16xi32>
      %gather3A_831 = tpu.dynamic_gather %add3A_33[%gather3A_830] in [0] : vector<16xf32>, vector<16xi32> -> vector<16xf32>
      %sub3A_832 = arith.constant 2.000000e+00 : f32
      %sub3A_833 = vector.broadcast %sub3A_832 : f32 to vector<16xf32>
      %sub3A_834 = arith.subf %sub3A_833, %get3A_813 : vector<16xf32>
      %mul3A_835 = arith.mulf %get3A_813, %sub3A_834 : vector<16xf32>
      %bitcast3A_836 = vector.bitcast %mul3A_835 : vector<16xf32> to vector<16xi32>
      %sub3A_837 = arith.constant 1060439283 : i32
      %sub3A_838 = vector.broadcast %sub3A_837 : i32 to vector<16xi32>
      %sub3A_839 = arith.subi %bitcast3A_836, %sub3A_838 : vector<16xi32>
      %shift_right_arithmetic3A_840 = arith.constant 23 : i32
      %shift_right_arithmetic3A_841 = vector.broadcast %shift_right_arithmetic3A_840 : i32 to vector<16xi32>
      %shift_right_arithmetic3A_842 = arith.shrsi %sub3A_839, %shift_right_arithmetic3A_841 : vector<16xi32>
      %shift_left3A_843 = arith.constant 23 : i32
      %shift_left3A_844 = vector.broadcast %shift_left3A_843 : i32 to vector<16xi32>
      %shift_left3A_845 = arith.shli %shift_right_arithmetic3A_842, %shift_left3A_844 : vector<16xi32>
      %sub3A_846 = arith.subi %bitcast3A_836, %shift_left3A_845 : vector<16xi32>
      %bitcast3A_847 = vector.bitcast %sub3A_846 : vector<16xi32> to vector<16xf32>
      %sub3A_848 = arith.constant 1.000000e+00 : f32
      %sub3A_849 = vector.broadcast %sub3A_848 : f32 to vector<16xf32>
      %sub3A_850 = arith.subf %bitcast3A_847, %sub3A_849 : vector<16xf32>
      %add3A_851 = arith.constant 1.000000e+00 : f32
      %add3A_852 = vector.broadcast %add3A_851 : f32 to vector<16xf32>
      %add3A_853 = arith.addf %bitcast3A_847, %add3A_852 : vector<16xf32>
      %div3A_854 = arith.divf %sub3A_850, %add3A_853 : vector<16xf32>
      %mul3A_855 = arith.mulf %div3A_854, %div3A_854 : vector<16xf32>
      %convert_element_type3A_856 = arith.sitofp %shift_right_arithmetic3A_842 : vector<16xi32> to vector<16xf32>
      %mul3A_857 = arith.constant 0.693147182 : f32
      %mul3A_858 = vector.broadcast %mul3A_857 : f32 to vector<16xf32>
      %mul3A_859 = arith.mulf %convert_element_type3A_856, %mul3A_858 : vector<16xf32>
      %mul3A_860 = arith.constant 4.000000e-01 : f32
      %mul3A_861 = vector.broadcast %mul3A_860 : f32 to vector<16xf32>
      %mul3A_862 = arith.mulf %mul3A_855, %mul3A_861 : vector<16xf32>
      %add3A_863 = arith.constant 0.666666686 : f32
      %add3A_864 = vector.broadcast %add3A_863 : f32 to vector<16xf32>
      %add3A_865 = arith.addf %add3A_864, %mul3A_862 : vector<16xf32>
      %mul3A_866 = arith.mulf %mul3A_855, %add3A_865 : vector<16xf32>
      %add3A_867 = arith.constant 2.000000e+00 : f32
      %add3A_868 = vector.broadcast %add3A_867 : f32 to vector<16xf32>
      %add3A_869 = arith.addf %add3A_868, %mul3A_866 : vector<16xf32>
      %mul3A_870 = arith.mulf %div3A_854, %add3A_869 : vector<16xf32>
      %add3A_871 = arith.addf %mul3A_859, %mul3A_870 : vector<16xf32>
      %mul3A_872 = arith.mulf %mul3A_835, %gather3A_828 : vector<16xf32>
      %add3A_873 = arith.addf %gather3A_831, %mul3A_872 : vector<16xf32>
      %bitcast3A_874 = vector.bitcast %add3A_873 : vector<16xf32> to vector<16xi32>
      %sub3A_875 = arith.constant 1060439283 : i32
      %sub3A_876 = vector.broadcast %sub3A_875 : i32 to vector<16xi32>
      %sub3A_877 = arith.subi %bitcast3A_874, %sub3A_876 : vector<16xi32>
      %shift_right_arithmetic3A_878 = arith.constant 23 : i32
      %shift_right_arithmetic3A_879 = vector.broadcast %shift_right_arithmetic3A_878 : i32 to vector<16xi32>
      %shift_right_arithmetic3A_880 = arith.shrsi %sub3A_877, %shift_right_arithmetic3A_879 : vector<16xi32>
      %shift_left3A_881 = arith.constant 23 : i32
      %shift_left3A_882 = vector.broadcast %shift_left3A_881 : i32 to vector<16xi32>
      %shift_left3A_883 = arith.shli %shift_right_arithmetic3A_880, %shift_left3A_882 : vector<16xi32>
      %sub3A_884 = arith.subi %bitcast3A_874, %shift_left3A_883 : vector<16xi32>
      %bitcast3A_885 = vector.bitcast %sub3A_884 : vector<16xi32> to vector<16xf32>
      %sub3A_886 = arith.constant 1.000000e+00 : f32
      %sub3A_887 = vector.broadcast %sub3A_886 : f32 to vector<16xf32>
      %sub3A_888 = arith.subf %bitcast3A_885, %sub3A_887 : vector<16xf32>
      %add3A_889 = arith.constant 1.000000e+00 : f32
      %add3A_890 = vector.broadcast %add3A_889 : f32 to vector<16xf32>
      %add3A_891 = arith.addf %bitcast3A_885, %add3A_890 : vector<16xf32>
      %div3A_892 = arith.divf %sub3A_888, %add3A_891 : vector<16xf32>
      %mul3A_893 = arith.mulf %div3A_892, %div3A_892 : vector<16xf32>
      %convert_element_type3A_894 = arith.sitofp %shift_right_arithmetic3A_880 : vector<16xi32> to vector<16xf32>
      %mul3A_895 = arith.constant 0.693147182 : f32
      %mul3A_896 = vector.broadcast %mul3A_895 : f32 to vector<16xf32>
      %mul3A_897 = arith.mulf %convert_element_type3A_894, %mul3A_896 : vector<16xf32>
      %mul3A_898 = arith.constant 4.000000e-01 : f32
      %mul3A_899 = vector.broadcast %mul3A_898 : f32 to vector<16xf32>
      %mul3A_900 = arith.mulf %mul3A_893, %mul3A_899 : vector<16xf32>
      %add3A_901 = arith.constant 0.666666686 : f32
      %add3A_902 = vector.broadcast %add3A_901 : f32 to vector<16xf32>
      %add3A_903 = arith.addf %add3A_902, %mul3A_900 : vector<16xf32>
      %mul3A_904 = arith.mulf %mul3A_893, %add3A_903 : vector<16xf32>
      %add3A_905 = arith.constant 2.000000e+00 : f32
      %add3A_906 = vector.broadcast %add3A_905 : f32 to vector<16xf32>
      %add3A_907 = arith.addf %add3A_906, %mul3A_904 : vector<16xf32>
      %mul3A_908 = arith.mulf %div3A_892, %add3A_907 : vector<16xf32>
      %add3A_909 = arith.addf %mul3A_897, %mul3A_908 : vector<16xf32>
      %add3A_910 = arith.addf %gather3A_825, %add3A_909 : vector<16xf32>
      %mul3A_911 = arith.constant 16 : i32
      %mul3A_912 = arith.muli %scan3A_805, %mul3A_911 : i32
      %add3A_913 = vector.broadcast %mul3A_912 : i32 to vector<16xi32>
      %add3A_914 = arith.addi %iota3A, %add3A_913 : vector<16xi32>
      %sub3A_915 = arith.subf %gather3A_816, %add3A_910 : vector<16xf32>
      tpu.vector_store_idx %arg9[%add3A_914, %broadcast_in_dim3A_37], %sub3A_915 : memref<512x5xf32, #tpu.memory_space<vmem>>[vector<16xi32>, vector<16xi32>], vector<16xf32>,
      %sub3A_916 = arith.subf %gather3A_819, %add3A_910 : vector<16xf32>
      tpu.vector_store_idx %arg9[%add3A_914, %add3A_40], %sub3A_916 : memref<512x5xf32, #tpu.memory_space<vmem>>[vector<16xi32>, vector<16xi32>], vector<16xf32>,
      %sub3A_917 = arith.constant 0.000000e+00 : f32
      %sub3A_918 = vector.broadcast %sub3A_917 : f32 to vector<16xf32>
      %sub3A_919 = arith.subf %sub3A_918, %add3A_910 : vector<16xf32>
      tpu.vector_store_idx %arg9[%add3A_914, %add3A_43], %sub3A_919 : memref<512x5xf32, #tpu.memory_space<vmem>>[vector<16xi32>, vector<16xi32>], vector<16xf32>,
      %sub3A_920 = arith.subf %add3A_871, %add3A_910 : vector<16xf32>
      tpu.vector_store_idx %arg9[%add3A_914, %add3A_46], %sub3A_920 : memref<512x5xf32, #tpu.memory_space<vmem>>[vector<16xi32>, vector<16xi32>], vector<16xf32>,
      %sub3A_921 = arith.subf %gather3A_822, %add3A_910 : vector<16xf32>
      tpu.vector_store_idx %arg9[%add3A_914, %add3A_49], %sub3A_921 : memref<512x5xf32, #tpu.memory_space<vmem>>[vector<16xi32>, vector<16xi32>], vector<16xf32>,
      %scan3A_922 = arith.constant 7 : i32
      %scan3A_923 = arith.addi %scan3A_103, %scan3A_922 : i32
      %mul3A_924 = arith.constant 16 : i32
      %mul3A_925 = arith.muli %scan3A_923, %mul3A_924 : i32
      %get3A_926 = arith.index_cast %mul3A_925 : i32 to index
      %get3A_927 = tpu.vector_load %arg6[%get3A_926] {strides = array<i32>} : memref<512xi32, #tpu.memory_space<vmem>>, vector<16xi32>,
      %mul3A_928 = arith.constant 16 : i32
      %mul3A_929 = arith.muli %scan3A_923, %mul3A_928 : i32
      %get3A_930 = arith.index_cast %mul3A_929 : i32 to index
      %get3A_931 = tpu.vector_load %arg7[%get3A_930] {strides = array<i32>} : memref<512xf32, #tpu.memory_space<vmem>>, vector<16xf32>,
      %broadcast_in_dim3A_932 = vector.shape_cast %get3A_927 : vector<16xi32> to vector<16x1xi32>
      %gather3A_933 = vector.shape_cast %broadcast_in_dim3A_932 : vector<16x1xi32> to vector<16xi32>
      %gather3A_934 = tpu.dynamic_gather %gather3A[%gather3A_933] in [0] : vector<16xf32>, vector<16xi32> -> vector<16xf32>
      %broadcast_in_dim3A_935 = vector.shape_cast %get3A_927 : vector<16xi32> to vector<16x1xi32>
      %gather3A_936 = vector.shape_cast %broadcast_in_dim3A_935 : vector<16x1xi32> to vector<16xi32>
      %gather3A_937 = tpu.dynamic_gather %gather3A_14[%gather3A_936] in [0] : vector<16xf32>, vector<16xi32> -> vector<16xf32>
      %broadcast_in_dim3A_938 = vector.shape_cast %get3A_927 : vector<16xi32> to vector<16x1xi32>
      %gather3A_939 = vector.shape_cast %broadcast_in_dim3A_938 : vector<16x1xi32> to vector<16xi32>
      %gather3A_940 = tpu.dynamic_gather %gather3A_18[%gather3A_939] in [0] : vector<16xf32>, vector<16xi32> -> vector<16xf32>
      %broadcast_in_dim3A_941 = vector.shape_cast %get3A_927 : vector<16xi32> to vector<16x1xi32>
      %gather3A_942 = vector.shape_cast %broadcast_in_dim3A_941 : vector<16x1xi32> to vector<16xi32>
      %gather3A_943 = tpu.dynamic_gather %max3A_22[%gather3A_942] in [0] : vector<16xf32>, vector<16xi32> -> vector<16xf32>
      %broadcast_in_dim3A_944 = vector.shape_cast %get3A_927 : vector<16xi32> to vector<16x1xi32>
      %gather3A_945 = vector.shape_cast %broadcast_in_dim3A_944 : vector<16x1xi32> to vector<16xi32>
      %gather3A_946 = tpu.dynamic_gather %exp3A[%gather3A_945] in [0] : vector<16xf32>, vector<16xi32> -> vector<16xf32>
      %broadcast_in_dim3A_947 = vector.shape_cast %get3A_927 : vector<16xi32> to vector<16x1xi32>
      %gather3A_948 = vector.shape_cast %broadcast_in_dim3A_947 : vector<16x1xi32> to vector<16xi32>
      %gather3A_949 = tpu.dynamic_gather %add3A_33[%gather3A_948] in [0] : vector<16xf32>, vector<16xi32> -> vector<16xf32>
      %sub3A_950 = arith.constant 2.000000e+00 : f32
      %sub3A_951 = vector.broadcast %sub3A_950 : f32 to vector<16xf32>
      %sub3A_952 = arith.subf %sub3A_951, %get3A_931 : vector<16xf32>
      %mul3A_953 = arith.mulf %get3A_931, %sub3A_952 : vector<16xf32>
      %bitcast3A_954 = vector.bitcast %mul3A_953 : vector<16xf32> to vector<16xi32>
      %sub3A_955 = arith.constant 1060439283 : i32
      %sub3A_956 = vector.broadcast %sub3A_955 : i32 to vector<16xi32>
      %sub3A_957 = arith.subi %bitcast3A_954, %sub3A_956 : vector<16xi32>
      %shift_right_arithmetic3A_958 = arith.constant 23 : i32
      %shift_right_arithmetic3A_959 = vector.broadcast %shift_right_arithmetic3A_958 : i32 to vector<16xi32>
      %shift_right_arithmetic3A_960 = arith.shrsi %sub3A_957, %shift_right_arithmetic3A_959 : vector<16xi32>
      %shift_left3A_961 = arith.constant 23 : i32
      %shift_left3A_962 = vector.broadcast %shift_left3A_961 : i32 to vector<16xi32>
      %shift_left3A_963 = arith.shli %shift_right_arithmetic3A_960, %shift_left3A_962 : vector<16xi32>
      %sub3A_964 = arith.subi %bitcast3A_954, %shift_left3A_963 : vector<16xi32>
      %bitcast3A_965 = vector.bitcast %sub3A_964 : vector<16xi32> to vector<16xf32>
      %sub3A_966 = arith.constant 1.000000e+00 : f32
      %sub3A_967 = vector.broadcast %sub3A_966 : f32 to vector<16xf32>
      %sub3A_968 = arith.subf %bitcast3A_965, %sub3A_967 : vector<16xf32>
      %add3A_969 = arith.constant 1.000000e+00 : f32
      %add3A_970 = vector.broadcast %add3A_969 : f32 to vector<16xf32>
      %add3A_971 = arith.addf %bitcast3A_965, %add3A_970 : vector<16xf32>
      %div3A_972 = arith.divf %sub3A_968, %add3A_971 : vector<16xf32>
      %mul3A_973 = arith.mulf %div3A_972, %div3A_972 : vector<16xf32>
      %convert_element_type3A_974 = arith.sitofp %shift_right_arithmetic3A_960 : vector<16xi32> to vector<16xf32>
      %mul3A_975 = arith.constant 0.693147182 : f32
      %mul3A_976 = vector.broadcast %mul3A_975 : f32 to vector<16xf32>
      %mul3A_977 = arith.mulf %convert_element_type3A_974, %mul3A_976 : vector<16xf32>
      %mul3A_978 = arith.constant 4.000000e-01 : f32
      %mul3A_979 = vector.broadcast %mul3A_978 : f32 to vector<16xf32>
      %mul3A_980 = arith.mulf %mul3A_973, %mul3A_979 : vector<16xf32>
      %add3A_981 = arith.constant 0.666666686 : f32
      %add3A_982 = vector.broadcast %add3A_981 : f32 to vector<16xf32>
      %add3A_983 = arith.addf %add3A_982, %mul3A_980 : vector<16xf32>
      %mul3A_984 = arith.mulf %mul3A_973, %add3A_983 : vector<16xf32>
      %add3A_985 = arith.constant 2.000000e+00 : f32
      %add3A_986 = vector.broadcast %add3A_985 : f32 to vector<16xf32>
      %add3A_987 = arith.addf %add3A_986, %mul3A_984 : vector<16xf32>
      %mul3A_988 = arith.mulf %div3A_972, %add3A_987 : vector<16xf32>
      %add3A_989 = arith.addf %mul3A_977, %mul3A_988 : vector<16xf32>
      %mul3A_990 = arith.mulf %mul3A_953, %gather3A_946 : vector<16xf32>
      %add3A_991 = arith.addf %gather3A_949, %mul3A_990 : vector<16xf32>
      %bitcast3A_992 = vector.bitcast %add3A_991 : vector<16xf32> to vector<16xi32>
      %sub3A_993 = arith.constant 1060439283 : i32
      %sub3A_994 = vector.broadcast %sub3A_993 : i32 to vector<16xi32>
      %sub3A_995 = arith.subi %bitcast3A_992, %sub3A_994 : vector<16xi32>
      %shift_right_arithmetic3A_996 = arith.constant 23 : i32
      %shift_right_arithmetic3A_997 = vector.broadcast %shift_right_arithmetic3A_996 : i32 to vector<16xi32>
      %shift_right_arithmetic3A_998 = arith.shrsi %sub3A_995, %shift_right_arithmetic3A_997 : vector<16xi32>
      %shift_left3A_999 = arith.constant 23 : i32
      %shift_left3A_1000 = vector.broadcast %shift_left3A_999 : i32 to vector<16xi32>
      %shift_left3A_1001 = arith.shli %shift_right_arithmetic3A_998, %shift_left3A_1000 : vector<16xi32>
      %sub3A_1002 = arith.subi %bitcast3A_992, %shift_left3A_1001 : vector<16xi32>
      %bitcast3A_1003 = vector.bitcast %sub3A_1002 : vector<16xi32> to vector<16xf32>
      %sub3A_1004 = arith.constant 1.000000e+00 : f32
      %sub3A_1005 = vector.broadcast %sub3A_1004 : f32 to vector<16xf32>
      %sub3A_1006 = arith.subf %bitcast3A_1003, %sub3A_1005 : vector<16xf32>
      %add3A_1007 = arith.constant 1.000000e+00 : f32
      %add3A_1008 = vector.broadcast %add3A_1007 : f32 to vector<16xf32>
      %add3A_1009 = arith.addf %bitcast3A_1003, %add3A_1008 : vector<16xf32>
      %div3A_1010 = arith.divf %sub3A_1006, %add3A_1009 : vector<16xf32>
      %mul3A_1011 = arith.mulf %div3A_1010, %div3A_1010 : vector<16xf32>
      %convert_element_type3A_1012 = arith.sitofp %shift_right_arithmetic3A_998 : vector<16xi32> to vector<16xf32>
      %mul3A_1013 = arith.constant 0.693147182 : f32
      %mul3A_1014 = vector.broadcast %mul3A_1013 : f32 to vector<16xf32>
      %mul3A_1015 = arith.mulf %convert_element_type3A_1012, %mul3A_1014 : vector<16xf32>
      %mul3A_1016 = arith.constant 4.000000e-01 : f32
      %mul3A_1017 = vector.broadcast %mul3A_1016 : f32 to vector<16xf32>
      %mul3A_1018 = arith.mulf %mul3A_1011, %mul3A_1017 : vector<16xf32>
      %add3A_1019 = arith.constant 0.666666686 : f32
      %add3A_1020 = vector.broadcast %add3A_1019 : f32 to vector<16xf32>
      %add3A_1021 = arith.addf %add3A_1020, %mul3A_1018 : vector<16xf32>
      %mul3A_1022 = arith.mulf %mul3A_1011, %add3A_1021 : vector<16xf32>
      %add3A_1023 = arith.constant 2.000000e+00 : f32
      %add3A_1024 = vector.broadcast %add3A_1023 : f32 to vector<16xf32>
      %add3A_1025 = arith.addf %add3A_1024, %mul3A_1022 : vector<16xf32>
      %mul3A_1026 = arith.mulf %div3A_1010, %add3A_1025 : vector<16xf32>
      %add3A_1027 = arith.addf %mul3A_1015, %mul3A_1026 : vector<16xf32>
      %add3A_1028 = arith.addf %gather3A_943, %add3A_1027 : vector<16xf32>
      %mul3A_1029 = arith.constant 16 : i32
      %mul3A_1030 = arith.muli %scan3A_923, %mul3A_1029 : i32
      %add3A_1031 = vector.broadcast %mul3A_1030 : i32 to vector<16xi32>
      %add3A_1032 = arith.addi %iota3A, %add3A_1031 : vector<16xi32>
      %sub3A_1033 = arith.subf %gather3A_934, %add3A_1028 : vector<16xf32>
      tpu.vector_store_idx %arg9[%add3A_1032, %broadcast_in_dim3A_37], %sub3A_1033 : memref<512x5xf32, #tpu.memory_space<vmem>>[vector<16xi32>, vector<16xi32>], vector<16xf32>,
      %sub3A_1034 = arith.subf %gather3A_937, %add3A_1028 : vector<16xf32>
      tpu.vector_store_idx %arg9[%add3A_1032, %add3A_40], %sub3A_1034 : memref<512x5xf32, #tpu.memory_space<vmem>>[vector<16xi32>, vector<16xi32>], vector<16xf32>,
      %sub3A_1035 = arith.constant 0.000000e+00 : f32
      %sub3A_1036 = vector.broadcast %sub3A_1035 : f32 to vector<16xf32>
      %sub3A_1037 = arith.subf %sub3A_1036, %add3A_1028 : vector<16xf32>
      tpu.vector_store_idx %arg9[%add3A_1032, %add3A_43], %sub3A_1037 : memref<512x5xf32, #tpu.memory_space<vmem>>[vector<16xi32>, vector<16xi32>], vector<16xf32>,
      %sub3A_1038 = arith.subf %add3A_989, %add3A_1028 : vector<16xf32>
      tpu.vector_store_idx %arg9[%add3A_1032, %add3A_46], %sub3A_1038 : memref<512x5xf32, #tpu.memory_space<vmem>>[vector<16xi32>, vector<16xi32>], vector<16xf32>,
      %sub3A_1039 = arith.subf %gather3A_940, %add3A_1028 : vector<16xf32>
      tpu.vector_store_idx %arg9[%add3A_1032, %add3A_49], %sub3A_1039 : memref<512x5xf32, #tpu.memory_space<vmem>>[vector<16xi32>, vector<16xi32>], vector<16xf32>,
    }
    %scan3A_70 = arith.constant 16 : i32
    %add3A_71 = arith.constant 256 : i32
    %add3A_72 = arith.addi %mul3A_2, %add3A_71 : i32
    %dma_start3A_73 = arith.constant 256 : i32
    %dma_start3A_74 = arith.constant 0 : i32
    %dma_start3A_75 = tpu.memref_slice %arg9[%dma_start3A_73, %dma_start3A_74] : memref<512x5xf32, #tpu.memory_space<vmem>> -> memref<256x5xf32, #tpu.memory_space<vmem>>
    %dma_start3A_76 = arith.constant 0 : i32
    %dma_start3A_77 = tpu.memref_slice %arg5[%add3A_72, %dma_start3A_76] : memref<16384x5xf32, #tpu.memory_space<hbm>> -> memref<256x5xf32, #tpu.memory_space<hbm>>
    %dma_start3A_78 = arith.constant 0 : i32
    %dma_start3A_79 = tpu.memref_slice %arg5[%add3A_72, %dma_start3A_78] : memref<16384x5xf32, #tpu.memory_space<hbm>> -> memref<256x5xf32, #tpu.memory_space<hbm>>
    %dma_start3A_80 = arith.constant 256 : i32
    %dma_start3A_81 = arith.constant 0 : i32
    %dma_start3A_82 = tpu.memref_slice %arg9[%dma_start3A_80, %dma_start3A_81] : memref<512x5xf32, #tpu.memory_space<vmem>> -> memref<256x5xf32, #tpu.memory_space<vmem>>
    tpu.enqueue_dma source(%dma_start3A_82 : memref<256x5xf32, #tpu.memory_space<vmem>>) target(%dma_start3A_79 : memref<256x5xf32, #tpu.memory_space<hbm>>) target_semaphore(%arg10 : memref<!tpu.dma_semaphore, #tpu.memory_space<semaphore_mem>>)
    %dma_wait3A_83 = arith.constant 0 : i32
    %dma_wait3A_84 = arith.constant 0 : i32
    %dma_wait3A_85 = tpu.memref_slice %arg9[%dma_wait3A_83, %dma_wait3A_84] : memref<512x5xf32, #tpu.memory_space<vmem>> -> memref<256x5xf32, #tpu.memory_space<vmem>>
    %dma_wait3A_86 = arith.constant 0 : i32
    %dma_wait3A_87 = tpu.memref_slice %arg5[%mul3A_2, %dma_wait3A_86] : memref<16384x5xf32, #tpu.memory_space<hbm>> -> memref<256x5xf32, #tpu.memory_space<hbm>>
    %dma_wait3A_88 = arith.constant 0 : i32
    %dma_wait3A_89 = tpu.memref_slice %arg5[%mul3A_2, %dma_wait3A_88] : memref<16384x5xf32, #tpu.memory_space<hbm>> -> memref<256x5xf32, #tpu.memory_space<hbm>>
    %dma_wait3A_90 = arith.constant 0 : i32
    %dma_wait3A_91 = arith.constant 0 : i32
    %dma_wait3A_92 = tpu.memref_slice %arg9[%dma_wait3A_90, %dma_wait3A_91] : memref<512x5xf32, #tpu.memory_space<vmem>> -> memref<256x5xf32, #tpu.memory_space<vmem>>
    tpu.wait_dma2 semaphore(%arg11 : memref<!tpu.dma_semaphore, #tpu.memory_space<semaphore_mem>>) src(%dma_wait3A_92 : memref<256x5xf32, #tpu.memory_space<vmem>>) dst(%dma_wait3A_89 : memref<256x5xf32, #tpu.memory_space<hbm>>)
    %dma_wait3A_93 = arith.constant 256 : i32
    %dma_wait3A_94 = arith.constant 0 : i32
    %dma_wait3A_95 = tpu.memref_slice %arg9[%dma_wait3A_93, %dma_wait3A_94] : memref<512x5xf32, #tpu.memory_space<vmem>> -> memref<256x5xf32, #tpu.memory_space<vmem>>
    %dma_wait3A_96 = arith.constant 0 : i32
    %dma_wait3A_97 = tpu.memref_slice %arg5[%add3A_72, %dma_wait3A_96] : memref<16384x5xf32, #tpu.memory_space<hbm>> -> memref<256x5xf32, #tpu.memory_space<hbm>>
    %dma_wait3A_98 = arith.constant 0 : i32
    %dma_wait3A_99 = tpu.memref_slice %arg5[%add3A_72, %dma_wait3A_98] : memref<16384x5xf32, #tpu.memory_space<hbm>> -> memref<256x5xf32, #tpu.memory_space<hbm>>
    %dma_wait3A_100 = arith.constant 256 : i32
    %dma_wait3A_101 = arith.constant 0 : i32
    %dma_wait3A_102 = tpu.memref_slice %arg9[%dma_wait3A_100, %dma_wait3A_101] : memref<512x5xf32, #tpu.memory_space<vmem>> -> memref<256x5xf32, #tpu.memory_space<vmem>>
    tpu.wait_dma2 semaphore(%arg10 : memref<!tpu.dma_semaphore, #tpu.memory_space<semaphore_mem>>) src(%dma_wait3A_102 : memref<256x5xf32, #tpu.memory_space<vmem>>) dst(%dma_wait3A_99 : memref<256x5xf32, #tpu.memory_space<hbm>>)
    return
  }
}

</mosaic_0001>

<sc_bundles>
// kernel: _posterior_priors_sc.3.cloned.1.call-start
scs
__scs_entry_jumppad:
0x0: {  	(pc) =	sbr.rel $0x88, $3  }
0x1: {  	(tag) =	ssettag $0x0;
	lr =	simm.s32 $0x1  }
0x2: {  	[smem:$0x3F9E] =	sst lr;
	_ =	strace $0xD0000000  }
0x3: {  	_ = 	snop  }
0x4: {  	_ = 	snop  }
0x5: {  	_ = 	snop  }
0x6: {  	_ = 	snop  }
0x7: {  	_ = 	snop  }
__scs_overlays_trampoline_lowered:
0x8: {  	[smem:$0x3FAD] =	sst s0  }
0x9: {  	[smem:$0x3FAE] =	sst s1  }
0xa: {  	[smem:$0x3FAF] =	sst s2  }
0xb: {  	[smem:$0x3FB0] =	sst s3  }
0xc: {  	[smem:$0x3FB1] =	sst s4  }
0xd: {  	[smem:$0x3FB2] =	sst s5  }
0xe: {  	[smem:$0x3FB3] =	sst s6  }
0xf: {  	[smem:$0x3FB4] =	sst s7  }
0x10: {  	[smem:$0x3FB5] =	sst s8  }
0x11: {  	[smem:$0x3FB6] =	sst s9;
	s0 =	simm.s32 @!p0 $0x0  }
0x12: {  	s1 =	sld [smem:$0x3F9C];
	s0 =	simm.s32 @p0 $0x1  }
0x13: {  	[smem:$0x3FB7] =	sst s0;
	s0 =	simm.s32 @!p1 $0x0  }
0x14: {  	s2 =	sld [smem:$0x3F9B];
	s0 =	simm.s32 @p1 $0x1  }
0x15: {  	[smem:$0x3FB8] =	sst s0;
	s0 =	simm.s32 @!p2 $0x0  }
0x16: {  	s3 =	sld [smem:$0x3FDB];
	s0 =	simm.s32 @p2 $0x1  }
0x17: {  	s4 =	simm.s32 $0x1BF5;
	[smem:$0x3FBA] =	sst s0  }
0x18: {  	s0 =	sld [smem:$0x3F9D];
	_ =	swait.ge [sflag:s4], $0x0  }
0x19: {  	s7 =	sld [smem:$0x3F9E]  }
0x1a: {  	s8 =	sadd.s32 $0xFFFFE003, lr  }
0x1b: {  	s9 =	sadd.s32 $0xFFFFFEF7, lr;
	s5 =	simm.s32 $0xFFFFFFFF;
	p2 =	slt.u32 s8, $0xFFFFF086  }
0x1c: {  	p1 =	slt.u32 s9, $0xF7A;
	s5 =	simm.s32 @!p2 $0x0  }
0x1d: {  	s5 =	simm.s32 @p1 $0x1;
	p0 =	seq.s32 s7, s2  }
0x1e: {  	s7 =	smul.u32 @!p0 $0xF7A, s2;
	p2 =	seq.s32 @!p0 s5, $0x0  }
0x1f: {  	s9 =	smul.u32 $0xF7A, s1;
	s8 =	simm.s32 @!p0 $0x1BF5;
	p2 =	por !p2, p0  }
0x20: {  	[sflag:s8] =	ssyncset.s32 @!p0 $0xFFFFF086;
	s6 =	sadd.s32 @!p0 s3, s7;
	s7 =	simm.s32 @!p0 $0x108  }
0x21: {  	s3 =	sadd.s32 s3, s9;
	s6 =	sadd.s32 @!p0 $0x88, s6;
	s7 =	simm.s32 @p2 $0x1082  }
0x22: {  	[simem:s7], [sflag:s8] =	dma.local @!p0 [hbm:s6], $0xF7A  }
0x23: {  	s9 =	sor.u32 $0xD0000000, s2;
	s6 =	simm.s32 $0x108;
	_ =	swait.ge @!p0 [sflag:s8], $0x0  }
0x24: {  	s3 =	sadd.s32 $0x88, s3;
	s6 =	simm.s32 @!p1 $0x1082;
	[sflag:s4] =	ssyncset.s32 $0xFFFFF086  }
0x25: {  	[simem:s6], [sflag:s4] =	dma.local [hbm:s3], $0xF7A  }
0x26: {  	[smem:$0x3F9E] =	sst s1;
	(tag) =	ssettag s2;
	_ =	strace s9  }
0x27: {  	s1 =	sld [smem:$0x3FAE]  }
0x28: {  	s2 =	sld [smem:$0x3FAF]  }
0x29: {  	s4 =	sld [smem:$0x3FB1]  }
0x2a: {  	p0 =	seq.s32 s5, $0x0;
	s5 =	sld [smem:$0x3FB2]  }
0x2b: {  	s6 =	sld [smem:$0x3FB3]  }
0x2c: {  	s7 =	sld [smem:$0x3FB4]  }
0x2d: {  	s3 =	simm.s32 $0x108;
	s8 =	sld [smem:$0x3FB5]  }
0x2e: {  	s3 =	simm.s32 @!p0 $0x1082;
	s9 =	sld [smem:$0x3FB6]  }
0x2f: {  	lr =	sadd.s32 s0, s3;
	s0 =	sld [smem:$0x3FAD]  }
0x30: {  	s3 =	sld [smem:$0x3FB0]  }
0x31: {  	[smem:$0x3FB9] =	sst s10  }
0x32: {  	s10 =	sld [smem:$0x3FB7];
	_ =	sdelay $0x3  }
0x33: {  	p0 =	seq.s32 s10, $0x1;
	s10 =	sld [smem:$0x3FB9];
	_ =	sdelay $0x3  }
0x34: {  	[smem:$0x3FB9] =	sst s10  }
0x35: {  	s10 =	sld [smem:$0x3FB8];
	_ =	sdelay $0x3  }
0x36: {  	p1 =	seq.s32 s10, $0x1;
	s10 =	sld [smem:$0x3FB9];
	_ =	sdelay $0x3  }
0x37: {  	[smem:$0x3FB9] =	sst s10  }
0x38: {  	s10 =	sld [smem:$0x3FBA]  }
0x39: {  	_ = 	snop;
	(pc) =	sbr.ind lr, $3  }
0x3a: {  	_ = 	snop  }
0x3b: {  	_ = 	snop  }
0x3c: {  	p2 =	seq.s32 s10, $0x1;
	s10 =	sld [smem:$0x3FB9]  }
0x3d: {  	_ =	shalt  }
0x3e: {  	_ =	shalt  }
0x3f: {  	_ =	shalt  }
0x40: {  	_ =	shalt  }
0x41: {  	_ =	shalt  }
0x42: {  	_ =	shalt  }
0x43: {  	_ =	shalt  }
0x44: {  	_ =	shalt  }
0x45: {  	_ =	shalt  }
0x46: {  	_ =	shalt  }
0x47: {  	_ =	shalt  }
0x48: {  	_ =	shalt  }
0x49: {  	_ =	shalt  }
0x4a: {  	_ =	shalt  }
0x4b: {  	_ =	shalt  }
0x4c: {  	_ =	shalt  }
0x4d: {  	_ =	shalt  }
0x4e: {  	_ =	shalt  }
0x4f: {  	_ =	shalt  }
0x50: {  	_ =	shalt  }
0x51: {  	_ =	shalt  }
0x52: {  	_ =	shalt  }
0x53: {  	_ =	shalt  }
0x54: {  	_ =	shalt  }
0x55: {  	_ =	shalt  }
0x56: {  	_ =	shalt  }
0x57: {  	_ =	shalt  }
0x58: {  	_ =	shalt  }
0x59: {  	_ =	shalt  }
0x5a: {  	_ =	shalt  }
0x5b: {  	_ =	shalt  }
0x5c: {  	_ =	shalt  }
0x5d: {  	_ =	shalt  }
0x5e: {  	_ =	shalt  }
0x5f: {  	_ =	shalt  }
0x60: {  	_ =	shalt  }
0x61: {  	_ =	shalt  }
0x62: {  	_ =	shalt  }
0x63: {  	_ =	shalt  }
0x64: {  	_ =	shalt  }
0x65: {  	_ =	shalt  }
0x66: {  	_ =	shalt  }
0x67: {  	_ =	shalt  }
0x68: {  	_ =	shalt  }
0x69: {  	_ =	shalt  }
0x6a: {  	_ =	shalt  }
0x6b: {  	_ =	shalt  }
0x6c: {  	_ =	shalt  }
0x6d: {  	_ =	shalt  }
0x6e: {  	_ =	shalt  }
0x6f: {  	_ =	shalt  }
0x70: {  	_ =	shalt  }
0x71: {  	_ =	shalt  }
0x72: {  	_ =	shalt  }
0x73: {  	_ =	shalt  }
0x74: {  	_ =	shalt  }
0x75: {  	_ =	shalt  }
0x76: {  	_ =	shalt  }
0x77: {  	_ =	shalt  }
0x78: {  	_ =	shalt  }
0x79: {  	_ =	shalt  }
0x7a: {  	_ =	shalt  }
0x7b: {  	_ =	shalt  }
0x7c: {  	_ =	shalt  }
0x7d: {  	_ =	shalt  }
0x7e: {  	_ =	shalt  }
0x7f: {  	_ =	shalt  }
0x80: {  	_ =	shalt  }
0x81: {  	_ =	shalt  }
0x82: {  	_ =	shalt  }
0x83: {  	_ =	shalt  }
0x84: {  	_ =	shalt  }
0x85: {  	_ =	shalt  }
0x86: {  	_ =	shalt  }
0x87: {  	_ =	shalt  }
.Lfunc_end0:
.L_simem_size_0:
called_computation_lowered:
.L_overlay_start_0:
0x88: {  	s2 =	sld [smem:$0x3FD9]  }
0x89: {  	s3 =	sld [smem:$0x3FFE];
	_ =	sdelay $0x1  }
0x8a: {  	s1 =	srdreg.scid  }
0x8b: {  	s0 =	sand.u32 $0x1, s1  }
0x8c: {  	s17 =	sshll.u32 s0, $0xA;
	s2 =	sadd.s32 s3, s2  }
0x8d: {  	s2 =	sadd.s32 s2, s17  }
0x8e: {  	[smem:$0x3FC5] =	sst s2  }
0x8f: {  	_ = 	snop  }
0x90: {  	s2 =	sld [smem:$0x3FC8]  }
0x91: {  	s18 =	sld [smem:$0x3FC7]  }
0x92: {  	s4 =	sld [smem:$0x3FD0];
	(tm) =	ssettm $0x1  }
0x93: {  	s5 =	sld [smem:$0x3FFB];
	_ =	sdelay $0x3  }
0x94: {  	_ =	strace s5  }
0x95: {  	s5 =	sld [smem:$0x3FFC];
	_ =	sdelay $0x3  }
0x96: {  	_ =	strace s5  }
0x97: {  	s5 =	sld [smem:$0x3FFD];
	_ =	sdelay $0x3  }
0x98: {  	_ =	strace s5  }
0x99: {  	_ =	strace $0x8FFFFFFF  }
0x9a: {  	s19 =	sld [smem:$0x3FDB];
	_ =	sdelay $0x1  }
0x9b: {  	s6 =	simm.s32 $_scs_section_size  }
0x9c: {  	s7 =	simm.s32 $_size__tile_overlayer_lowered;
	s8 =	simm.s32 $_tile_overlayer_lowered  }
0x9d: {  	s22 =	simm.s32 $0x1BFF;
	s21 =	sshll.u32 s8, $0x1;
	s5 =	sadd.s32 s6, s19  }
0x9e: {  	s9 =	simm.s32 $0x0;
	s20 =	sshll.u32 s7, $0x1;
	s7 =	sadd.s32 s21, s5  }
0x9f: {  	[timem:s9], [sflag:s22] =	dma.local [hbm:s7], s20  }
0xa0: {  	_ =	swait.ge [sflag:s22], s20  }
0xa1: {  	s6 =	ssub.s32 $0x0, s20;
	[sflag:s22] =	ssyncset.done $0x0  }
0xa2: {  	[sflag:s22] =	ssyncadd.s32 s6;
	_ =	sdelay $0x1  }
0xa3: {  	s23 =	simm.s32 $0x1B8B  }
0xa4: {  	_ =	swait.ge [sflag:s23], $0x1  }
0xa5: {  	[sflag:s23] =	ssyncset.done $0x0  }
0xa6: {  	s25 =	simm.s32 $0x1B8E;
	s24 =	sld [smem:$0x3FFE];
	[sflag:s23] =	ssyncadd.s32 $0xFFFFFFFF  }
0xa7: {  	s26 =	simm.s32 $execute0_lowered;
	[smem:$0x3FD2] =	sst s25  }
0xa8: {  	s7 =	sshll.u32 s26, $0x1;
	_ =	strace $0x80000046;
	[dreg:$0x1] =	wrdreg $0xFFFFFFFF  }
0xa9: {  	s28 =	simm.s32 $_size_execute0_lowered;
	s5 =	sadd.s32 s5, s7;
	[dreg:$0x0] =	wrdreg $0x0  }
0xaa: {  	s7 =	sshll.u32 s28, $0x1;
	[dreg:$0x2] =	wrdreg s5  }
0xab: {  	[dreg:$0x3] =	wrdreg s7  }
0xac: {  	[dreg:$0x4] =	wrdreg $0xC0  }
0xad: {  	_ =	task [dreg:s9], $0x5FFFF  }
0xae: {  	[dreg:$0x1] =	wrdreg $0xFFFFFFFF  }
0xaf: {  	[dreg:$0x0] =	wrdreg $0x60  }
0xb0: {  	[dreg:$0x2] =	wrdreg s4  }
0xb1: {  	[dreg:$0x3] =	wrdreg s2  }
0xb2: {  	[dreg:$0x4] =	wrdreg s18  }
0xb3: {  	[dreg:$0x5] =	wrdreg s24  }
0xb4: {  	[dreg:$0x6] =	wrdreg $0x9  }
0xb5: {  	_ =	task.clear_ibuf [dreg:s9], $0x7FFFF;
	_ =	strace $0x90000046  }
0xb6: {  	s29 =	simm.s32 $0x9;
	_ =	strace $0x80000048  }
0xb7: {  	_ =	swait.ge [sflag:s29], $0x1  }
0xb8: {  	[sflag:s29] =	ssyncadd.s32 $0xFFFFFFFF  }
0xb9: {  	_ =	strace $0x90000048  }
0xba: {  	_ =	sfence  }
0xbb: {  	s30 =	sld [smem:$0x0];
	_ =	sdelay $0x2  }
0xbc: {  	s31 =	sshll.u32 s1, $0xD;
	s1 =	sshrl.u32 s1, $0x2  }
0xbd: {  	s3 =	sand.u32 $0x4000, s31;
	s1 =	sadd.s32 s1, s30  }
0xbe: {  	s0 =	sor.u32 s3, s0;
	s1 =	sshll.u32 s1, $0x11  }
0xbf: {  	s0 =	sor.u32 s1, s0  }
0xc0: {  	s0 =	sadd.s32 $0x8F2B, s0  }
0xc1: {  	[sflag:s0] =	ssyncadd.remote.s32 $0x1  }
0xc2: {  	_ =	sfence.sel $0xFFFF  }
0xc3: {  	[dreg:$0x0] =	wrdreg $0xFFFFFFFF;
	(pc) =	sbr.abs _section_cstart, $3  }
0xc4: {  	[dreg:$0x1] =	wrdreg $0xFFFFFFFF  }
0xc5: {  	_ =	task.clear_ibuf [dreg:s9], $0x2FFFF;
	_ =	strace $0x9FFFFFFF  }
0xc6: {  	(tm) =	ssettm $0x7FFFFFFF  }
0xc7: {  	_ =	shalt  }
tec
execute0_lowered:
.L_overlay_start_1:
0x0: {  	(tag) =	ssettag $0x1  }
0x1: {  	s1 =	rddreg [dreg:$0x0]  }
0x2: {  	s4 =	rddreg [dreg:$0x1]  }
0x3: {  	s5 =	rddreg [dreg:$0x2]  }
0x4: {  	s6 =	rddreg [dreg:$0x3];
	s3 =	srdreg.scid  }
0x5: {  	s0 =	rddreg [dreg:$0x4];
	s2 =	stileid.u32;
	s11 =	simm.s32 $0x2  }
0x6: {  	s12 =	simm.s32 $0x1;
	s13 =	simm.s32 $0x480;
	s14 =	simm.s32 $0x8480  }
0x7: {  	s15 =	simm.s32 $0x0;
	s7 =	sand.u32 $0x1, s3;
	s3 =	simm.s32 $0x0  }
0x8: {  	s8 =	sshll.u32 s2, $0xA;
	s9 =	sshll.u32 s7, $0x9;
	[smem:$0x7FF] =	sst s3  }
0x9: {  	v0 =	vimm.s32 $0xF0A0500;
	s7 =	ssub.s32 $0x2, s7;
	s8 =	sor.u32 s9, s8;
	_ =	strace $0x80000047  }
0xa: {  	v1 =	vimm.s32 $0x100B0601;
	v2 =	vimm.s32 $0x130E0904;
	v3 =	vlaneseq.u32;
	s10 =	sshrl.u32 s7, $0x1;
	s9 =	sshll.u32 s8, $0x4;
	s31 =	sshrl.u32 s8, $0x3  }
0xb: {  	v0 =	vunpack.c.0.s8.s32 v0;
	v1 =	vunpack.c.0.s8.s32 v1;
	v2 =	vunpack.c.0.s8.s32 v2;
	s10 =	ssub.s32 s7, s10;
	s9 =	sadd.s32 s9, s6;
	s4 =	sadd.s32 s4, s31  }
0xc: {  	vm0 =	vcmask $0xF00;
	v3 =	vmul.u32 $0x80, v3;
	s5 =	sadd.s32 s5, s31;
	s8 =	smax.u32 s10, $0x1;
	s10 =	simm.s32 $0x400  }
0xd: {  	v0 =	vnsel vm0, $0x14, v0;
	v1 =	vnsel vm0, $0x15, v1;
	v2 =	vnsel vm0, $0x18, v2;
	s6 =	sadd.s32 $0x400, s9;
	s7 =	sadd.s32 $0x1400, s9;
	s9 =	simm.s32 $0x200  }
.LBB2_1:
0xe: {  	[tilespmem:s3], [sflag:$0x1] =	stream.linear.gather [hbm4b:s4+s3], $0x200, $0x38;
	[tilespmem:$0x10480] =	vst v63  }
0xf: {  	_ = 	snop  }
0x10: {  	[tilespmem:s9], [sflag:$0x1] =	stream.linear.gather [hbm4b:s5+s3], $0x200, $0x38;
	[tilespmem:$0x10480] =	vst v63  }
0x11: {  	_ = 	snop  }
0x12: {  	[tilespmem:s10], [sflag:$0x2] =	stream.linear.gather [hbm4b:s1+s3], $0x80, $0x38;
	[tilespmem:$0x10480] =	vst v63  }
0x13: {  	_ =	swait.ge [sflag:s11], $0x80  }
0x14: {  	[sflag:s11] =	ssyncset.done $0x0  }
0x15: {  	[sflag:s11] =	ssyncadd.s32 $0xFFFFFF80  }
0x16: {  	v4 =	vld.idx.msk [tilespmem:v0+s10+$0x0], $0xffff  }
0x17: {  	v5 =	vld.idx.msk [tilespmem:v1+s10+$0x0], $0xffff  }
0x18: {  	v6 =	vld.idx.msk [tilespmem:v2+s10+$0x0], $0xffff;
	_ =	sdelay $0x4  }
0x19: {  	v7 =	vmax.f32 v4, v5;
	v8 =	vmax.f32 v6, $0.0e+00  }
0x1a: {  	v7 =	vmax.f32 v7, v8  }
0x1b: {  	v8 =	vsub.f32 $0.0e+00, v7  }
0x1c: {  	v9 =	vsub.f32 v4, v7  }
0x1d: {  	v10 =	vsub.f32 v5, v7;
	v8 =	vmul.f32 $1.442695020e+00, v8  }
0x1e: {  	v11 =	vsub.f32 v6, v7;
	v9 =	vmul.f32 $1.442695020e+00, v9  }
0x1f: {  	(erf) = vpow2.f32 v8;
	v8 =	vmul.f32 $1.442695020e+00, v10  }
0x20: {  	(erf) = vpow2.f32 v9;
	v9 =	vmul.f32 $1.442695020e+00, v11  }
0x21: {  	(erf) = vpow2.f32 v8  }
0x22: {  	(erf) = vpow2.f32 v9;
	_ =	sdelay $0x5  }
0x23: {  	v8 =	vpop (erf)  }
0x24: {  	v9 =	vpop (erf)  }
0x25: {  	v10 =	vpop (erf)  }
0x26: {  	v11 =	vpop (erf)  }
0x27: {  	_ =	swait.ge [sflag:s12], $0x200  }
0x28: {  	v9 =	vadd.f32 v10, v9;
	[sflag:s12] =	ssyncset.done $0x0  }
0x29: {  	[sflag:s12] =	ssyncadd.s32 $0xFFFFFE00  }
0x2a: {  	v9 =	vadd.f32 v9, v8;
	_ =	swait.ge [sflag:s12], $0x200  }
0x2b: {  	[sflag:s12] =	ssyncset.done $0x0  }
0x2c: {  	p0 =	por $0x1, $0x1;
	s16 =	simm.s32 $0x0;
	v9 =	vadd.f32 v9, v11;
	[sflag:s12] =	ssyncadd.s32 $0xFFFFFE00  }
.LBB2_2:
0x2d: {  	v10 =	vld [tilespmem:s16+$0x200];
	_ =	sdelay $0x1  }
0x2e: {  	v11 =	vld [tilespmem:s16+$0x0];
	_ =	sdelay $0x2  }
0x2f: {  	v12 =	vsub.f32 $2.000000000e+00, v10;
	_ =	sdelay $0x1  }
0x30: {  	v13 =	vperm.xlane v8, v11;
	v10 =	vmul.f32 v12, v10;
	_ =	sdelay $0x1  }
0x31: {  	v48 =	vperm.xlane v9, v11;
	v13 =	vmul.f32 v13, v10;
	_ =	sdelay $0x1  }
0x32: {  	v12 =	vadd.f32 v13, v48  }
0x33: {  	v49 =	vadd.s32 $0xC0CAFB0D, v10  }
0x34: {  	v14 =	vand.u32 $0xFF800000, v49;
	v15 =	vadd.s32 $0xC0CAFB0D, v12  }
0x35: {  	v10 =	vsub.s32 v10, v14;
	v50 =	vand.u32 $0xFF800000, v15  }
0x36: {  	v16 =	vadd.f32 $1.000000000e+00, v10;
	v12 =	vsub.s32 v12, v50  }
0x37: {  	v14 =	vadd.f32 $1.000000000e+00, v12  }
0x38: {  	(erf) = vrcp.f32 v16  }
0x39: {  	(erf) = vrcp.f32 v14;
	_ =	sdelay $0x7  }
0x3a: {  	v12 =	vadd.f32 $-1.000000000e+00, v12;
	v51 =	vpop (erf)  }
0x3b: {  	v52 =	vpop (erf)  }
0x3c: {  	v12 =	vmul.f32 v52, v12;
	_ =	sdelay $0x1  }
0x3d: {  	v16 =	vmul.f32 v12, v12  }
0x3e: {  	v10 =	vadd.f32 $-1.000000000e+00, v10  }
0x3f: {  	v17 =	vmul.f32 $4.000000060e-01, v16  }
0x40: {  	v10 =	vmul.f32 v51, v10  }
0x41: {  	v53 =	vadd.f32 $6.666666860e-01, v17  }
0x42: {  	v54 =	vmul.f32 v10, v10  }
0x43: {  	v14 =	vmul.f32 v53, v16  }
0x44: {  	v15 =	vshra.s32 v15, $0x17;
	v55 =	vmul.f32 $4.000000060e-01, v54  }
0x45: {  	v15 =	vcvt.s32.f32 v15;
	v14 =	vadd.f32 $2.000000000e+00, v14  }
0x46: {  	v16 =	vadd.f32 $6.666666860e-01, v55  }
0x47: {  	v57 =	vmov s16;
	v15 =	vmul.f32 $6.931471820e-01, v15;
	v12 =	vmul.f32 v14, v12  }
0x48: {  	v58 =	vshll.u32 v57, $0x7;
	v18 =	vperm.xlane v4, v11;
	v16 =	vmul.f32 v16, v54  }
0x49: {  	v56 =	vperm.xlane v7, v11;
	v13 =	vshra.s32 v49, $0x17;
	v12 =	vadd.f32 v12, v15  }
0x4a: {  	v13 =	vcvt.s32.f32 v13;
	v16 =	vadd.f32 $2.000000000e+00, v16;
	v15 =	vor.u32 v3, v58  }
0x4b: {  	v59 =	vperm.xlane v5, v11;
	v60 =	vor.u32 $0x1, v15;
	v12 =	vadd.f32 v12, v56  }
0x4c: {  	v13 =	vmul.f32 $6.931471820e-01, v13;
	v10 =	vmul.f32 v16, v10;
	v61 =	vor.u32 $0x2, v15  }
0x4d: {  	v19 =	vor.u32 $0x3, v15;
	v18 =	vsub.f32 v18, v12  }
0x4e: {  	v63 =	vor.u32 $0x4, v15;
	v10 =	vadd.f32 v10, v13;
	v62 =	vsub.f32 v59, v12  }
0x4f: {  	v11 =	vperm.xlane v6, v11;
	[tilespmem:v15+s13+$0x0] =	vst.idx.msk $0xffff, v18;
	v18 =	vsub.f32 $0.0e+00, v12  }
0x50: {  	v10 =	vsub.f32 v10, v12;
	[tilespmem:v60+s13+$0x0] =	vst.idx.msk $0xffff, v62  }
0x51: {  	v11 =	vsub.f32 v11, v12;
	[tilespmem:v61+s13+$0x0] =	vst.idx.msk $0xffff, v18  }
0x52: {  	[tilespmem:v19+s13+$0x0] =	vst.idx.msk $0xffff, v10  }
0x53: {  	[tilespmem:v63+s13+$0x0] =	vst.idx.msk $0xffff, v11  }
0x54: {  	v10 =	vld [tilespmem:s16+$0x210]  }
0x55: {  	s17 =	sor.u32 $0x10, s16  }
0x56: {  	v11 =	vld [tilespmem:s17+$0x0];
	_ =	sdelay $0x2  }
0x57: {  	v19 =	vsub.f32 $2.000000000e+00, v10;
	_ =	sdelay $0x1  }
0x58: {  	v20 =	vperm.xlane v8, v11;
	v10 =	vmul.f32 v19, v10;
	_ =	sdelay $0x1  }
0x59: {  	v21 =	vperm.xlane v9, v11;
	v13 =	vmul.f32 v20, v10;
	_ =	sdelay $0x1  }
0x5a: {  	v12 =	vadd.f32 v13, v21  }
0x5b: {  	v22 =	vadd.s32 $0xC0CAFB0D, v10  }
0x5c: {  	v23 =	vand.u32 $0xFF800000, v22;
	v24 =	vadd.s32 $0xC0CAFB0D, v12  }
0x5d: {  	v10 =	vsub.s32 v10, v23;
	v25 =	vand.u32 $0xFF800000, v24  }
0x5e: {  	v26 =	vadd.f32 $1.000000000e+00, v10;
	v12 =	vsub.s32 v12, v25  }
0x5f: {  	v14 =	vadd.f32 $1.000000000e+00, v12  }
0x60: {  	(erf) = vrcp.f32 v26  }
0x61: {  	(erf) = vrcp.f32 v14;
	_ =	sdelay $0x7  }
0x62: {  	v12 =	vadd.f32 $-1.000000000e+00, v12;
	v27 =	vpop (erf)  }
0x63: {  	v28 =	vpop (erf)  }
0x64: {  	v12 =	vmul.f32 v28, v12;
	_ =	sdelay $0x1  }
0x65: {  	v16 =	vmul.f32 v12, v12  }
0x66: {  	v10 =	vadd.f32 $-1.000000000e+00, v10  }
0x67: {  	v29 =	vmul.f32 $4.000000060e-01, v16  }
0x68: {  	v10 =	vmul.f32 v27, v10  }
0x69: {  	v30 =	vadd.f32 $6.666666860e-01, v29  }
0x6a: {  	v31 =	vmul.f32 v10, v10  }
0x6b: {  	v14 =	vmul.f32 v30, v16  }
0x6c: {  	v15 =	vshra.s32 v24, $0x17;
	v32 =	vmul.f32 $4.000000060e-01, v31  }
0x6d: {  	v15 =	vcvt.s32.f32 v15;
	v14 =	vadd.f32 $2.000000000e+00, v14  }
0x6e: {  	v16 =	vadd.f32 $6.666666860e-01, v32  }
0x6f: {  	v35 =	vmov s17;
	v15 =	vmul.f32 $6.931471820e-01, v15;
	v12 =	vmul.f32 v14, v12  }
0x70: {  	v36 =	vshll.u32 v35, $0x7;
	v33 =	vperm.xlane v4, v11;
	v16 =	vmul.f32 v16, v31  }
0x71: {  	v34 =	vperm.xlane v7, v11;
	v13 =	vshra.s32 v22, $0x17;
	v12 =	vadd.f32 v12, v15  }
0x72: {  	v13 =	vcvt.s32.f32 v13;
	v16 =	vadd.f32 $2.000000000e+00, v16;
	v15 =	vor.u32 v3, v36  }
0x73: {  	v37 =	vperm.xlane v5, v11;
	v38 =	vor.u32 $0x1, v15;
	v12 =	vadd.f32 v12, v34  }
0x74: {  	v13 =	vmul.f32 $6.931471820e-01, v13;
	v10 =	vmul.f32 v16, v10;
	v39 =	vor.u32 $0x2, v15  }
0x75: {  	v40 =	vor.u32 $0x3, v15;
	v18 =	vsub.f32 v33, v12  }
0x76: {  	v42 =	vor.u32 $0x4, v15;
	v10 =	vadd.f32 v10, v13;
	v41 =	vsub.f32 v37, v12  }
0x77: {  	v11 =	vperm.xlane v6, v11;
	v43 =	vsub.f32 $0.0e+00, v12;
	[tilespmem:v15+s13+$0x0] =	vst.idx.msk $0xffff, v18  }
0x78: {  	v10 =	vsub.f32 v10, v12;
	[tilespmem:v38+s13+$0x0] =	vst.idx.msk $0xffff, v41  }
0x79: {  	v11 =	vsub.f32 v11, v12;
	[tilespmem:v39+s13+$0x0] =	vst.idx.msk $0xffff, v43  }
0x7a: {  	[tilespmem:v40+s13+$0x0] =	vst.idx.msk $0xffff, v10  }
0x7b: {  	[tilespmem:v42+s13+$0x0] =	vst.idx.msk $0xffff, v11  }
0x7c: {  	v10 =	vld [tilespmem:s16+$0x220]  }
0x7d: {  	s25 =	sor.u32 $0x20, s16  }
0x7e: {  	v11 =	vld [tilespmem:s25+$0x0];
	_ =	sdelay $0x2  }
0x7f: {  	v44 =	vsub.f32 $2.000000000e+00, v10;
	_ =	sdelay $0x1  }
0x80: {  	v45 =	vperm.xlane v8, v11;
	v10 =	vmul.f32 v44, v10;
	_ =	sdelay $0x1  }
0x81: {  	v46 =	vperm.xlane v9, v11;
	v13 =	vmul.f32 v45, v10;
	_ =	sdelay $0x1  }
0x82: {  	v12 =	vadd.f32 v13, v46  }
0x83: {  	v47 =	vadd.s32 $0xC0CAFB0D, v10  }
0x84: {  	v48 =	vand.u32 $0xFF800000, v47;
	v49 =	vadd.s32 $0xC0CAFB0D, v12  }
0x85: {  	v10 =	vsub.s32 v10, v48;
	v50 =	vand.u32 $0xFF800000, v49  }
0x86: {  	v51 =	vadd.f32 $1.000000000e+00, v10;
	v12 =	vsub.s32 v12, v50  }
0x87: {  	v14 =	vadd.f32 $1.000000000e+00, v12  }
0x88: {  	(erf) = vrcp.f32 v51  }
0x89: {  	(erf) = vrcp.f32 v14;
	_ =	sdelay $0x7  }
0x8a: {  	v12 =	vadd.f32 $-1.000000000e+00, v12;
	v52 =	vpop (erf)  }
0x8b: {  	v53 =	vpop (erf)  }
0x8c: {  	v12 =	vmul.f32 v53, v12;
	_ =	sdelay $0x1  }
0x8d: {  	v16 =	vmul.f32 v12, v12  }
0x8e: {  	v10 =	vadd.f32 $-1.000000000e+00, v10  }
0x8f: {  	v54 =	vmul.f32 $4.000000060e-01, v16  }
0x90: {  	v10 =	vmul.f32 v52, v10  }
0x91: {  	v55 =	vadd.f32 $6.666666860e-01, v54  }
0x92: {  	v56 =	vmul.f32 v10, v10  }
0x93: {  	v14 =	vmul.f32 v55, v16  }
0x94: {  	v15 =	vshra.s32 v49, $0x17;
	v57 =	vmul.f32 $4.000000060e-01, v56  }
0x95: {  	v15 =	vcvt.s32.f32 v15;
	v14 =	vadd.f32 $2.000000000e+00, v14  }
0x96: {  	v16 =	vadd.f32 $6.666666860e-01, v57  }
0x97: {  	v60 =	vmov s25;
	v15 =	vmul.f32 $6.931471820e-01, v15;
	v12 =	vmul.f32 v14, v12  }
0x98: {  	v61 =	vshll.u32 v60, $0x7;
	v58 =	vperm.xlane v4, v11;
	v16 =	vmul.f32 v16, v56  }
0x99: {  	v59 =	vperm.xlane v7, v11;
	v13 =	vshra.s32 v47, $0x17;
	v12 =	vadd.f32 v12, v15  }
0x9a: {  	v13 =	vcvt.s32.f32 v13;
	v16 =	vadd.f32 $2.000000000e+00, v16;
	v15 =	vor.u32 v3, v61  }
0x9b: {  	v62 =	vperm.xlane v5, v11;
	v63 =	vor.u32 $0x1, v15;
	v12 =	vadd.f32 v12, v59  }
0x9c: {  	v13 =	vmul.f32 $6.931471820e-01, v13;
	v10 =	vmul.f32 v16, v10;
	v21 =	vor.u32 $0x2, v15  }
0x9d: {  	v22 =	vor.u32 $0x3, v15;
	v18 =	vsub.f32 v58, v12  }
0x9e: {  	v24 =	vor.u32 $0x4, v15;
	v10 =	vadd.f32 v10, v13;
	v23 =	vsub.f32 v62, v12  }
0x9f: {  	v11 =	vperm.xlane v6, v11;
	v25 =	vsub.f32 $0.0e+00, v12;
	[tilespmem:v15+s13+$0x0] =	vst.idx.msk $0xffff, v18  }
0xa0: {  	v10 =	vsub.f32 v10, v12;
	[tilespmem:v63+s13+$0x0] =	vst.idx.msk $0xffff, v23  }
0xa1: {  	v11 =	vsub.f32 v11, v12;
	[tilespmem:v21+s13+$0x0] =	vst.idx.msk $0xffff, v25  }
0xa2: {  	[tilespmem:v22+s13+$0x0] =	vst.idx.msk $0xffff, v10  }
0xa3: {  	[tilespmem:v24+s13+$0x0] =	vst.idx.msk $0xffff, v11  }
0xa4: {  	v10 =	vld [tilespmem:s16+$0x230]  }
0xa5: {  	s26 =	sor.u32 $0x30, s16  }
0xa6: {  	v11 =	vld [tilespmem:s26+$0x0];
	_ =	sdelay $0x2  }
0xa7: {  	v26 =	vsub.f32 $2.000000000e+00, v10;
	_ =	sdelay $0x1  }
0xa8: {  	v27 =	vperm.xlane v8, v11;
	v10 =	vmul.f32 v26, v10;
	_ =	sdelay $0x1  }
0xa9: {  	v28 =	vperm.xlane v9, v11;
	v13 =	vmul.f32 v27, v10;
	_ =	sdelay $0x1  }
0xaa: {  	v12 =	vadd.f32 v13, v28  }
0xab: {  	v29 =	vadd.s32 $0xC0CAFB0D, v10  }
0xac: {  	v30 =	vand.u32 $0xFF800000, v29;
	v31 =	vadd.s32 $0xC0CAFB0D, v12  }
0xad: {  	v10 =	vsub.s32 v10, v30;
	v32 =	vand.u32 $0xFF800000, v31  }
0xae: {  	v33 =	vadd.f32 $1.000000000e+00, v10;
	v12 =	vsub.s32 v12, v32  }
0xaf: {  	v14 =	vadd.f32 $1.000000000e+00, v12  }
0xb0: {  	(erf) = vrcp.f32 v33  }
0xb1: {  	(erf) = vrcp.f32 v14;
	_ =	sdelay $0x7  }
0xb2: {  	v12 =	vadd.f32 $-1.000000000e+00, v12;
	v34 =	vpop (erf)  }
0xb3: {  	v35 =	vpop (erf)  }
0xb4: {  	v12 =	vmul.f32 v35, v12;
	_ =	sdelay $0x1  }
0xb5: {  	v16 =	vmul.f32 v12, v12  }
0xb6: {  	v10 =	vadd.f32 $-1.000000000e+00, v10  }
0xb7: {  	v36 =	vmul.f32 $4.000000060e-01, v16  }
0xb8: {  	v10 =	vmul.f32 v34, v10  }
0xb9: {  	v37 =	vadd.f32 $6.666666860e-01, v36  }
0xba: {  	v38 =	vmul.f32 v10, v10  }
0xbb: {  	v14 =	vmul.f32 v37, v16  }
0xbc: {  	v15 =	vshra.s32 v31, $0x17;
	v39 =	vmul.f32 $4.000000060e-01, v38  }
0xbd: {  	v15 =	vcvt.s32.f32 v15;
	v14 =	vadd.f32 $2.000000000e+00, v14  }
0xbe: {  	v16 =	vadd.f32 $6.666666860e-01, v39  }
0xbf: {  	v42 =	vmov s26;
	v15 =	vmul.f32 $6.931471820e-01, v15;
	v12 =	vmul.f32 v14, v12  }
0xc0: {  	v43 =	vshll.u32 v42, $0x7;
	v40 =	vperm.xlane v4, v11;
	v16 =	vmul.f32 v16, v38  }
0xc1: {  	v41 =	vperm.xlane v7, v11;
	v13 =	vshra.s32 v29, $0x17;
	v12 =	vadd.f32 v12, v15  }
0xc2: {  	v13 =	vcvt.s32.f32 v13;
	v16 =	vadd.f32 $2.000000000e+00, v16;
	v15 =	vor.u32 v3, v43  }
0xc3: {  	v44 =	vperm.xlane v5, v11;
	v45 =	vor.u32 $0x1, v15;
	v12 =	vadd.f32 v12, v41  }
0xc4: {  	v13 =	vmul.f32 $6.931471820e-01, v13;
	v10 =	vmul.f32 v16, v10;
	v46 =	vor.u32 $0x2, v15  }
0xc5: {  	v47 =	vor.u32 $0x3, v15;
	v18 =	vsub.f32 v40, v12  }
0xc6: {  	v49 =	vor.u32 $0x4, v15;
	v10 =	vadd.f32 v10, v13;
	v48 =	vsub.f32 v44, v12  }
0xc7: {  	v11 =	vperm.xlane v6, v11;
	v50 =	vsub.f32 $0.0e+00, v12;
	[tilespmem:v15+s13+$0x0] =	vst.idx.msk $0xffff, v18  }
0xc8: {  	v10 =	vsub.f32 v10, v12;
	[tilespmem:v45+s13+$0x0] =	vst.idx.msk $0xffff, v48  }
0xc9: {  	v11 =	vsub.f32 v11, v12;
	[tilespmem:v46+s13+$0x0] =	vst.idx.msk $0xffff, v50  }
0xca: {  	[tilespmem:v47+s13+$0x0] =	vst.idx.msk $0xffff, v10  }
0xcb: {  	[tilespmem:v49+s13+$0x0] =	vst.idx.msk $0xffff, v11  }
0xcc: {  	v10 =	vld [tilespmem:s16+$0x240]  }
0xcd: {  	s28 =	sor.u32 $0x40, s16  }
0xce: {  	v11 =	vld [tilespmem:s28+$0x0];
	_ =	sdelay $0x2  }
0xcf: {  	v51 =	vsub.f32 $2.000000000e+00, v10;
	_ =	sdelay $0x1  }
0xd0: {  	v52 =	vperm.xlane v8, v11;
	v10 =	vmul.f32 v51, v10;
	_ =	sdelay $0x1  }
0xd1: {  	v53 =	vperm.xlane v9, v11;
	v13 =	vmul.f32 v52, v10;
	_ =	sdelay $0x1  }
0xd2: {  	v12 =	vadd.f32 v13, v53  }
0xd3: {  	v54 =	vadd.s32 $0xC0CAFB0D, v10  }
0xd4: {  	v55 =	vand.u32 $0xFF800000, v54;
	v56 =	vadd.s32 $0xC0CAFB0D, v12  }
0xd5: {  	v10 =	vsub.s32 v10, v55;
	v57 =	vand.u32 $0xFF800000, v56  }
0xd6: {  	v58 =	vadd.f32 $1.000000000e+00, v10;
	v12 =	vsub.s32 v12, v57  }
0xd7: {  	v14 =	vadd.f32 $1.000000000e+00, v12  }
0xd8: {  	(erf) = vrcp.f32 v58  }
0xd9: {  	(erf) = vrcp.f32 v14;
	_ =	sdelay $0x7  }
0xda: {  	v12 =	vadd.f32 $-1.000000000e+00, v12;
	v59 =	vpop (erf)  }
0xdb: {  	v60 =	vpop (erf)  }
0xdc: {  	v12 =	vmul.f32 v60, v12;
	_ =	sdelay $0x1  }
0xdd: {  	v16 =	vmul.f32 v12, v12  }
0xde: {  	v10 =	vadd.f32 $-1.000000000e+00, v10  }
0xdf: {  	v61 =	vmul.f32 $4.000000060e-01, v16  }
0xe0: {  	v10 =	vmul.f32 v59, v10  }
0xe1: {  	v62 =	vadd.f32 $6.666666860e-01, v61  }
0xe2: {  	v63 =	vmul.f32 v10, v10  }
0xe3: {  	v14 =	vmul.f32 v62, v16  }
0xe4: {  	v15 =	vshra.s32 v56, $0x17;
	v21 =	vmul.f32 $4.000000060e-01, v63  }
0xe5: {  	v15 =	vcvt.s32.f32 v15;
	v14 =	vadd.f32 $2.000000000e+00, v14  }
0xe6: {  	v16 =	vadd.f32 $6.666666860e-01, v21  }
0xe7: {  	v24 =	vmov s28;
	v15 =	vmul.f32 $6.931471820e-01, v15;
	v12 =	vmul.f32 v14, v12  }
0xe8: {  	v25 =	vshll.u32 v24, $0x7;
	v22 =	vperm.xlane v4, v11;
	v16 =	vmul.f32 v16, v63  }
0xe9: {  	v23 =	vperm.xlane v7, v11;
	v13 =	vshra.s32 v54, $0x17;
	v12 =	vadd.f32 v12, v15  }
0xea: {  	v13 =	vcvt.s32.f32 v13;
	v16 =	vadd.f32 $2.000000000e+00, v16;
	v15 =	vor.u32 v3, v25  }
0xeb: {  	v26 =	vperm.xlane v5, v11;
	v27 =	vor.u32 $0x1, v15;
	v12 =	vadd.f32 v12, v23  }
0xec: {  	v13 =	vmul.f32 $6.931471820e-01, v13;
	v10 =	vmul.f32 v16, v10;
	v28 =	vor.u32 $0x2, v15  }
0xed: {  	v29 =	vor.u32 $0x3, v15;
	v18 =	vsub.f32 v22, v12  }
0xee: {  	v31 =	vor.u32 $0x4, v15;
	v10 =	vadd.f32 v10, v13;
	v30 =	vsub.f32 v26, v12  }
0xef: {  	v11 =	vperm.xlane v6, v11;
	v32 =	vsub.f32 $0.0e+00, v12;
	[tilespmem:v15+s13+$0x0] =	vst.idx.msk $0xffff, v18  }
0xf0: {  	v10 =	vsub.f32 v10, v12;
	[tilespmem:v27+s13+$0x0] =	vst.idx.msk $0xffff, v30  }
0xf1: {  	v11 =	vsub.f32 v11, v12;
	[tilespmem:v28+s13+$0x0] =	vst.idx.msk $0xffff, v32  }
0xf2: {  	[tilespmem:v29+s13+$0x0] =	vst.idx.msk $0xffff, v10  }
0xf3: {  	[tilespmem:v31+s13+$0x0] =	vst.idx.msk $0xffff, v11  }
0xf4: {  	v10 =	vld [tilespmem:s16+$0x250]  }
0xf5: {  	s29 =	sor.u32 $0x50, s16  }
0xf6: {  	v11 =	vld [tilespmem:s29+$0x0];
	_ =	sdelay $0x2  }
0xf7: {  	v33 =	vsub.f32 $2.000000000e+00, v10;
	_ =	sdelay $0x1  }
0xf8: {  	v34 =	vperm.xlane v8, v11;
	v10 =	vmul.f32 v33, v10;
	_ =	sdelay $0x1  }
0xf9: {  	v35 =	vperm.xlane v9, v11;
	v13 =	vmul.f32 v34, v10;
	_ =	sdelay $0x1  }
0xfa: {  	v12 =	vadd.f32 v13, v35  }
0xfb: {  	v36 =	vadd.s32 $0xC0CAFB0D, v10  }
0xfc: {  	v37 =	vand.u32 $0xFF800000, v36;
	v38 =	vadd.s32 $0xC0CAFB0D, v12  }
0xfd: {  	v10 =	vsub.s32 v10, v37;
	v39 =	vand.u32 $0xFF800000, v38  }
0xfe: {  	v40 =	vadd.f32 $1.000000000e+00, v10;
	v12 =	vsub.s32 v12, v39  }
0xff: {  	v14 =	vadd.f32 $1.000000000e+00, v12  }
0x100: {  	(erf) = vrcp.f32 v40  }
0x101: {  	(erf) = vrcp.f32 v14;
	_ =	sdelay $0x7  }
0x102: {  	v12 =	vadd.f32 $-1.000000000e+00, v12;
	v41 =	vpop (erf)  }
0x103: {  	v42 =	vpop (erf)  }
0x104: {  	v12 =	vmul.f32 v42, v12;
	_ =	sdelay $0x1  }
0x105: {  	v16 =	vmul.f32 v12, v12  }
0x106: {  	v10 =	vadd.f32 $-1.000000000e+00, v10  }
0x107: {  	v43 =	vmul.f32 $4.000000060e-01, v16  }
0x108: {  	v10 =	vmul.f32 v41, v10  }
0x109: {  	v44 =	vadd.f32 $6.666666860e-01, v43  }
0x10a: {  	v45 =	vmul.f32 v10, v10  }
0x10b: {  	v14 =	vmul.f32 v44, v16  }
0x10c: {  	v15 =	vshra.s32 v38, $0x17;
	v46 =	vmul.f32 $4.000000060e-01, v45  }
0x10d: {  	v15 =	vcvt.s32.f32 v15;
	v14 =	vadd.f32 $2.000000000e+00, v14  }
0x10e: {  	v16 =	vadd.f32 $6.666666860e-01, v46  }
0x10f: {  	v49 =	vmov s29;
	v15 =	vmul.f32 $6.931471820e-01, v15;
	v12 =	vmul.f32 v14, v12  }
0x110: {  	v50 =	vshll.u32 v49, $0x7;
	v47 =	vperm.xlane v4, v11;
	v16 =	vmul.f32 v16, v45  }
0x111: {  	v48 =	vperm.xlane v7, v11;
	v13 =	vshra.s32 v36, $0x17;
	v12 =	vadd.f32 v12, v15  }
0x112: {  	v13 =	vcvt.s32.f32 v13;
	v16 =	vadd.f32 $2.000000000e+00, v16;
	v15 =	vor.u32 v3, v50  }
0x113: {  	v51 =	vperm.xlane v5, v11;
	v52 =	vor.u32 $0x1, v15;
	v12 =	vadd.f32 v12, v48  }
0x114: {  	v13 =	vmul.f32 $6.931471820e-01, v13;
	v10 =	vmul.f32 v16, v10;
	v53 =	vor.u32 $0x2, v15  }
0x115: {  	v54 =	vor.u32 $0x3, v15;
	v18 =	vsub.f32 v47, v12  }
0x116: {  	v56 =	vor.u32 $0x4, v15;
	v10 =	vadd.f32 v10, v13;
	v55 =	vsub.f32 v51, v12  }
0x117: {  	v11 =	vperm.xlane v6, v11;
	v57 =	vsub.f32 $0.0e+00, v12;
	[tilespmem:v15+s13+$0x0] =	vst.idx.msk $0xffff, v18  }
0x118: {  	v10 =	vsub.f32 v10, v12;
	[tilespmem:v52+s13+$0x0] =	vst.idx.msk $0xffff, v55  }
0x119: {  	v11 =	vsub.f32 v11, v12;
	[tilespmem:v53+s13+$0x0] =	vst.idx.msk $0xffff, v57  }
0x11a: {  	[tilespmem:v54+s13+$0x0] =	vst.idx.msk $0xffff, v10  }
0x11b: {  	[tilespmem:v56+s13+$0x0] =	vst.idx.msk $0xffff, v11  }
0x11c: {  	v10 =	vld [tilespmem:s16+$0x260]  }
0x11d: {  	s30 =	sor.u32 $0x60, s16  }
0x11e: {  	v11 =	vld [tilespmem:s30+$0x0];
	_ =	sdelay $0x2  }
0x11f: {  	v58 =	vsub.f32 $2.000000000e+00, v10;
	_ =	sdelay $0x1  }
0x120: {  	v59 =	vperm.xlane v8, v11;
	v10 =	vmul.f32 v58, v10;
	_ =	sdelay $0x1  }
0x121: {  	v60 =	vperm.xlane v9, v11;
	v13 =	vmul.f32 v59, v10;
	_ =	sdelay $0x1  }
0x122: {  	v12 =	vadd.f32 v13, v60  }
0x123: {  	v61 =	vadd.s32 $0xC0CAFB0D, v10  }
0x124: {  	v62 =	vand.u32 $0xFF800000, v61;
	v63 =	vadd.s32 $0xC0CAFB0D, v12  }
0x125: {  	v10 =	vsub.s32 v10, v62;
	v20 =	vand.u32 $0xFF800000, v63  }
0x126: {  	v21 =	vadd.f32 $1.000000000e+00, v10;
	v12 =	vsub.s32 v12, v20  }
0x127: {  	v14 =	vadd.f32 $1.000000000e+00, v12  }
0x128: {  	(erf) = vrcp.f32 v21  }
0x129: {  	(erf) = vrcp.f32 v14;
	_ =	sdelay $0x7  }
0x12a: {  	v12 =	vadd.f32 $-1.000000000e+00, v12;
	v22 =	vpop (erf)  }
0x12b: {  	v23 =	vpop (erf)  }
0x12c: {  	v12 =	vmul.f32 v23, v12;
	_ =	sdelay $0x1  }
0x12d: {  	v16 =	vmul.f32 v12, v12  }
0x12e: {  	v10 =	vadd.f32 $-1.000000000e+00, v10  }
0x12f: {  	v24 =	vmul.f32 $4.000000060e-01, v16  }
0x130: {  	v10 =	vmul.f32 v22, v10  }
0x131: {  	v25 =	vadd.f32 $6.666666860e-01, v24  }
0x132: {  	v26 =	vmul.f32 v10, v10  }
0x133: {  	v14 =	vmul.f32 v25, v16  }
0x134: {  	v15 =	vshra.s32 v63, $0x17;
	v27 =	vmul.f32 $4.000000060e-01, v26  }
0x135: {  	v15 =	vcvt.s32.f32 v15;
	v14 =	vadd.f32 $2.000000000e+00, v14  }
0x136: {  	v16 =	vadd.f32 $6.666666860e-01, v27  }
0x137: {  	v30 =	vmov s30;
	v15 =	vmul.f32 $6.931471820e-01, v15;
	v12 =	vmul.f32 v14, v12  }
0x138: {  	v31 =	vshll.u32 v30, $0x7;
	v28 =	vperm.xlane v4, v11;
	v16 =	vmul.f32 v16, v26  }
0x139: {  	v29 =	vperm.xlane v7, v11;
	v13 =	vshra.s32 v61, $0x17;
	v12 =	vadd.f32 v12, v15  }
0x13a: {  	v13 =	vcvt.s32.f32 v13;
	v16 =	vadd.f32 $2.000000000e+00, v16;
	v15 =	vor.u32 v3, v31  }
0x13b: {  	v32 =	vperm.xlane v5, v11;
	v33 =	vor.u32 $0x1, v15;
	v12 =	vadd.f32 v12, v29  }
0x13c: {  	v13 =	vmul.f32 $6.931471820e-01, v13;
	v10 =	vmul.f32 v16, v10;
	v34 =	vor.u32 $0x2, v15  }
0x13d: {  	v35 =	vor.u32 $0x3, v15;
	v18 =	vsub.f32 v28, v12  }
0x13e: {  	v37 =	vor.u32 $0x4, v15;
	v10 =	vadd.f32 v10, v13;
	v36 =	vsub.f32 v32, v12  }
0x13f: {  	v11 =	vperm.xlane v6, v11;
	v38 =	vsub.f32 $0.0e+00, v12;
	[tilespmem:v15+s13+$0x0] =	vst.idx.msk $0xffff, v18  }
0x140: {  	v10 =	vsub.f32 v10, v12;
	[tilespmem:v33+s13+$0x0] =	vst.idx.msk $0xffff, v36  }
0x141: {  	v11 =	vsub.f32 v11, v12;
	[tilespmem:v34+s13+$0x0] =	vst.idx.msk $0xffff, v38  }
0x142: {  	[tilespmem:v35+s13+$0x0] =	vst.idx.msk $0xffff, v10  }
0x143: {  	[tilespmem:v37+s13+$0x0] =	vst.idx.msk $0xffff, v11  }
0x144: {  	v10 =	vld [tilespmem:s16+$0x270]  }
0x145: {  	s31 =	sor.u32 $0x70, s16  }
0x146: {  	v11 =	vld [tilespmem:s31+$0x0];
	_ =	sdelay $0x2  }
0x147: {  	v39 =	vsub.f32 $2.000000000e+00, v10;
	_ =	sdelay $0x1  }
0x148: {  	v40 =	vperm.xlane v8, v11;
	v10 =	vmul.f32 v39, v10;
	_ =	sdelay $0x1  }
0x149: {  	v41 =	vperm.xlane v9, v11;
	v13 =	vmul.f32 v40, v10;
	_ =	sdelay $0x1  }
0x14a: {  	v12 =	vadd.f32 v13, v41  }
0x14b: {  	v42 =	vadd.s32 $0xC0CAFB0D, v10  }
0x14c: {  	v43 =	vand.u32 $0xFF800000, v42;
	v44 =	vadd.s32 $0xC0CAFB0D, v12  }
0x14d: {  	v10 =	vsub.s32 v10, v43;
	v45 =	vand.u32 $0xFF800000, v44  }
0x14e: {  	v46 =	vadd.f32 $1.000000000e+00, v10;
	v12 =	vsub.s32 v12, v45  }
0x14f: {  	v14 =	vadd.f32 $1.000000000e+00, v12  }
0x150: {  	(erf) = vrcp.f32 v46  }
0x151: {  	(erf) = vrcp.f32 v14;
	_ =	sdelay $0x7  }
0x152: {  	v12 =	vadd.f32 $-1.000000000e+00, v12;
	v47 =	vpop (erf)  }
0x153: {  	v48 =	vpop (erf)  }
0x154: {  	v12 =	vmul.f32 v48, v12;
	_ =	sdelay $0x1  }
0x155: {  	v16 =	vmul.f32 v12, v12  }
0x156: {  	v10 =	vadd.f32 $-1.000000000e+00, v10  }
0x157: {  	v49 =	vmul.f32 $4.000000060e-01, v16  }
0x158: {  	v10 =	vmul.f32 v47, v10  }
0x159: {  	v50 =	vadd.f32 $6.666666860e-01, v49  }
0x15a: {  	v51 =	vmul.f32 v10, v10  }
0x15b: {  	v14 =	vmul.f32 v50, v16  }
0x15c: {  	v15 =	vshra.s32 v44, $0x17;
	v52 =	vmul.f32 $4.000000060e-01, v51  }
0x15d: {  	v15 =	vcvt.s32.f32 v15;
	v14 =	vadd.f32 $2.000000000e+00, v14  }
0x15e: {  	v16 =	vadd.f32 $6.666666860e-01, v52  }
0x15f: {  	v55 =	vmov s31;
	v15 =	vmul.f32 $6.931471820e-01, v15;
	v12 =	vmul.f32 v14, v12  }
0x160: {  	v56 =	vshll.u32 v55, $0x7;
	v53 =	vperm.xlane v4, v11;
	v16 =	vmul.f32 v16, v51  }
0x161: {  	v54 =	vperm.xlane v7, v11;
	v13 =	vshra.s32 v42, $0x17;
	v12 =	vadd.f32 v12, v15  }
0x162: {  	v13 =	vcvt.s32.f32 v13;
	v16 =	vadd.f32 $2.000000000e+00, v16;
	v15 =	vor.u32 v3, v56  }
0x163: {  	v57 =	vperm.xlane v5, v11;
	v58 =	vor.u32 $0x1, v15;
	v12 =	vadd.f32 v12, v54  }
0x164: {  	v13 =	vmul.f32 $6.931471820e-01, v13;
	v10 =	vmul.f32 v16, v10;
	v59 =	vor.u32 $0x2, v15  }
0x165: {  	v60 =	vor.u32 $0x3, v15;
	v18 =	vsub.f32 v53, v12  }
0x166: {  	p1 =	por p0, p0;
	v62 =	vor.u32 $0x4, v15;
	v10 =	vadd.f32 v10, v13;
	v61 =	vsub.f32 v57, v12  }
.Ltmp0:
0x167: {  	v11 =	vperm.xlane v6, v11;
	v63 =	vsub.f32 $0.0e+00, v12;
	[tilespmem:v15+s13+$0x0] =	vst.idx.msk $0xffff, v18;
	(pc) =	sbr.rel @p1 .LBB2_2-.Ltmp0, $4  }
0x168: {  	v10 =	vsub.f32 v10, v12;
	[tilespmem:v58+s13+$0x0] =	vst.idx.msk $0xffff, v61  }
0x169: {  	v11 =	vsub.f32 v11, v12;
	[tilespmem:v59+s13+$0x0] =	vst.idx.msk $0xffff, v63  }
0x16a: {  	[tilespmem:v60+s13+$0x0] =	vst.idx.msk $0xffff, v10  }
0x16b: {  	p0 =	por $0x0, $0x0;
	s16 =	simm.s32 $0x80;
	[tilespmem:v62+s13+$0x0] =	vst.idx.msk $0xffff, v11  }
0x16c: {  	[hbm4b:s6+s3] =	stream.linear.scatter [tilespmem:s13], [sflag:$0x2], $0x8000, $0x38;
	[tilespmem:$0x10480] =	vst v63  }
0x16d: {  	s16 =	simm.s32 $0x8  }
0x16e: {  	s17 =	simm.s32 $0x170;
	s18 =	simm.s32 $0x370;
	s19 =	simm.s32 $0x170  }
.LBB2_4:
0x16f: {  	v10 =	vld [tilespmem:s18+$0xFFFFFF90];
	_ =	sdelay $0x1  }
0x170: {  	v11 =	vld [tilespmem:s17+$0xFFFFFF90];
	_ =	sdelay $0x2  }
0x171: {  	v12 =	vsub.f32 $2.000000000e+00, v10;
	_ =	sdelay $0x1  }
0x172: {  	v13 =	vperm.xlane v8, v11;
	v10 =	vmul.f32 v12, v10;
	_ =	sdelay $0x1  }
0x173: {  	v48 =	vperm.xlane v9, v11;
	v13 =	vmul.f32 v13, v10;
	_ =	sdelay $0x1  }
0x174: {  	v12 =	vadd.f32 v13, v48  }
0x175: {  	v49 =	vadd.s32 $0xC0CAFB0D, v10  }
0x176: {  	v14 =	vand.u32 $0xFF800000, v49;
	v15 =	vadd.s32 $0xC0CAFB0D, v12  }
0x177: {  	v10 =	vsub.s32 v10, v14;
	v50 =	vand.u32 $0xFF800000, v15  }
0x178: {  	v16 =	vadd.f32 $1.000000000e+00, v10;
	v12 =	vsub.s32 v12, v50  }
0x179: {  	v14 =	vadd.f32 $1.000000000e+00, v12  }
0x17a: {  	(erf) = vrcp.f32 v16  }
0x17b: {  	(erf) = vrcp.f32 v14;
	_ =	sdelay $0x7  }
0x17c: {  	v12 =	vadd.f32 $-1.000000000e+00, v12;
	v51 =	vpop (erf)  }
0x17d: {  	v52 =	vpop (erf)  }
0x17e: {  	v12 =	vmul.f32 v52, v12;
	_ =	sdelay $0x1  }
0x17f: {  	v16 =	vmul.f32 v12, v12  }
0x180: {  	v10 =	vadd.f32 $-1.000000000e+00, v10  }
0x181: {  	v17 =	vmul.f32 $4.000000060e-01, v16  }
0x182: {  	v10 =	vmul.f32 v51, v10  }
0x183: {  	v53 =	vadd.f32 $6.666666860e-01, v17  }
0x184: {  	v54 =	vmul.f32 v10, v10  }
0x185: {  	v14 =	vmul.f32 v53, v16  }
0x186: {  	v15 =	vshra.s32 v15, $0x17;
	v55 =	vmul.f32 $4.000000060e-01, v54  }
0x187: {  	v15 =	vcvt.s32.f32 v15;
	v14 =	vadd.f32 $2.000000000e+00, v14  }
0x188: {  	s20 =	sadd.s32 $0xFFFFFF90, s19;
	v16 =	vadd.f32 $6.666666860e-01, v55  }
0x189: {  	v57 =	vmov s20;
	v15 =	vmul.f32 $6.931471820e-01, v15;
	v12 =	vmul.f32 v14, v12  }
0x18a: {  	v58 =	vshll.u32 v57, $0x7;
	v18 =	vperm.xlane v4, v11;
	v16 =	vmul.f32 v16, v54  }
0x18b: {  	v56 =	vperm.xlane v7, v11;
	v13 =	vshra.s32 v49, $0x17;
	v12 =	vadd.f32 v12, v15  }
0x18c: {  	v13 =	vcvt.s32.f32 v13;
	v16 =	vadd.f32 $2.000000000e+00, v16;
	v15 =	vor.u32 v3, v58  }
0x18d: {  	v59 =	vperm.xlane v5, v11;
	v60 =	vor.u32 $0x1, v15;
	v12 =	vadd.f32 v12, v56  }
0x18e: {  	v13 =	vmul.f32 $6.931471820e-01, v13;
	v10 =	vmul.f32 v16, v10;
	v61 =	vor.u32 $0x2, v15  }
0x18f: {  	v19 =	vor.u32 $0x3, v15;
	v18 =	vsub.f32 v18, v12  }
0x190: {  	v63 =	vor.u32 $0x4, v15;
	v10 =	vadd.f32 v10, v13;
	v62 =	vsub.f32 v59, v12  }
0x191: {  	v11 =	vperm.xlane v6, v11;
	[tilespmem:v15+s13+$0x0] =	vst.idx.msk $0xffff, v18;
	v18 =	vsub.f32 $0.0e+00, v12  }
0x192: {  	v10 =	vsub.f32 v10, v12;
	[tilespmem:v60+s13+$0x0] =	vst.idx.msk $0xffff, v62  }
0x193: {  	v11 =	vsub.f32 v11, v12;
	[tilespmem:v61+s13+$0x0] =	vst.idx.msk $0xffff, v18  }
0x194: {  	[tilespmem:v19+s13+$0x0] =	vst.idx.msk $0xffff, v10  }
0x195: {  	[tilespmem:v63+s13+$0x0] =	vst.idx.msk $0xffff, v11  }
0x196: {  	v10 =	vld [tilespmem:s18+$0xFFFFFFA0];
	_ =	sdelay $0x1  }
0x197: {  	v11 =	vld [tilespmem:s17+$0xFFFFFFA0];
	_ =	sdelay $0x2  }
0x198: {  	v19 =	vsub.f32 $2.000000000e+00, v10;
	_ =	sdelay $0x1  }
0x199: {  	v20 =	vperm.xlane v8, v11;
	v10 =	vmul.f32 v19, v10;
	_ =	sdelay $0x1  }
0x19a: {  	v21 =	vperm.xlane v9, v11;
	v13 =	vmul.f32 v20, v10;
	_ =	sdelay $0x1  }
0x19b: {  	v12 =	vadd.f32 v13, v21  }
0x19c: {  	v22 =	vadd.s32 $0xC0CAFB0D, v10  }
0x19d: {  	v23 =	vand.u32 $0xFF800000, v22;
	v24 =	vadd.s32 $0xC0CAFB0D, v12  }
0x19e: {  	v10 =	vsub.s32 v10, v23;
	v25 =	vand.u32 $0xFF800000, v24  }
0x19f: {  	v26 =	vadd.f32 $1.000000000e+00, v10;
	v12 =	vsub.s32 v12, v25  }
0x1a0: {  	v14 =	vadd.f32 $1.000000000e+00, v12  }
0x1a1: {  	(erf) = vrcp.f32 v26  }
0x1a2: {  	(erf) = vrcp.f32 v14;
	_ =	sdelay $0x7  }
0x1a3: {  	v12 =	vadd.f32 $-1.000000000e+00, v12;
	v27 =	vpop (erf)  }
0x1a4: {  	v28 =	vpop (erf)  }
0x1a5: {  	v12 =	vmul.f32 v28, v12;
	_ =	sdelay $0x1  }
0x1a6: {  	v16 =	vmul.f32 v12, v12  }
0x1a7: {  	v10 =	vadd.f32 $-1.000000000e+00, v10  }
0x1a8: {  	v29 =	vmul.f32 $4.000000060e-01, v16  }
0x1a9: {  	v10 =	vmul.f32 v27, v10  }
0x1aa: {  	v30 =	vadd.f32 $6.666666860e-01, v29  }
0x1ab: {  	v31 =	vmul.f32 v10, v10  }
0x1ac: {  	v14 =	vmul.f32 v30, v16  }
0x1ad: {  	v15 =	vshra.s32 v24, $0x17;
	v32 =	vmul.f32 $4.000000060e-01, v31  }
0x1ae: {  	v15 =	vcvt.s32.f32 v15;
	v14 =	vadd.f32 $2.000000000e+00, v14  }
0x1af: {  	s25 =	sadd.s32 $0xFFFFFFA0, s19;
	v16 =	vadd.f32 $6.666666860e-01, v32  }
0x1b0: {  	v35 =	vmov s25;
	v15 =	vmul.f32 $6.931471820e-01, v15;
	v12 =	vmul.f32 v14, v12  }
0x1b1: {  	v36 =	vshll.u32 v35, $0x7;
	v33 =	vperm.xlane v4, v11;
	v16 =	vmul.f32 v16, v31  }
0x1b2: {  	v34 =	vperm.xlane v7, v11;
	v13 =	vshra.s32 v22, $0x17;
	v12 =	vadd.f32 v12, v15  }
0x1b3: {  	v13 =	vcvt.s32.f32 v13;
	v16 =	vadd.f32 $2.000000000e+00, v16;
	v15 =	vor.u32 v3, v36  }
0x1b4: {  	v37 =	vperm.xlane v5, v11;
	v38 =	vor.u32 $0x1, v15;
	v12 =	vadd.f32 v12, v34  }
0x1b5: {  	v13 =	vmul.f32 $6.931471820e-01, v13;
	v10 =	vmul.f32 v16, v10;
	v39 =	vor.u32 $0x2, v15  }
0x1b6: {  	v40 =	vor.u32 $0x3, v15;
	v18 =	vsub.f32 v33, v12  }
0x1b7: {  	v42 =	vor.u32 $0x4, v15;
	v10 =	vadd.f32 v10, v13;
	v41 =	vsub.f32 v37, v12  }
0x1b8: {  	v11 =	vperm.xlane v6, v11;
	v43 =	vsub.f32 $0.0e+00, v12;
	[tilespmem:v15+s13+$0x0] =	vst.idx.msk $0xffff, v18  }
0x1b9: {  	v10 =	vsub.f32 v10, v12;
	[tilespmem:v38+s13+$0x0] =	vst.idx.msk $0xffff, v41  }
0x1ba: {  	v11 =	vsub.f32 v11, v12;
	[tilespmem:v39+s13+$0x0] =	vst.idx.msk $0xffff, v43  }
0x1bb: {  	[tilespmem:v40+s13+$0x0] =	vst.idx.msk $0xffff, v10  }
0x1bc: {  	[tilespmem:v42+s13+$0x0] =	vst.idx.msk $0xffff, v11  }
0x1bd: {  	v10 =	vld [tilespmem:s18+$0xFFFFFFB0];
	_ =	sdelay $0x1  }
0x1be: {  	v11 =	vld [tilespmem:s17+$0xFFFFFFB0];
	_ =	sdelay $0x2  }
0x1bf: {  	v44 =	vsub.f32 $2.000000000e+00, v10;
	_ =	sdelay $0x1  }
0x1c0: {  	v45 =	vperm.xlane v8, v11;
	v10 =	vmul.f32 v44, v10;
	_ =	sdelay $0x1  }
0x1c1: {  	v46 =	vperm.xlane v9, v11;
	v13 =	vmul.f32 v45, v10;
	_ =	sdelay $0x1  }
0x1c2: {  	v12 =	vadd.f32 v13, v46  }
0x1c3: {  	v47 =	vadd.s32 $0xC0CAFB0D, v10  }
0x1c4: {  	v48 =	vand.u32 $0xFF800000, v47;
	v49 =	vadd.s32 $0xC0CAFB0D, v12  }
0x1c5: {  	v10 =	vsub.s32 v10, v48;
	v50 =	vand.u32 $0xFF800000, v49  }
0x1c6: {  	v51 =	vadd.f32 $1.000000000e+00, v10;
	v12 =	vsub.s32 v12, v50  }
0x1c7: {  	v14 =	vadd.f32 $1.000000000e+00, v12  }
0x1c8: {  	(erf) = vrcp.f32 v51  }
0x1c9: {  	(erf) = vrcp.f32 v14;
	_ =	sdelay $0x7  }
0x1ca: {  	v12 =	vadd.f32 $-1.000000000e+00, v12;
	v52 =	vpop (erf)  }
0x1cb: {  	v53 =	vpop (erf)  }
0x1cc: {  	v12 =	vmul.f32 v53, v12;
	_ =	sdelay $0x1  }
0x1cd: {  	v16 =	vmul.f32 v12, v12  }
0x1ce: {  	v10 =	vadd.f32 $-1.000000000e+00, v10  }
0x1cf: {  	v54 =	vmul.f32 $4.000000060e-01, v16  }
0x1d0: {  	v10 =	vmul.f32 v52, v10  }
0x1d1: {  	v55 =	vadd.f32 $6.666666860e-01, v54  }
0x1d2: {  	v56 =	vmul.f32 v10, v10  }
0x1d3: {  	v14 =	vmul.f32 v55, v16  }
0x1d4: {  	v15 =	vshra.s32 v49, $0x17;
	v57 =	vmul.f32 $4.000000060e-01, v56  }
0x1d5: {  	v15 =	vcvt.s32.f32 v15;
	v14 =	vadd.f32 $2.000000000e+00, v14  }
0x1d6: {  	s26 =	sadd.s32 $0xFFFFFFB0, s19;
	v16 =	vadd.f32 $6.666666860e-01, v57  }
0x1d7: {  	v60 =	vmov s26;
	v15 =	vmul.f32 $6.931471820e-01, v15;
	v12 =	vmul.f32 v14, v12  }
0x1d8: {  	v61 =	vshll.u32 v60, $0x7;
	v58 =	vperm.xlane v4, v11;
	v16 =	vmul.f32 v16, v56  }
0x1d9: {  	v59 =	vperm.xlane v7, v11;
	v13 =	vshra.s32 v47, $0x17;
	v12 =	vadd.f32 v12, v15  }
0x1da: {  	v13 =	vcvt.s32.f32 v13;
	v16 =	vadd.f32 $2.000000000e+00, v16;
	v15 =	vor.u32 v3, v61  }
0x1db: {  	v62 =	vperm.xlane v5, v11;
	v63 =	vor.u32 $0x1, v15;
	v12 =	vadd.f32 v12, v59  }
0x1dc: {  	v13 =	vmul.f32 $6.931471820e-01, v13;
	v10 =	vmul.f32 v16, v10;
	v21 =	vor.u32 $0x2, v15  }
0x1dd: {  	v22 =	vor.u32 $0x3, v15;
	v18 =	vsub.f32 v58, v12  }
0x1de: {  	v24 =	vor.u32 $0x4, v15;
	v10 =	vadd.f32 v10, v13;
	v23 =	vsub.f32 v62, v12  }
0x1df: {  	v11 =	vperm.xlane v6, v11;
	v25 =	vsub.f32 $0.0e+00, v12;
	[tilespmem:v15+s13+$0x0] =	vst.idx.msk $0xffff, v18  }
0x1e0: {  	v10 =	vsub.f32 v10, v12;
	[tilespmem:v63+s13+$0x0] =	vst.idx.msk $0xffff, v23  }
0x1e1: {  	v11 =	vsub.f32 v11, v12;
	[tilespmem:v21+s13+$0x0] =	vst.idx.msk $0xffff, v25  }
0x1e2: {  	[tilespmem:v22+s13+$0x0] =	vst.idx.msk $0xffff, v10  }
0x1e3: {  	[tilespmem:v24+s13+$0x0] =	vst.idx.msk $0xffff, v11  }
0x1e4: {  	v10 =	vld [tilespmem:s18+$0xFFFFFFC0];
	_ =	sdelay $0x1  }
0x1e5: {  	v11 =	vld [tilespmem:s17+$0xFFFFFFC0];
	_ =	sdelay $0x2  }
0x1e6: {  	v26 =	vsub.f32 $2.000000000e+00, v10;
	_ =	sdelay $0x1  }
0x1e7: {  	v27 =	vperm.xlane v8, v11;
	v10 =	vmul.f32 v26, v10;
	_ =	sdelay $0x1  }
0x1e8: {  	v28 =	vperm.xlane v9, v11;
	v13 =	vmul.f32 v27, v10;
	_ =	sdelay $0x1  }
0x1e9: {  	v12 =	vadd.f32 v13, v28  }
0x1ea: {  	v29 =	vadd.s32 $0xC0CAFB0D, v10  }
0x1eb: {  	v30 =	vand.u32 $0xFF800000, v29;
	v31 =	vadd.s32 $0xC0CAFB0D, v12  }
0x1ec: {  	v10 =	vsub.s32 v10, v30;
	v32 =	vand.u32 $0xFF800000, v31  }
0x1ed: {  	v33 =	vadd.f32 $1.000000000e+00, v10;
	v12 =	vsub.s32 v12, v32  }
0x1ee: {  	v14 =	vadd.f32 $1.000000000e+00, v12  }
0x1ef: {  	(erf) = vrcp.f32 v33  }
0x1f0: {  	(erf) = vrcp.f32 v14;
	_ =	sdelay $0x7  }
0x1f1: {  	v12 =	vadd.f32 $-1.000000000e+00, v12;
	v34 =	vpop (erf)  }
0x1f2: {  	v35 =	vpop (erf)  }
0x1f3: {  	v12 =	vmul.f32 v35, v12;
	_ =	sdelay $0x1  }
0x1f4: {  	v16 =	vmul.f32 v12, v12  }
0x1f5: {  	v10 =	vadd.f32 $-1.000000000e+00, v10  }
0x1f6: {  	v36 =	vmul.f32 $4.000000060e-01, v16  }
0x1f7: {  	v10 =	vmul.f32 v34, v10  }
0x1f8: {  	v37 =	vadd.f32 $6.666666860e-01, v36  }
0x1f9: {  	v38 =	vmul.f32 v10, v10  }
0x1fa: {  	v14 =	vmul.f32 v37, v16  }
0x1fb: {  	v15 =	vshra.s32 v31, $0x17;
	v39 =	vmul.f32 $4.000000060e-01, v38  }
0x1fc: {  	v15 =	vcvt.s32.f32 v15;
	v14 =	vadd.f32 $2.000000000e+00, v14  }
0x1fd: {  	s28 =	sadd.s32 $0xFFFFFFC0, s19;
	v16 =	vadd.f32 $6.666666860e-01, v39  }
0x1fe: {  	v42 =	vmov s28;
	v15 =	vmul.f32 $6.931471820e-01, v15;
	v12 =	vmul.f32 v14, v12  }
0x1ff: {  	v43 =	vshll.u32 v42, $0x7;
	v40 =	vperm.xlane v4, v11;
	v16 =	vmul.f32 v16, v38  }
0x200: {  	v41 =	vperm.xlane v7, v11;
	v13 =	vshra.s32 v29, $0x17;
	v12 =	vadd.f32 v12, v15  }
0x201: {  	v13 =	vcvt.s32.f32 v13;
	v16 =	vadd.f32 $2.000000000e+00, v16;
	v15 =	vor.u32 v3, v43  }
0x202: {  	v44 =	vperm.xlane v5, v11;
	v45 =	vor.u32 $0x1, v15;
	v12 =	vadd.f32 v12, v41  }
0x203: {  	v13 =	vmul.f32 $6.931471820e-01, v13;
	v10 =	vmul.f32 v16, v10;
	v46 =	vor.u32 $0x2, v15  }
0x204: {  	v47 =	vor.u32 $0x3, v15;
	v18 =	vsub.f32 v40, v12  }
0x205: {  	v49 =	vor.u32 $0x4, v15;
	v10 =	vadd.f32 v10, v13;
	v48 =	vsub.f32 v44, v12  }
0x206: {  	v11 =	vperm.xlane v6, v11;
	v50 =	vsub.f32 $0.0e+00, v12;
	[tilespmem:v15+s13+$0x0] =	vst.idx.msk $0xffff, v18  }
0x207: {  	v10 =	vsub.f32 v10, v12;
	[tilespmem:v45+s13+$0x0] =	vst.idx.msk $0xffff, v48  }
0x208: {  	v11 =	vsub.f32 v11, v12;
	[tilespmem:v46+s13+$0x0] =	vst.idx.msk $0xffff, v50  }
0x209: {  	[tilespmem:v47+s13+$0x0] =	vst.idx.msk $0xffff, v10  }
0x20a: {  	[tilespmem:v49+s13+$0x0] =	vst.idx.msk $0xffff, v11  }
0x20b: {  	v10 =	vld [tilespmem:s18+$0xFFFFFFD0];
	_ =	sdelay $0x1  }
0x20c: {  	v11 =	vld [tilespmem:s17+$0xFFFFFFD0];
	_ =	sdelay $0x2  }
0x20d: {  	v51 =	vsub.f32 $2.000000000e+00, v10;
	_ =	sdelay $0x1  }
0x20e: {  	v52 =	vperm.xlane v8, v11;
	v10 =	vmul.f32 v51, v10;
	_ =	sdelay $0x1  }
0x20f: {  	v53 =	vperm.xlane v9, v11;
	v13 =	vmul.f32 v52, v10;
	_ =	sdelay $0x1  }
0x210: {  	v12 =	vadd.f32 v13, v53  }
0x211: {  	v54 =	vadd.s32 $0xC0CAFB0D, v10  }
0x212: {  	v55 =	vand.u32 $0xFF800000, v54;
	v56 =	vadd.s32 $0xC0CAFB0D, v12  }
0x213: {  	v10 =	vsub.s32 v10, v55;
	v57 =	vand.u32 $0xFF800000, v56  }
0x214: {  	v58 =	vadd.f32 $1.000000000e+00, v10;
	v12 =	vsub.s32 v12, v57  }
0x215: {  	v14 =	vadd.f32 $1.000000000e+00, v12  }
0x216: {  	(erf) = vrcp.f32 v58  }
0x217: {  	(erf) = vrcp.f32 v14;
	_ =	sdelay $0x7  }
0x218: {  	v12 =	vadd.f32 $-1.000000000e+00, v12;
	v59 =	vpop (erf)  }
0x219: {  	v60 =	vpop (erf)  }
0x21a: {  	v12 =	vmul.f32 v60, v12;
	_ =	sdelay $0x1  }
0x21b: {  	v16 =	vmul.f32 v12, v12  }
0x21c: {  	v10 =	vadd.f32 $-1.000000000e+00, v10  }
0x21d: {  	v61 =	vmul.f32 $4.000000060e-01, v16  }
0x21e: {  	v10 =	vmul.f32 v59, v10  }
0x21f: {  	v62 =	vadd.f32 $6.666666860e-01, v61  }
0x220: {  	v63 =	vmul.f32 v10, v10  }
0x221: {  	v14 =	vmul.f32 v62, v16  }
0x222: {  	v15 =	vshra.s32 v56, $0x17;
	v21 =	vmul.f32 $4.000000060e-01, v63  }
0x223: {  	v15 =	vcvt.s32.f32 v15;
	v14 =	vadd.f32 $2.000000000e+00, v14  }
0x224: {  	s29 =	sadd.s32 $0xFFFFFFD0, s19;
	v16 =	vadd.f32 $6.666666860e-01, v21  }
0x225: {  	v24 =	vmov s29;
	v15 =	vmul.f32 $6.931471820e-01, v15;
	v12 =	vmul.f32 v14, v12  }
0x226: {  	v25 =	vshll.u32 v24, $0x7;
	v22 =	vperm.xlane v4, v11;
	v16 =	vmul.f32 v16, v63  }
0x227: {  	v23 =	vperm.xlane v7, v11;
	v13 =	vshra.s32 v54, $0x17;
	v12 =	vadd.f32 v12, v15  }
0x228: {  	v13 =	vcvt.s32.f32 v13;
	v16 =	vadd.f32 $2.000000000e+00, v16;
	v15 =	vor.u32 v3, v25  }
0x229: {  	v26 =	vperm.xlane v5, v11;
	v27 =	vor.u32 $0x1, v15;
	v12 =	vadd.f32 v12, v23  }
0x22a: {  	v13 =	vmul.f32 $6.931471820e-01, v13;
	v10 =	vmul.f32 v16, v10;
	v28 =	vor.u32 $0x2, v15  }
0x22b: {  	v29 =	vor.u32 $0x3, v15;
	v18 =	vsub.f32 v22, v12  }
0x22c: {  	v31 =	vor.u32 $0x4, v15;
	v10 =	vadd.f32 v10, v13;
	v30 =	vsub.f32 v26, v12  }
0x22d: {  	v11 =	vperm.xlane v6, v11;
	v32 =	vsub.f32 $0.0e+00, v12;
	[tilespmem:v15+s13+$0x0] =	vst.idx.msk $0xffff, v18  }
0x22e: {  	v10 =	vsub.f32 v10, v12;
	[tilespmem:v27+s13+$0x0] =	vst.idx.msk $0xffff, v30  }
0x22f: {  	v11 =	vsub.f32 v11, v12;
	[tilespmem:v28+s13+$0x0] =	vst.idx.msk $0xffff, v32  }
0x230: {  	[tilespmem:v29+s13+$0x0] =	vst.idx.msk $0xffff, v10  }
0x231: {  	[tilespmem:v31+s13+$0x0] =	vst.idx.msk $0xffff, v11  }
0x232: {  	v10 =	vld [tilespmem:s18+$0xFFFFFFE0];
	_ =	sdelay $0x1  }
0x233: {  	v11 =	vld [tilespmem:s17+$0xFFFFFFE0];
	_ =	sdelay $0x2  }
0x234: {  	v33 =	vsub.f32 $2.000000000e+00, v10;
	_ =	sdelay $0x1  }
0x235: {  	v34 =	vperm.xlane v8, v11;
	v10 =	vmul.f32 v33, v10;
	_ =	sdelay $0x1  }
0x236: {  	v35 =	vperm.xlane v9, v11;
	v13 =	vmul.f32 v34, v10;
	_ =	sdelay $0x1  }
0x237: {  	v12 =	vadd.f32 v13, v35  }
0x238: {  	v36 =	vadd.s32 $0xC0CAFB0D, v10  }
0x239: {  	v37 =	vand.u32 $0xFF800000, v36;
	v38 =	vadd.s32 $0xC0CAFB0D, v12  }
0x23a: {  	v10 =	vsub.s32 v10, v37;
	v39 =	vand.u32 $0xFF800000, v38  }
0x23b: {  	v40 =	vadd.f32 $1.000000000e+00, v10;
	v12 =	vsub.s32 v12, v39  }
0x23c: {  	v14 =	vadd.f32 $1.000000000e+00, v12  }
0x23d: {  	(erf) = vrcp.f32 v40  }
0x23e: {  	(erf) = vrcp.f32 v14;
	_ =	sdelay $0x7  }
0x23f: {  	v12 =	vadd.f32 $-1.000000000e+00, v12;
	v41 =	vpop (erf)  }
0x240: {  	v42 =	vpop (erf)  }
0x241: {  	v12 =	vmul.f32 v42, v12;
	_ =	sdelay $0x1  }
0x242: {  	v16 =	vmul.f32 v12, v12  }
0x243: {  	v10 =	vadd.f32 $-1.000000000e+00, v10  }
0x244: {  	v43 =	vmul.f32 $4.000000060e-01, v16  }
0x245: {  	v10 =	vmul.f32 v41, v10  }
0x246: {  	v44 =	vadd.f32 $6.666666860e-01, v43  }
0x247: {  	v45 =	vmul.f32 v10, v10  }
0x248: {  	v14 =	vmul.f32 v44, v16  }
0x249: {  	v15 =	vshra.s32 v38, $0x17;
	v46 =	vmul.f32 $4.000000060e-01, v45  }
0x24a: {  	v15 =	vcvt.s32.f32 v15;
	v14 =	vadd.f32 $2.000000000e+00, v14  }
0x24b: {  	s30 =	sadd.s32 $0xFFFFFFE0, s19;
	v16 =	vadd.f32 $6.666666860e-01, v46  }
0x24c: {  	v49 =	vmov s30;
	v15 =	vmul.f32 $6.931471820e-01, v15;
	v12 =	vmul.f32 v14, v12  }
0x24d: {  	v50 =	vshll.u32 v49, $0x7;
	v47 =	vperm.xlane v4, v11;
	v16 =	vmul.f32 v16, v45  }
0x24e: {  	v48 =	vperm.xlane v7, v11;
	v13 =	vshra.s32 v36, $0x17;
	v12 =	vadd.f32 v12, v15  }
0x24f: {  	v13 =	vcvt.s32.f32 v13;
	v16 =	vadd.f32 $2.000000000e+00, v16;
	v15 =	vor.u32 v3, v50  }
0x250: {  	v51 =	vperm.xlane v5, v11;
	v52 =	vor.u32 $0x1, v15;
	v12 =	vadd.f32 v12, v48  }
0x251: {  	v13 =	vmul.f32 $6.931471820e-01, v13;
	v10 =	vmul.f32 v16, v10;
	v53 =	vor.u32 $0x2, v15  }
0x252: {  	v54 =	vor.u32 $0x3, v15;
	v18 =	vsub.f32 v47, v12  }
0x253: {  	v56 =	vor.u32 $0x4, v15;
	v10 =	vadd.f32 v10, v13;
	v55 =	vsub.f32 v51, v12  }
0x254: {  	v11 =	vperm.xlane v6, v11;
	v57 =	vsub.f32 $0.0e+00, v12;
	[tilespmem:v15+s13+$0x0] =	vst.idx.msk $0xffff, v18  }
0x255: {  	v10 =	vsub.f32 v10, v12;
	[tilespmem:v52+s13+$0x0] =	vst.idx.msk $0xffff, v55  }
0x256: {  	v11 =	vsub.f32 v11, v12;
	[tilespmem:v53+s13+$0x0] =	vst.idx.msk $0xffff, v57  }
0x257: {  	[tilespmem:v54+s13+$0x0] =	vst.idx.msk $0xffff, v10  }
0x258: {  	[tilespmem:v56+s13+$0x0] =	vst.idx.msk $0xffff, v11  }
0x259: {  	v10 =	vld [tilespmem:s18+$0xFFFFFFF0];
	_ =	sdelay $0x1  }
0x25a: {  	v11 =	vld [tilespmem:s17+$0xFFFFFFF0];
	_ =	sdelay $0x2  }
0x25b: {  	v58 =	vsub.f32 $2.000000000e+00, v10;
	_ =	sdelay $0x1  }
0x25c: {  	v59 =	vperm.xlane v8, v11;
	v10 =	vmul.f32 v58, v10;
	_ =	sdelay $0x1  }
0x25d: {  	v60 =	vperm.xlane v9, v11;
	v13 =	vmul.f32 v59, v10;
	_ =	sdelay $0x1  }
0x25e: {  	v12 =	vadd.f32 v13, v60  }
0x25f: {  	v61 =	vadd.s32 $0xC0CAFB0D, v10  }
0x260: {  	v62 =	vand.u32 $0xFF800000, v61;
	v63 =	vadd.s32 $0xC0CAFB0D, v12  }
0x261: {  	v10 =	vsub.s32 v10, v62;
	v20 =	vand.u32 $0xFF800000, v63  }
0x262: {  	v21 =	vadd.f32 $1.000000000e+00, v10;
	v12 =	vsub.s32 v12, v20  }
0x263: {  	v14 =	vadd.f32 $1.000000000e+00, v12  }
0x264: {  	(erf) = vrcp.f32 v21  }
0x265: {  	(erf) = vrcp.f32 v14;
	_ =	sdelay $0x7  }
0x266: {  	v12 =	vadd.f32 $-1.000000000e+00, v12;
	v22 =	vpop (erf)  }
0x267: {  	v23 =	vpop (erf)  }
0x268: {  	v12 =	vmul.f32 v23, v12;
	_ =	sdelay $0x1  }
0x269: {  	v16 =	vmul.f32 v12, v12  }
0x26a: {  	v10 =	vadd.f32 $-1.000000000e+00, v10  }
0x26b: {  	v24 =	vmul.f32 $4.000000060e-01, v16  }
0x26c: {  	v10 =	vmul.f32 v22, v10  }
0x26d: {  	v25 =	vadd.f32 $6.666666860e-01, v24  }
0x26e: {  	v26 =	vmul.f32 v10, v10  }
0x26f: {  	v14 =	vmul.f32 v25, v16  }
0x270: {  	v15 =	vshra.s32 v63, $0x17;
	v27 =	vmul.f32 $4.000000060e-01, v26  }
0x271: {  	v15 =	vcvt.s32.f32 v15;
	v14 =	vadd.f32 $2.000000000e+00, v14  }
0x272: {  	s31 =	sadd.s32 $0xFFFFFFF0, s19;
	v16 =	vadd.f32 $6.666666860e-01, v27  }
0x273: {  	v30 =	vmov s31;
	v15 =	vmul.f32 $6.931471820e-01, v15;
	v12 =	vmul.f32 v14, v12  }
0x274: {  	v31 =	vshll.u32 v30, $0x7;
	v28 =	vperm.xlane v4, v11;
	v16 =	vmul.f32 v16, v26  }
0x275: {  	v29 =	vperm.xlane v7, v11;
	v13 =	vshra.s32 v61, $0x17;
	v12 =	vadd.f32 v12, v15  }
0x276: {  	v13 =	vcvt.s32.f32 v13;
	v16 =	vadd.f32 $2.000000000e+00, v16;
	v15 =	vor.u32 v3, v31  }
0x277: {  	v32 =	vperm.xlane v5, v11;
	v33 =	vor.u32 $0x1, v15;
	v12 =	vadd.f32 v12, v29  }
0x278: {  	v13 =	vmul.f32 $6.931471820e-01, v13;
	v10 =	vmul.f32 v16, v10;
	v34 =	vor.u32 $0x2, v15  }
0x279: {  	v35 =	vor.u32 $0x3, v15;
	v18 =	vsub.f32 v28, v12  }
0x27a: {  	v37 =	vor.u32 $0x4, v15;
	v10 =	vadd.f32 v10, v13;
	v36 =	vsub.f32 v32, v12  }
0x27b: {  	v11 =	vperm.xlane v6, v11;
	v38 =	vsub.f32 $0.0e+00, v12;
	[tilespmem:v15+s13+$0x0] =	vst.idx.msk $0xffff, v18  }
0x27c: {  	v10 =	vsub.f32 v10, v12;
	[tilespmem:v33+s13+$0x0] =	vst.idx.msk $0xffff, v36  }
0x27d: {  	v11 =	vsub.f32 v11, v12;
	[tilespmem:v34+s13+$0x0] =	vst.idx.msk $0xffff, v38  }
0x27e: {  	[tilespmem:v35+s13+$0x0] =	vst.idx.msk $0xffff, v10  }
0x27f: {  	[tilespmem:v37+s13+$0x0] =	vst.idx.msk $0xffff, v11  }
0x280: {  	v10 =	vld [tilespmem:s18+$0x0];
	_ =	sdelay $0x1  }
0x281: {  	v11 =	vld [tilespmem:s17+$0x0];
	_ =	sdelay $0x2  }
0x282: {  	v39 =	vsub.f32 $2.000000000e+00, v10;
	_ =	sdelay $0x1  }
0x283: {  	v40 =	vperm.xlane v8, v11;
	v10 =	vmul.f32 v39, v10;
	_ =	sdelay $0x1  }
0x284: {  	v41 =	vperm.xlane v9, v11;
	v13 =	vmul.f32 v40, v10;
	_ =	sdelay $0x1  }
0x285: {  	v12 =	vadd.f32 v13, v41  }
0x286: {  	v42 =	vadd.s32 $0xC0CAFB0D, v10  }
0x287: {  	v43 =	vand.u32 $0xFF800000, v42;
	v44 =	vadd.s32 $0xC0CAFB0D, v12  }
0x288: {  	v10 =	vsub.s32 v10, v43;
	v45 =	vand.u32 $0xFF800000, v44  }
0x289: {  	v46 =	vadd.f32 $1.000000000e+00, v10;
	v12 =	vsub.s32 v12, v45  }
0x28a: {  	v14 =	vadd.f32 $1.000000000e+00, v12  }
0x28b: {  	(erf) = vrcp.f32 v46  }
0x28c: {  	(erf) = vrcp.f32 v14;
	_ =	sdelay $0x7  }
0x28d: {  	v12 =	vadd.f32 $-1.000000000e+00, v12;
	v47 =	vpop (erf)  }
0x28e: {  	v48 =	vpop (erf)  }
0x28f: {  	v12 =	vmul.f32 v48, v12;
	_ =	sdelay $0x1  }
0x290: {  	v16 =	vmul.f32 v12, v12  }
0x291: {  	v10 =	vadd.f32 $-1.000000000e+00, v10  }
0x292: {  	v49 =	vmul.f32 $4.000000060e-01, v16  }
0x293: {  	v10 =	vmul.f32 v47, v10  }
0x294: {  	v50 =	vadd.f32 $6.666666860e-01, v49  }
0x295: {  	v51 =	vmul.f32 v10, v10  }
0x296: {  	v14 =	vmul.f32 v50, v16  }
0x297: {  	v15 =	vshra.s32 v44, $0x17;
	v52 =	vmul.f32 $4.000000060e-01, v51  }
0x298: {  	v15 =	vcvt.s32.f32 v15;
	v14 =	vadd.f32 $2.000000000e+00, v14  }
0x299: {  	v16 =	vadd.f32 $6.666666860e-01, v52  }
0x29a: {  	v55 =	vmov s19;
	v15 =	vmul.f32 $6.931471820e-01, v15;
	v12 =	vmul.f32 v14, v12  }
0x29b: {  	v56 =	vshll.u32 v55, $0x7;
	v53 =	vperm.xlane v4, v11;
	v16 =	vmul.f32 v16, v51  }
0x29c: {  	v54 =	vperm.xlane v7, v11;
	v13 =	vshra.s32 v42, $0x17;
	v12 =	vadd.f32 v12, v15  }
0x29d: {  	v13 =	vcvt.s32.f32 v13;
	v16 =	vadd.f32 $2.000000000e+00, v16;
	v15 =	vor.u32 v3, v56  }
0x29e: {  	v57 =	vperm.xlane v5, v11;
	v58 =	vor.u32 $0x1, v15;
	v12 =	vadd.f32 v12, v54  }
0x29f: {  	v13 =	vmul.f32 $6.931471820e-01, v13;
	v10 =	vmul.f32 v16, v10;
	v59 =	vor.u32 $0x2, v15  }
0x2a0: {  	s16 =	sadd.s32 $0x8, s16;
	v60 =	vor.u32 $0x3, v15;
	v18 =	vsub.f32 v53, v12  }
0x2a1: {  	p0 =	slt.u32 s16, $0x18;
	v62 =	vor.u32 $0x4, v15;
	v10 =	vadd.f32 v10, v13;
	v61 =	vsub.f32 v57, v12  }
.Ltmp1:
0x2a2: {  	v11 =	vperm.xlane v6, v11;
	v63 =	vsub.f32 $0.0e+00, v12;
	[tilespmem:v15+s13+$0x0] =	vst.idx.msk $0xffff, v18;
	(pc) =	sbr.rel @p0 .LBB2_4-.Ltmp1, $4  }
0x2a3: {  	v10 =	vsub.f32 v10, v12;
	[tilespmem:v58+s13+$0x0] =	vst.idx.msk $0xffff, v61  }
0x2a4: {  	v11 =	vsub.f32 v11, v12;
	[tilespmem:v59+s13+$0x0] =	vst.idx.msk $0xffff, v63  }
0x2a5: {  	[tilespmem:v60+s13+$0x0] =	vst.idx.msk $0xffff, v10  }
0x2a6: {  	s19 =	sadd.s32 $0x80, s19;
	s18 =	sadd.s32 $0x80, s18;
	s17 =	sadd.s32 $0x80, s17;
	[tilespmem:v62+s13+$0x0] =	vst.idx.msk $0xffff, v11  }
0x2a7: {  	[hbm4b:s7+s3] =	stream.linear.scatter [tilespmem:s14], [sflag:$0x1], $0x8000, $0x38;
	[tilespmem:$0x10480] =	vst v63  }
0x2a8: {  	s15 =	sadd.s32 $0x1, s15  }
0x2a9: {  	_ =	swait.ge [sflag:s11], $0x8000;
	p0 =	sne.s32 s15, s8  }
.Ltmp2:
0x2aa: {  	[sflag:s11] =	ssyncset.done $0x0;
	(pc) =	sbr.rel @p0 .LBB2_1-.Ltmp2, $4  }
0x2ab: {  	[sflag:s11] =	ssyncadd.s32 $0xFFFF8000  }
0x2ac: {  	_ =	swait.ge [sflag:s12], $0x8000  }
0x2ad: {  	[sflag:s12] =	ssyncset.done $0x0  }
0x2ae: {  	[sflag:s12] =	ssyncadd.s32 $0xFFFF8000  }
0x2af: {  	_ =	sfence.sel $0x180000  }
0x2b0: {  	[bflag:$0x0] =	sbarrier.arrive $0xFFFF  }
0x2b1: {  	p0 =	sne.s32 s2, $0x0;
	_ =	strace $0x90000047  }
0x2b2: {  	s0 =	sadd.s32 @!p0 $0x100000, s0;
	[bflag:$0x2] =	sbarrier.arrive $0xFFFF  }
0x2b3: {  	[sflag:s0] =	ssyncadd.tile.s32 @!p0 $0x1;
	_ =	shalt  }
.Lfunc_end2:
_tile_overlayer_lowered:
.L_overlay_start_2:
0x2b4: {  	(tag) =	ssettag $0x2  }
0x2b5: {  	s0 =	rddreg [dreg:$0x0];
	s2 =	stileid.u32  }
0x2b6: {  	s1 =	rddreg [dreg:$0x1];
	p0 =	sne.s32 s2, $0x0  }
0x2b7: {  	s3 =	rddreg [dreg:$0x2];
	[bflag:$0x3] =	sbarrier.arrive $0xFFFF;
	s2 =	simm.s32 @!p0 $0x1C03  }
0x2b8: {  	[timem:s3], [sflag:s2] =	dma.local @!p0 [hbm:s0], s1  }
0x2b9: {  	s0 =	simm.s32 @!p0 $0x3  }
0x2ba: {  	_ =	swait.ge @!p0 [sflag:s0], s1  }
0x2bb: {  	s1 =	ssub.s32 @!p0 $0x0, s1;
	[sflag:s0] =	ssyncset.done @!p0 $0x0  }
0x2bc: {  	[sflag:s0] =	ssyncadd.s32 @!p0 s1  }
0x2bd: {  	[bflag:$0x3] =	sbarrier.arrive $0xFFFF  }
0x2be: {  	_ =	shalt  }

</sc_bundles>
